<compile_context>
chip_gen: v7x
topology: tpu7x:2x2x1
jax: 0.10.2.dev20260603
libtpu: 0.0.44.dev20260713+nightly
codegen_flags: <defaults>
</compile_context>

<pallas_src>
import functools

import jax
import jax.numpy as jnp
from jax import lax
from jax.experimental import pallas as pl
from jax.experimental.pallas import tpu as pltpu
from jax.experimental.pallas import tpu_sc as plsc

N = 10000
E = 320000
D_IN = 128
D_HID = 128
D_OUT = 64

NC = 2
NS = 16
NW = NC * NS
EPT = E // NW
CHUNK = 80
NCHUNKS = EPT // CHUNK
N_PAD = 10240
ROWS_PT = N_PAD // NS
WB = 128
NWB = ROWS_PT // WB

_mesh = plsc.VectorSubcoreMesh(core_axis_name="c", subcore_axis_name="s")


@functools.partial(
    pl.kernel,
    out_type=[
        jax.ShapeDtypeStruct((NC, N_PAD, 16), jnp.float32),
        jax.ShapeDtypeStruct((NC, N_PAD, 16), jnp.float32),
    ],
    mesh=_mesh,
    compiler_params=pltpu.CompilerParams(use_tc_tiling_on_sc=False),
    scratch_types=[
        pltpu.VMEM((CHUNK,), jnp.int32),
        pltpu.VMEM((CHUNK,), jnp.int32),
        pltpu.VMEM((CHUNK, 16), jnp.float32),
        pltpu.VMEM((WB, 16), jnp.float32),
        pltpu.VMEM_SHARED((N_PAD, 16), jnp.float32),
        pltpu.VMEM_SHARED((N_PAD, 16), jnp.float32),
    ],
)
def _deg_kernel(src_hbm, dst_hbm, zeros_hbm, ones_hbm,
                dego_hbm, degi_hbm,
                sidx, didx, ones_v, wb, acc_o, acc_i):
    c = lax.axis_index("c")
    s = lax.axis_index("s")
    wid = c * NS + s
    r0 = s * ROWS_PT
    pltpu.sync_copy(zeros_hbm, wb)
    for k in range(NWB):
        pltpu.sync_copy(wb, acc_o.at[pl.ds(r0 + k * WB, WB)])
        pltpu.sync_copy(wb, acc_i.at[pl.ds(r0 + k * WB, WB)])
    pltpu.sync_copy(ones_hbm, ones_v)
    plsc.subcore_barrier()
    ebase = wid * EPT

    def body(j, carry):
        b = ebase + j * CHUNK
        pltpu.sync_copy(src_hbm.at[pl.ds(b, CHUNK)], sidx)
        pltpu.sync_copy(dst_hbm.at[pl.ds(b, CHUNK)], didx)
        pltpu.sync_copy(ones_v, acc_o.at[sidx], add=True)
        pltpu.sync_copy(ones_v, acc_i.at[didx], add=True)
        return carry

    lax.fori_loop(0, NCHUNKS, body, 0)
    plsc.subcore_barrier()
    for k in range(NWB):
        rr = r0 + k * WB
        pltpu.sync_copy(acc_o.at[pl.ds(rr, WB)], wb)
        pltpu.sync_copy(wb, dego_hbm.at[c, pl.ds(rr, WB)])
        pltpu.sync_copy(acc_i.at[pl.ds(rr, WB)], wb)
        pltpu.sync_copy(wb, degi_hbm.at[c, pl.ds(rr, WB)])


def _make_prop(D):
    @functools.partial(
        pl.kernel,
        out_type=jax.ShapeDtypeStruct((NC, N_PAD, D), jnp.float32),
        mesh=_mesh,
        compiler_params=pltpu.CompilerParams(use_tc_tiling_on_sc=False),
        scratch_types=[
            pltpu.VMEM((CHUNK,), jnp.int32),
            pltpu.VMEM((CHUNK,), jnp.int32),
            pltpu.VMEM((CHUNK, D), jnp.float32),
            pltpu.VMEM((WB, D), jnp.float32),
            pltpu.VMEM_SHARED((N_PAD, D), jnp.float32),
            pltpu.SemaphoreType.DMA,
        ],
    )
    def _prop(m_hbm, src_hbm, dst_hbm, zeros_hbm, out_hbm,
              sidx, didx, rows, wb, acc, sem):
        c = lax.axis_index("c")
        s = lax.axis_index("s")
        wid = c * NS + s
        r0 = s * ROWS_PT
        pltpu.sync_copy(zeros_hbm, wb)
        for k in range(NWB):
            pltpu.sync_copy(wb, acc.at[pl.ds(r0 + k * WB, WB)])
        plsc.subcore_barrier()
        ebase = wid * EPT

        def body(j, carry):
            b = ebase + j * CHUNK
            pltpu.sync_copy(src_hbm.at[pl.ds(b, CHUNK)], sidx)
            pltpu.sync_copy(dst_hbm.at[pl.ds(b, CHUNK)], didx)
            pltpu.async_copy(m_hbm.at[sidx], rows, sem).wait()
            pltpu.sync_copy(rows, acc.at[didx], add=True)
            return carry

        lax.fori_loop(0, NCHUNKS, body, 0)
        plsc.subcore_barrier()
        for k in range(NWB):
            rr = r0 + k * WB
            pltpu.sync_copy(acc.at[pl.ds(rr, WB)], wb)
            pltpu.sync_copy(wb, out_hbm.at[c, pl.ds(rr, WB)])

    return _prop


_prop128 = _make_prop(128)
_prop64 = _make_prop(64)

_BLK = 2000
_GRID = N // _BLK


def _norm_col(deg_blk):
    d = deg_blk[0] + deg_blk[1]
    return lax.rsqrt(jnp.maximum(d, 1.0))[:, 0:1]


def _tc1_body(x_ref, w_ref, dego_ref, out_ref):
    nsrc = _norm_col(dego_ref[...])
    out_ref[...] = jnp.dot(x_ref[...], w_ref[...],
                           preferred_element_type=jnp.float32) * nsrc


def _tc1(x, W1, dego):
    return pl.pallas_call(
        _tc1_body,
        grid=(_GRID,),
        in_specs=[
            pl.BlockSpec((_BLK, D_IN), lambda i: (i, 0)),
            pl.BlockSpec((D_IN, D_HID), lambda i: (0, 0)),
            pl.BlockSpec((NC, _BLK, 16), lambda i: (0, i, 0)),
        ],
        out_specs=pl.BlockSpec((_BLK, D_HID), lambda i: (i, 0)),
        out_shape=jax.ShapeDtypeStruct((N, D_HID), jnp.float32),
    )(x, W1, dego)


def _tc2_body(p_ref, dego_ref, degi_ref, w_ref, b_ref, out_ref):
    nsrc = _norm_col(dego_ref[...])
    ndst = _norm_col(degi_ref[...])
    agg = (p_ref[0] + p_ref[1]) * ndst
    h = jnp.maximum(agg + b_ref[...], 0.0)
    out_ref[...] = jnp.dot(h, w_ref[...],
                           preferred_element_type=jnp.float32) * nsrc


def _tc2(p1, dego, degi, W2, b1):
    return pl.pallas_call(
        _tc2_body,
        grid=(_GRID,),
        in_specs=[
            pl.BlockSpec((NC, _BLK, D_HID), lambda i: (0, i, 0)),
            pl.BlockSpec((NC, _BLK, 16), lambda i: (0, i, 0)),
            pl.BlockSpec((NC, _BLK, 16), lambda i: (0, i, 0)),
            pl.BlockSpec((D_HID, D_OUT), lambda i: (0, 0)),
            pl.BlockSpec((1, D_HID), lambda i: (0, 0)),
        ],
        out_specs=pl.BlockSpec((_BLK, D_OUT), lambda i: (i, 0)),
        out_shape=jax.ShapeDtypeStruct((N, D_OUT), jnp.float32),
    )(p1, dego, degi, W2, b1)


def _tc3_body(p_ref, degi_ref, b_ref, out_ref):
    ndst = _norm_col(degi_ref[...])
    out_ref[...] = (p_ref[0] + p_ref[1]) * ndst + b_ref[...]


def _tc3(p2, degi, b2):
    return pl.pallas_call(
        _tc3_body,
        grid=(_GRID,),
        in_specs=[
            pl.BlockSpec((NC, _BLK, D_OUT), lambda i: (0, i, 0)),
            pl.BlockSpec((NC, _BLK, 16), lambda i: (0, i, 0)),
            pl.BlockSpec((1, D_OUT), lambda i: (0, 0)),
        ],
        out_specs=pl.BlockSpec((_BLK, D_OUT), lambda i: (i, 0)),
        out_shape=jax.ShapeDtypeStruct((N, D_OUT), jnp.float32),
    )(p2, degi, b2)


def kernel(features, edge_index, W1, b1, W2, b2):
    src = edge_index[0]
    dst = edge_index[1]
    zeros16 = jnp.zeros((WB, 16), jnp.float32)
    ones16 = jnp.ones((CHUNK, 16), jnp.float32)
    zeros128 = jnp.zeros((WB, D_HID), jnp.float32)
    zeros64 = jnp.zeros((WB, D_OUT), jnp.float32)

    dego, degi = _deg_kernel(src, dst, zeros16, ones16)
    m1 = _tc1(features, W1, dego)
    p1 = _prop128(m1, src, dst, zeros128)
    m2 = _tc2(p1, dego, degi, W2, b1.reshape(1, D_HID))
    p2 = _prop64(m2, src, dst, zeros64)
    return _tc3(p2, degi, b2.reshape(1, D_OUT))

# --- scband reference (transcript-rebuilt; emitter-appended) ---
"""Pipeline reference for scband-gcn-24352464569639 (READ-ONLY COPY).

The authoritative reference and input builder live on the scoring server;
editing this copy changes nothing except your own understanding.
"""

import jax, jax.numpy as jnp
import numpy as np

N = 10000
E = 320000
D_IN = 128
D_HID = 128
D_OUT = 64


def setup_inputs(seed: int = 0):
    key = jax.random.key(seed)
    k1, k2, k3, k4, k5, k6 = jax.random.split(key, 6)
    features = jax.random.normal(k1, (N, D_IN), dtype=jnp.float32)
    edge_index = jax.random.randint(k2, (2, E), 0, N, dtype=jnp.int32)
    W1 = jax.random.normal(k3, (D_IN, D_HID), dtype=jnp.float32) * (1.0 / np.sqrt(D_IN))
    b1 = jnp.zeros((D_HID,), dtype=jnp.float32)
    W2 = jax.random.normal(k4, (D_HID, D_OUT), dtype=jnp.float32) * (1.0 / np.sqrt(D_HID))
    b2 = jnp.zeros((D_OUT,), dtype=jnp.float32)
    return {"features": features, "edge_index": edge_index, "W1": W1, "b1": b1, "W2": W2, "b2": b2}


def _graph_conv(x, edge_index, W, b):
    # DGL GraphConv with norm='both':
    # h_i = ( sum_{(j->i) in E} x_j / sqrt(d_out(j) * d_in(i)) ) @ W + b
    src = edge_index[0]
    dst = edge_index[1]
    ones = jnp.ones((src.shape[0],), dtype=x.dtype)
    deg_out = jax.ops.segment_sum(ones, src, num_segments=N)
    deg_in = jax.ops.segment_sum(ones, dst, num_segments=N)
    norm_src = jax.lax.rsqrt(jnp.clip(deg_out, 1.0, None))
    norm_dst = jax.lax.rsqrt(jnp.clip(deg_in, 1.0, None))
    h = x * norm_src[:, None]
    msg = jnp.take(h, src, axis=0)
    agg = jax.ops.segment_sum(msg, dst, num_segments=N)
    agg = agg * norm_dst[:, None]
    return agg @ W + b


def reference(features, edge_index, W1, b1, W2, b2):
    h = _graph_conv(features, edge_index, W1, b1)
    h = jax.nn.relu(h)
    # dropout is identity at inference (eval mode)
    out = _graph_conv(h, edge_index, W2, b2)
    return out

if __name__ == "__main__":
    import jax
    _d = setup_inputs()
    print(jax.jit(kernel)(*tuple(_d.values())))

</pallas_src>

<mosaic_0001>
#map = affine_map<(d0, d1) -> (0, 0)>
#map1 = affine_map<(d0, d1) -> (0)>
#map2 = affine_map<(d0, d1) -> (0, 0, 0)>
module attributes {stable_mosaic.version = 14 : i64} {
  func.func @_prop(%arg0: i32, %arg1: i32, %arg2: memref<10000x64xf32, #tpu.memory_space<hbm>>, %arg3: memref<320000xi32, #tpu.memory_space<hbm>>, %arg4: memref<320000xi32, #tpu.memory_space<hbm>>, %arg5: memref<128x64xf32, #tpu.memory_space<hbm>>, %arg6: memref<2x10240x64xf32, #tpu.memory_space<hbm>>, %arg7: memref<80xi32, #tpu.memory_space<vmem>>, %arg8: memref<80xi32, #tpu.memory_space<vmem>>, %arg9: memref<80x64xf32, #tpu.memory_space<vmem>>, %arg10: memref<128x64xf32, #tpu.memory_space<vmem>>, %arg11: memref<10240x64xf32, #tpu.memory_space<vmem_shared>>, %arg12: memref<!tpu.dma_semaphore, #tpu.memory_space<semaphore_mem>>) attributes {dimension_semantics = [#tpu.dimension_semantics<core_parallel>, #tpu.dimension_semantics<subcore_parallel>], iteration_bounds = array<i64: 2, 16>, scalar_prefetch = 0 : i64, scratch_operands = 6 : i64, tpu.core_type = #tpu.core_type<sc_vector_subcore>, window_params = [{transform_indices = #map}, {transform_indices = #map1}, {transform_indices = #map1}, {transform_indices = #map}, {transform_indices = #map2}]} {
    %mul3A = arith.constant 16 : i32
    %mul3A_0 = arith.muli %arg0, %mul3A : i32
    %add3A = arith.addi %mul3A_0, %arg1 : i32
    %mul3A_1 = arith.constant 640 : i32
    %mul3A_2 = arith.muli %arg1, %mul3A_1 : i32
    "tpu.region"() ({
      %run_scoped3A = tpu.sem_alloc : memref<!tpu.dma_semaphore, #tpu.memory_space<semaphore_mem>>
      tpu.enqueue_dma source(%arg5 : memref<128x64xf32, #tpu.memory_space<hbm>>) target(%arg10 : memref<128x64xf32, #tpu.memory_space<vmem>>) target_semaphore(%run_scoped3A : memref<!tpu.dma_semaphore, #tpu.memory_space<semaphore_mem>>)
      tpu.wait_dma2 semaphore(%run_scoped3A : memref<!tpu.dma_semaphore, #tpu.memory_space<semaphore_mem>>) src(%arg5 : memref<128x64xf32, #tpu.memory_space<hbm>>) dst(%arg10 : memref<128x64xf32, #tpu.memory_space<vmem>>)
      tpu.yield
    }) : () -> ()
    %add3A_3 = arith.constant 0 : i32
    %add3A_4 = arith.addi %mul3A_2, %add3A_3 : i32
    "tpu.region"() ({
      %run_scoped3A = tpu.sem_alloc : memref<!tpu.dma_semaphore, #tpu.memory_space<semaphore_mem>>
      %dma_start3A = arith.constant 0 : i32
      %dma_start3A_31 = tpu.memref_slice %arg11[%add3A_4, %dma_start3A] : memref<10240x64xf32, #tpu.memory_space<vmem_shared>> -> memref<128x64xf32, #tpu.memory_space<vmem_shared>>
      %dma_start3A_32 = arith.constant 0 : i32
      %dma_start3A_33 = tpu.memref_slice %arg11[%add3A_4, %dma_start3A_32] : memref<10240x64xf32, #tpu.memory_space<vmem_shared>> -> memref<128x64xf32, #tpu.memory_space<vmem_shared>>
      tpu.enqueue_dma source(%arg10 : memref<128x64xf32, #tpu.memory_space<vmem>>) target(%dma_start3A_33 : memref<128x64xf32, #tpu.memory_space<vmem_shared>>) target_semaphore(%run_scoped3A : memref<!tpu.dma_semaphore, #tpu.memory_space<semaphore_mem>>)
      %dma_wait3A = arith.constant 0 : i32
      %dma_wait3A_34 = tpu.memref_slice %arg11[%add3A_4, %dma_wait3A] : memref<10240x64xf32, #tpu.memory_space<vmem_shared>> -> memref<128x64xf32, #tpu.memory_space<vmem_shared>>
      %dma_wait3A_35 = arith.constant 0 : i32
      %dma_wait3A_36 = tpu.memref_slice %arg11[%add3A_4, %dma_wait3A_35] : memref<10240x64xf32, #tpu.memory_space<vmem_shared>> -> memref<128x64xf32, #tpu.memory_space<vmem_shared>>
      tpu.wait_dma2 semaphore(%run_scoped3A : memref<!tpu.dma_semaphore, #tpu.memory_space<semaphore_mem>>) src(%arg10 : memref<128x64xf32, #tpu.memory_space<vmem>>) dst(%dma_wait3A_36 : memref<128x64xf32, #tpu.memory_space<vmem_shared>>)
      tpu.yield
    }) : () -> ()
    %add3A_5 = arith.constant 128 : i32
    %add3A_6 = arith.addi %mul3A_2, %add3A_5 : i32
    "tpu.region"() ({
      %run_scoped3A = tpu.sem_alloc : memref<!tpu.dma_semaphore, #tpu.memory_space<semaphore_mem>>
      %dma_start3A = arith.constant 0 : i32
      %dma_start3A_31 = tpu.memref_slice %arg11[%add3A_6, %dma_start3A] : memref<10240x64xf32, #tpu.memory_space<vmem_shared>> -> memref<128x64xf32, #tpu.memory_space<vmem_shared>>
      %dma_start3A_32 = arith.constant 0 : i32
      %dma_start3A_33 = tpu.memref_slice %arg11[%add3A_6, %dma_start3A_32] : memref<10240x64xf32, #tpu.memory_space<vmem_shared>> -> memref<128x64xf32, #tpu.memory_space<vmem_shared>>
      tpu.enqueue_dma source(%arg10 : memref<128x64xf32, #tpu.memory_space<vmem>>) target(%dma_start3A_33 : memref<128x64xf32, #tpu.memory_space<vmem_shared>>) target_semaphore(%run_scoped3A : memref<!tpu.dma_semaphore, #tpu.memory_space<semaphore_mem>>)
      %dma_wait3A = arith.constant 0 : i32
      %dma_wait3A_34 = tpu.memref_slice %arg11[%add3A_6, %dma_wait3A] : memref<10240x64xf32, #tpu.memory_space<vmem_shared>> -> memref<128x64xf32, #tpu.memory_space<vmem_shared>>
      %dma_wait3A_35 = arith.constant 0 : i32
      %dma_wait3A_36 = tpu.memref_slice %arg11[%add3A_6, %dma_wait3A_35] : memref<10240x64xf32, #tpu.memory_space<vmem_shared>> -> memref<128x64xf32, #tpu.memory_space<vmem_shared>>
      tpu.wait_dma2 semaphore(%run_scoped3A : memref<!tpu.dma_semaphore, #tpu.memory_space<semaphore_mem>>) src(%arg10 : memref<128x64xf32, #tpu.memory_space<vmem>>) dst(%dma_wait3A_36 : memref<128x64xf32, #tpu.memory_space<vmem_shared>>)
      tpu.yield
    }) : () -> ()
    %add3A_7 = arith.constant 256 : i32
    %add3A_8 = arith.addi %mul3A_2, %add3A_7 : i32
    "tpu.region"() ({
      %run_scoped3A = tpu.sem_alloc : memref<!tpu.dma_semaphore, #tpu.memory_space<semaphore_mem>>
      %dma_start3A = arith.constant 0 : i32
      %dma_start3A_31 = tpu.memref_slice %arg11[%add3A_8, %dma_start3A] : memref<10240x64xf32, #tpu.memory_space<vmem_shared>> -> memref<128x64xf32, #tpu.memory_space<vmem_shared>>
      %dma_start3A_32 = arith.constant 0 : i32
      %dma_start3A_33 = tpu.memref_slice %arg11[%add3A_8, %dma_start3A_32] : memref<10240x64xf32, #tpu.memory_space<vmem_shared>> -> memref<128x64xf32, #tpu.memory_space<vmem_shared>>
      tpu.enqueue_dma source(%arg10 : memref<128x64xf32, #tpu.memory_space<vmem>>) target(%dma_start3A_33 : memref<128x64xf32, #tpu.memory_space<vmem_shared>>) target_semaphore(%run_scoped3A : memref<!tpu.dma_semaphore, #tpu.memory_space<semaphore_mem>>)
      %dma_wait3A = arith.constant 0 : i32
      %dma_wait3A_34 = tpu.memref_slice %arg11[%add3A_8, %dma_wait3A] : memref<10240x64xf32, #tpu.memory_space<vmem_shared>> -> memref<128x64xf32, #tpu.memory_space<vmem_shared>>
      %dma_wait3A_35 = arith.constant 0 : i32
      %dma_wait3A_36 = tpu.memref_slice %arg11[%add3A_8, %dma_wait3A_35] : memref<10240x64xf32, #tpu.memory_space<vmem_shared>> -> memref<128x64xf32, #tpu.memory_space<vmem_shared>>
      tpu.wait_dma2 semaphore(%run_scoped3A : memref<!tpu.dma_semaphore, #tpu.memory_space<semaphore_mem>>) src(%arg10 : memref<128x64xf32, #tpu.memory_space<vmem>>) dst(%dma_wait3A_36 : memref<128x64xf32, #tpu.memory_space<vmem_shared>>)
      tpu.yield
    }) : () -> ()
    %add3A_9 = arith.constant 384 : i32
    %add3A_10 = arith.addi %mul3A_2, %add3A_9 : i32
    "tpu.region"() ({
      %run_scoped3A = tpu.sem_alloc : memref<!tpu.dma_semaphore, #tpu.memory_space<semaphore_mem>>
      %dma_start3A = arith.constant 0 : i32
      %dma_start3A_31 = tpu.memref_slice %arg11[%add3A_10, %dma_start3A] : memref<10240x64xf32, #tpu.memory_space<vmem_shared>> -> memref<128x64xf32, #tpu.memory_space<vmem_shared>>
      %dma_start3A_32 = arith.constant 0 : i32
      %dma_start3A_33 = tpu.memref_slice %arg11[%add3A_10, %dma_start3A_32] : memref<10240x64xf32, #tpu.memory_space<vmem_shared>> -> memref<128x64xf32, #tpu.memory_space<vmem_shared>>
      tpu.enqueue_dma source(%arg10 : memref<128x64xf32, #tpu.memory_space<vmem>>) target(%dma_start3A_33 : memref<128x64xf32, #tpu.memory_space<vmem_shared>>) target_semaphore(%run_scoped3A : memref<!tpu.dma_semaphore, #tpu.memory_space<semaphore_mem>>)
      %dma_wait3A = arith.constant 0 : i32
      %dma_wait3A_34 = tpu.memref_slice %arg11[%add3A_10, %dma_wait3A] : memref<10240x64xf32, #tpu.memory_space<vmem_shared>> -> memref<128x64xf32, #tpu.memory_space<vmem_shared>>
      %dma_wait3A_35 = arith.constant 0 : i32
      %dma_wait3A_36 = tpu.memref_slice %arg11[%add3A_10, %dma_wait3A_35] : memref<10240x64xf32, #tpu.memory_space<vmem_shared>> -> memref<128x64xf32, #tpu.memory_space<vmem_shared>>
      tpu.wait_dma2 semaphore(%run_scoped3A : memref<!tpu.dma_semaphore, #tpu.memory_space<semaphore_mem>>) src(%arg10 : memref<128x64xf32, #tpu.memory_space<vmem>>) dst(%dma_wait3A_36 : memref<128x64xf32, #tpu.memory_space<vmem_shared>>)
      tpu.yield
    }) : () -> ()
    %add3A_11 = arith.constant 512 : i32
    %add3A_12 = arith.addi %mul3A_2, %add3A_11 : i32
    "tpu.region"() ({
      %run_scoped3A = tpu.sem_alloc : memref<!tpu.dma_semaphore, #tpu.memory_space<semaphore_mem>>
      %dma_start3A = arith.constant 0 : i32
      %dma_start3A_31 = tpu.memref_slice %arg11[%add3A_12, %dma_start3A] : memref<10240x64xf32, #tpu.memory_space<vmem_shared>> -> memref<128x64xf32, #tpu.memory_space<vmem_shared>>
      %dma_start3A_32 = arith.constant 0 : i32
      %dma_start3A_33 = tpu.memref_slice %arg11[%add3A_12, %dma_start3A_32] : memref<10240x64xf32, #tpu.memory_space<vmem_shared>> -> memref<128x64xf32, #tpu.memory_space<vmem_shared>>
      tpu.enqueue_dma source(%arg10 : memref<128x64xf32, #tpu.memory_space<vmem>>) target(%dma_start3A_33 : memref<128x64xf32, #tpu.memory_space<vmem_shared>>) target_semaphore(%run_scoped3A : memref<!tpu.dma_semaphore, #tpu.memory_space<semaphore_mem>>)
      %dma_wait3A = arith.constant 0 : i32
      %dma_wait3A_34 = tpu.memref_slice %arg11[%add3A_12, %dma_wait3A] : memref<10240x64xf32, #tpu.memory_space<vmem_shared>> -> memref<128x64xf32, #tpu.memory_space<vmem_shared>>
      %dma_wait3A_35 = arith.constant 0 : i32
      %dma_wait3A_36 = tpu.memref_slice %arg11[%add3A_12, %dma_wait3A_35] : memref<10240x64xf32, #tpu.memory_space<vmem_shared>> -> memref<128x64xf32, #tpu.memory_space<vmem_shared>>
      tpu.wait_dma2 semaphore(%run_scoped3A : memref<!tpu.dma_semaphore, #tpu.memory_space<semaphore_mem>>) src(%arg10 : memref<128x64xf32, #tpu.memory_space<vmem>>) dst(%dma_wait3A_36 : memref<128x64xf32, #tpu.memory_space<vmem_shared>>)
      tpu.yield
    }) : () -> ()
    %barrier3A = arith.constant 0 : index
    tpu.barrier barrier_id(%barrier3A)
    %mul3A_13 = arith.constant 10000 : i32
    %mul3A_14 = arith.muli %add3A, %mul3A_13 : i32
    %scan3A = arith.constant 0 : i32
    %scan3A_15 = arith.constant 0 : i32
    %scan3A_16 = arith.constant 125 : i32
    %scan3A_17 = arith.addi %scan3A_15, %scan3A_16 : i32
    %scan3A_18 = arith.constant 1 : i32
    scf.for %scan3A_31 = %scan3A_15 to %scan3A_17 step %scan3A_18  : i32 {
      %mul3A_32 = arith.constant 80 : i32
      %mul3A_33 = arith.muli %scan3A_31, %mul3A_32 : i32
      %add3A_34 = arith.addi %mul3A_14, %mul3A_33 : i32
      "tpu.region"() ({
        %run_scoped3A = tpu.sem_alloc : memref<!tpu.dma_semaphore, #tpu.memory_space<semaphore_mem>>
        %dma_start3A_39 = tpu.memref_slice %arg3[%add3A_34] : memref<320000xi32, #tpu.memory_space<hbm>> -> memref<80xi32, #tpu.memory_space<hbm>>
        %dma_start3A_40 = tpu.memref_slice %arg3[%add3A_34] : memref<320000xi32, #tpu.memory_space<hbm>> -> memref<80xi32, #tpu.memory_space<hbm>>
        tpu.enqueue_dma source(%dma_start3A_40 : memref<80xi32, #tpu.memory_space<hbm>>) target(%arg7 : memref<80xi32, #tpu.memory_space<vmem>>) target_semaphore(%run_scoped3A : memref<!tpu.dma_semaphore, #tpu.memory_space<semaphore_mem>>)
        %dma_wait3A_41 = tpu.memref_slice %arg3[%add3A_34] : memref<320000xi32, #tpu.memory_space<hbm>> -> memref<80xi32, #tpu.memory_space<hbm>>
        %dma_wait3A_42 = tpu.memref_slice %arg3[%add3A_34] : memref<320000xi32, #tpu.memory_space<hbm>> -> memref<80xi32, #tpu.memory_space<hbm>>
        tpu.wait_dma2 semaphore(%run_scoped3A : memref<!tpu.dma_semaphore, #tpu.memory_space<semaphore_mem>>) src(%dma_wait3A_42 : memref<80xi32, #tpu.memory_space<hbm>>) dst(%arg7 : memref<80xi32, #tpu.memory_space<vmem>>)
        tpu.yield
      }) : () -> ()
      "tpu.region"() ({
        %run_scoped3A = tpu.sem_alloc : memref<!tpu.dma_semaphore, #tpu.memory_space<semaphore_mem>>
        %dma_start3A_39 = tpu.memref_slice %arg4[%add3A_34] : memref<320000xi32, #tpu.memory_space<hbm>> -> memref<80xi32, #tpu.memory_space<hbm>>
        %dma_start3A_40 = tpu.memref_slice %arg4[%add3A_34] : memref<320000xi32, #tpu.memory_space<hbm>> -> memref<80xi32, #tpu.memory_space<hbm>>
        tpu.enqueue_dma source(%dma_start3A_40 : memref<80xi32, #tpu.memory_space<hbm>>) target(%arg8 : memref<80xi32, #tpu.memory_space<vmem>>) target_semaphore(%run_scoped3A : memref<!tpu.dma_semaphore, #tpu.memory_space<semaphore_mem>>)
        %dma_wait3A_41 = tpu.memref_slice %arg4[%add3A_34] : memref<320000xi32, #tpu.memory_space<hbm>> -> memref<80xi32, #tpu.memory_space<hbm>>
        %dma_wait3A_42 = tpu.memref_slice %arg4[%add3A_34] : memref<320000xi32, #tpu.memory_space<hbm>> -> memref<80xi32, #tpu.memory_space<hbm>>
        tpu.wait_dma2 semaphore(%run_scoped3A : memref<!tpu.dma_semaphore, #tpu.memory_space<semaphore_mem>>) src(%dma_wait3A_42 : memref<80xi32, #tpu.memory_space<hbm>>) dst(%arg8 : memref<80xi32, #tpu.memory_space<vmem>>)
        tpu.yield
      }) : () -> ()
      %dma_start3A = arith.constant 0 : i32
      %dma_start3A_35 = arith.constant 0 : i32
      %dma_start3A_36 = tpu.memref_slice %arg2[%dma_start3A, %dma_start3A_35] : memref<10000x64xf32, #tpu.memory_space<hbm>> -> memref<10000x64xf32, #tpu.memory_space<hbm>>
      tpu.enqueue_indirect_dma source(%dma_start3A_36 : memref<10000x64xf32, #tpu.memory_space<hbm>>) target(%arg9 : memref<80x64xf32, #tpu.memory_space<vmem>>) offsets(%arg7 : memref<80xi32, #tpu.memory_space<vmem>>) semaphore(%arg12 : memref<!tpu.dma_semaphore, #tpu.memory_space<semaphore_mem>>)
      %dma_wait3A = arith.constant 0 : i32
      %dma_wait3A_37 = arith.constant 0 : i32
      %dma_wait3A_38 = tpu.memref_slice %arg2[%dma_wait3A, %dma_wait3A_37] : memref<10000x64xf32, #tpu.memory_space<hbm>> -> memref<10000x64xf32, #tpu.memory_space<hbm>>
      tpu.wait_indirect_dma semaphore(%arg12 : memref<!tpu.dma_semaphore, #tpu.memory_space<semaphore_mem>>) src(%dma_wait3A_38 : memref<10000x64xf32, #tpu.memory_space<hbm>>) dst(%arg9 : memref<80x64xf32, #tpu.memory_space<vmem>>)
      "tpu.region"() ({
        %run_scoped3A = tpu.sem_alloc : memref<!tpu.dma_semaphore, #tpu.memory_space<semaphore_mem>>
        %dma_start3A_39 = arith.constant 0 : i32
        %dma_start3A_40 = arith.constant 0 : i32
        %dma_start3A_41 = tpu.memref_slice %arg11[%dma_start3A_39, %dma_start3A_40] : memref<10240x64xf32, #tpu.memory_space<vmem_shared>> -> memref<10240x64xf32, #tpu.memory_space<vmem_shared>>
        tpu.enqueue_indirect_dma source(%arg9 : memref<80x64xf32, #tpu.memory_space<vmem>>) target(%dma_start3A_41 : memref<10240x64xf32, #tpu.memory_space<vmem_shared>>) offsets(%arg8 : memref<80xi32, #tpu.memory_space<vmem>>) semaphore(%run_scoped3A : memref<!tpu.dma_semaphore, #tpu.memory_space<semaphore_mem>>) {add = true}
        %dma_wait3A_42 = arith.constant 0 : i32
        %dma_wait3A_43 = arith.constant 0 : i32
        %dma_wait3A_44 = tpu.memref_slice %arg11[%dma_wait3A_42, %dma_wait3A_43] : memref<10240x64xf32, #tpu.memory_space<vmem_shared>> -> memref<10240x64xf32, #tpu.memory_space<vmem_shared>>
        tpu.wait_indirect_dma semaphore(%run_scoped3A : memref<!tpu.dma_semaphore, #tpu.memory_space<semaphore_mem>>) src(%arg9 : memref<80x64xf32, #tpu.memory_space<vmem>>) dst(%dma_wait3A_44 : memref<10240x64xf32, #tpu.memory_space<vmem_shared>>)
        tpu.yield
      }) : () -> ()
    }
    %scan3A_19 = arith.constant 125 : i32
    %barrier3A_20 = arith.constant 0 : index
    tpu.barrier barrier_id(%barrier3A_20)
    %add3A_21 = arith.constant 0 : i32
    %add3A_22 = arith.addi %mul3A_2, %add3A_21 : i32
    "tpu.region"() ({
      %run_scoped3A = tpu.sem_alloc : memref<!tpu.dma_semaphore, #tpu.memory_space<semaphore_mem>>
      %dma_start3A = arith.constant 0 : i32
      %dma_start3A_31 = tpu.memref_slice %arg11[%add3A_22, %dma_start3A] : memref<10240x64xf32, #tpu.memory_space<vmem_shared>> -> memref<128x64xf32, #tpu.memory_space<vmem_shared>>
      %dma_start3A_32 = arith.constant 0 : i32
      %dma_start3A_33 = tpu.memref_slice %arg11[%add3A_22, %dma_start3A_32] : memref<10240x64xf32, #tpu.memory_space<vmem_shared>> -> memref<128x64xf32, #tpu.memory_space<vmem_shared>>
      tpu.enqueue_dma source(%dma_start3A_33 : memref<128x64xf32, #tpu.memory_space<vmem_shared>>) target(%arg10 : memref<128x64xf32, #tpu.memory_space<vmem>>) target_semaphore(%run_scoped3A : memref<!tpu.dma_semaphore, #tpu.memory_space<semaphore_mem>>)
      %dma_wait3A = arith.constant 0 : i32
      %dma_wait3A_34 = tpu.memref_slice %arg11[%add3A_22, %dma_wait3A] : memref<10240x64xf32, #tpu.memory_space<vmem_shared>> -> memref<128x64xf32, #tpu.memory_space<vmem_shared>>
      %dma_wait3A_35 = arith.constant 0 : i32
      %dma_wait3A_36 = tpu.memref_slice %arg11[%add3A_22, %dma_wait3A_35] : memref<10240x64xf32, #tpu.memory_space<vmem_shared>> -> memref<128x64xf32, #tpu.memory_space<vmem_shared>>
      tpu.wait_dma2 semaphore(%run_scoped3A : memref<!tpu.dma_semaphore, #tpu.memory_space<semaphore_mem>>) src(%dma_wait3A_36 : memref<128x64xf32, #tpu.memory_space<vmem_shared>>) dst(%arg10 : memref<128x64xf32, #tpu.memory_space<vmem>>)
      tpu.yield
    }) : () -> ()
    "tpu.region"() ({
      %run_scoped3A = tpu.sem_alloc : memref<!tpu.dma_semaphore, #tpu.memory_space<semaphore_mem>>
      %dma_start3A = arith.constant 0 : i32
      %dma_start3A_31 = tpu.memref_slice %arg6[%arg0, %add3A_22, %dma_start3A] : memref<2x10240x64xf32, #tpu.memory_space<hbm>> -> memref<1x128x64xf32, #tpu.memory_space<hbm>>
      %dma_start3A_32 = tpu.memref_squeeze %dma_start3A_31 : memref<1x128x64xf32, #tpu.memory_space<hbm>> -> memref<128x64xf32, #tpu.memory_space<hbm>>
      %dma_start3A_33 = arith.constant 0 : i32
      %dma_start3A_34 = tpu.memref_slice %arg6[%arg0, %add3A_22, %dma_start3A_33] : memref<2x10240x64xf32, #tpu.memory_space<hbm>> -> memref<1x128x64xf32, #tpu.memory_space<hbm>>
      %dma_start3A_35 = tpu.memref_squeeze %dma_start3A_34 : memref<1x128x64xf32, #tpu.memory_space<hbm>> -> memref<128x64xf32, #tpu.memory_space<hbm>>
      tpu.enqueue_dma source(%arg10 : memref<128x64xf32, #tpu.memory_space<vmem>>) target(%dma_start3A_35 : memref<128x64xf32, #tpu.memory_space<hbm>>) target_semaphore(%run_scoped3A : memref<!tpu.dma_semaphore, #tpu.memory_space<semaphore_mem>>)
      %dma_wait3A = arith.constant 0 : i32
      %dma_wait3A_36 = tpu.memref_slice %arg6[%arg0, %add3A_22, %dma_wait3A] : memref<2x10240x64xf32, #tpu.memory_space<hbm>> -> memref<1x128x64xf32, #tpu.memory_space<hbm>>
      %dma_wait3A_37 = tpu.memref_squeeze %dma_wait3A_36 : memref<1x128x64xf32, #tpu.memory_space<hbm>> -> memref<128x64xf32, #tpu.memory_space<hbm>>
      %dma_wait3A_38 = arith.constant 0 : i32
      %dma_wait3A_39 = tpu.memref_slice %arg6[%arg0, %add3A_22, %dma_wait3A_38] : memref<2x10240x64xf32, #tpu.memory_space<hbm>> -> memref<1x128x64xf32, #tpu.memory_space<hbm>>
      %dma_wait3A_40 = tpu.memref_squeeze %dma_wait3A_39 : memref<1x128x64xf32, #tpu.memory_space<hbm>> -> memref<128x64xf32, #tpu.memory_space<hbm>>
      tpu.wait_dma2 semaphore(%run_scoped3A : memref<!tpu.dma_semaphore, #tpu.memory_space<semaphore_mem>>) src(%arg10 : memref<128x64xf32, #tpu.memory_space<vmem>>) dst(%dma_wait3A_40 : memref<128x64xf32, #tpu.memory_space<hbm>>)
      tpu.yield
    }) : () -> ()
    %add3A_23 = arith.constant 128 : i32
    %add3A_24 = arith.addi %mul3A_2, %add3A_23 : i32
    "tpu.region"() ({
      %run_scoped3A = tpu.sem_alloc : memref<!tpu.dma_semaphore, #tpu.memory_space<semaphore_mem>>
      %dma_start3A = arith.constant 0 : i32
      %dma_start3A_31 = tpu.memref_slice %arg11[%add3A_24, %dma_start3A] : memref<10240x64xf32, #tpu.memory_space<vmem_shared>> -> memref<128x64xf32, #tpu.memory_space<vmem_shared>>
      %dma_start3A_32 = arith.constant 0 : i32
      %dma_start3A_33 = tpu.memref_slice %arg11[%add3A_24, %dma_start3A_32] : memref<10240x64xf32, #tpu.memory_space<vmem_shared>> -> memref<128x64xf32, #tpu.memory_space<vmem_shared>>
      tpu.enqueue_dma source(%dma_start3A_33 : memref<128x64xf32, #tpu.memory_space<vmem_shared>>) target(%arg10 : memref<128x64xf32, #tpu.memory_space<vmem>>) target_semaphore(%run_scoped3A : memref<!tpu.dma_semaphore, #tpu.memory_space<semaphore_mem>>)
      %dma_wait3A = arith.constant 0 : i32
      %dma_wait3A_34 = tpu.memref_slice %arg11[%add3A_24, %dma_wait3A] : memref<10240x64xf32, #tpu.memory_space<vmem_shared>> -> memref<128x64xf32, #tpu.memory_space<vmem_shared>>
      %dma_wait3A_35 = arith.constant 0 : i32
      %dma_wait3A_36 = tpu.memref_slice %arg11[%add3A_24, %dma_wait3A_35] : memref<10240x64xf32, #tpu.memory_space<vmem_shared>> -> memref<128x64xf32, #tpu.memory_space<vmem_shared>>
      tpu.wait_dma2 semaphore(%run_scoped3A : memref<!tpu.dma_semaphore, #tpu.memory_space<semaphore_mem>>) src(%dma_wait3A_36 : memref<128x64xf32, #tpu.memory_space<vmem_shared>>) dst(%arg10 : memref<128x64xf32, #tpu.memory_space<vmem>>)
      tpu.yield
    }) : () -> ()
    "tpu.region"() ({
      %run_scoped3A = tpu.sem_alloc : memref<!tpu.dma_semaphore, #tpu.memory_space<semaphore_mem>>
      %dma_start3A = arith.constant 0 : i32
      %dma_start3A_31 = tpu.memref_slice %arg6[%arg0, %add3A_24, %dma_start3A] : memref<2x10240x64xf32, #tpu.memory_space<hbm>> -> memref<1x128x64xf32, #tpu.memory_space<hbm>>
      %dma_start3A_32 = tpu.memref_squeeze %dma_start3A_31 : memref<1x128x64xf32, #tpu.memory_space<hbm>> -> memref<128x64xf32, #tpu.memory_space<hbm>>
      %dma_start3A_33 = arith.constant 0 : i32
      %dma_start3A_34 = tpu.memref_slice %arg6[%arg0, %add3A_24, %dma_start3A_33] : memref<2x10240x64xf32, #tpu.memory_space<hbm>> -> memref<1x128x64xf32, #tpu.memory_space<hbm>>
      %dma_start3A_35 = tpu.memref_squeeze %dma_start3A_34 : memref<1x128x64xf32, #tpu.memory_space<hbm>> -> memref<128x64xf32, #tpu.memory_space<hbm>>
      tpu.enqueue_dma source(%arg10 : memref<128x64xf32, #tpu.memory_space<vmem>>) target(%dma_start3A_35 : memref<128x64xf32, #tpu.memory_space<hbm>>) target_semaphore(%run_scoped3A : memref<!tpu.dma_semaphore, #tpu.memory_space<semaphore_mem>>)
      %dma_wait3A = arith.constant 0 : i32
      %dma_wait3A_36 = tpu.memref_slice %arg6[%arg0, %add3A_24, %dma_wait3A] : memref<2x10240x64xf32, #tpu.memory_space<hbm>> -> memref<1x128x64xf32, #tpu.memory_space<hbm>>
      %dma_wait3A_37 = tpu.memref_squeeze %dma_wait3A_36 : memref<1x128x64xf32, #tpu.memory_space<hbm>> -> memref<128x64xf32, #tpu.memory_space<hbm>>
      %dma_wait3A_38 = arith.constant 0 : i32
      %dma_wait3A_39 = tpu.memref_slice %arg6[%arg0, %add3A_24, %dma_wait3A_38] : memref<2x10240x64xf32, #tpu.memory_space<hbm>> -> memref<1x128x64xf32, #tpu.memory_space<hbm>>
      %dma_wait3A_40 = tpu.memref_squeeze %dma_wait3A_39 : memref<1x128x64xf32, #tpu.memory_space<hbm>> -> memref<128x64xf32, #tpu.memory_space<hbm>>
      tpu.wait_dma2 semaphore(%run_scoped3A : memref<!tpu.dma_semaphore, #tpu.memory_space<semaphore_mem>>) src(%arg10 : memref<128x64xf32, #tpu.memory_space<vmem>>) dst(%dma_wait3A_40 : memref<128x64xf32, #tpu.memory_space<hbm>>)
      tpu.yield
    }) : () -> ()
    %add3A_25 = arith.constant 256 : i32
    %add3A_26 = arith.addi %mul3A_2, %add3A_25 : i32
    "tpu.region"() ({
      %run_scoped3A = tpu.sem_alloc : memref<!tpu.dma_semaphore, #tpu.memory_space<semaphore_mem>>
      %dma_start3A = arith.constant 0 : i32
      %dma_start3A_31 = tpu.memref_slice %arg11[%add3A_26, %dma_start3A] : memref<10240x64xf32, #tpu.memory_space<vmem_shared>> -> memref<128x64xf32, #tpu.memory_space<vmem_shared>>
      %dma_start3A_32 = arith.constant 0 : i32
      %dma_start3A_33 = tpu.memref_slice %arg11[%add3A_26, %dma_start3A_32] : memref<10240x64xf32, #tpu.memory_space<vmem_shared>> -> memref<128x64xf32, #tpu.memory_space<vmem_shared>>
      tpu.enqueue_dma source(%dma_start3A_33 : memref<128x64xf32, #tpu.memory_space<vmem_shared>>) target(%arg10 : memref<128x64xf32, #tpu.memory_space<vmem>>) target_semaphore(%run_scoped3A : memref<!tpu.dma_semaphore, #tpu.memory_space<semaphore_mem>>)
      %dma_wait3A = arith.constant 0 : i32
      %dma_wait3A_34 = tpu.memref_slice %arg11[%add3A_26, %dma_wait3A] : memref<10240x64xf32, #tpu.memory_space<vmem_shared>> -> memref<128x64xf32, #tpu.memory_space<vmem_shared>>
      %dma_wait3A_35 = arith.constant 0 : i32
      %dma_wait3A_36 = tpu.memref_slice %arg11[%add3A_26, %dma_wait3A_35] : memref<10240x64xf32, #tpu.memory_space<vmem_shared>> -> memref<128x64xf32, #tpu.memory_space<vmem_shared>>
      tpu.wait_dma2 semaphore(%run_scoped3A : memref<!tpu.dma_semaphore, #tpu.memory_space<semaphore_mem>>) src(%dma_wait3A_36 : memref<128x64xf32, #tpu.memory_space<vmem_shared>>) dst(%arg10 : memref<128x64xf32, #tpu.memory_space<vmem>>)
      tpu.yield
    }) : () -> ()
    "tpu.region"() ({
      %run_scoped3A = tpu.sem_alloc : memref<!tpu.dma_semaphore, #tpu.memory_space<semaphore_mem>>
      %dma_start3A = arith.constant 0 : i32
      %dma_start3A_31 = tpu.memref_slice %arg6[%arg0, %add3A_26, %dma_start3A] : memref<2x10240x64xf32, #tpu.memory_space<hbm>> -> memref<1x128x64xf32, #tpu.memory_space<hbm>>
      %dma_start3A_32 = tpu.memref_squeeze %dma_start3A_31 : memref<1x128x64xf32, #tpu.memory_space<hbm>> -> memref<128x64xf32, #tpu.memory_space<hbm>>
      %dma_start3A_33 = arith.constant 0 : i32
      %dma_start3A_34 = tpu.memref_slice %arg6[%arg0, %add3A_26, %dma_start3A_33] : memref<2x10240x64xf32, #tpu.memory_space<hbm>> -> memref<1x128x64xf32, #tpu.memory_space<hbm>>
      %dma_start3A_35 = tpu.memref_squeeze %dma_start3A_34 : memref<1x128x64xf32, #tpu.memory_space<hbm>> -> memref<128x64xf32, #tpu.memory_space<hbm>>
      tpu.enqueue_dma source(%arg10 : memref<128x64xf32, #tpu.memory_space<vmem>>) target(%dma_start3A_35 : memref<128x64xf32, #tpu.memory_space<hbm>>) target_semaphore(%run_scoped3A : memref<!tpu.dma_semaphore, #tpu.memory_space<semaphore_mem>>)
      %dma_wait3A = arith.constant 0 : i32
      %dma_wait3A_36 = tpu.memref_slice %arg6[%arg0, %add3A_26, %dma_wait3A] : memref<2x10240x64xf32, #tpu.memory_space<hbm>> -> memref<1x128x64xf32, #tpu.memory_space<hbm>>
      %dma_wait3A_37 = tpu.memref_squeeze %dma_wait3A_36 : memref<1x128x64xf32, #tpu.memory_space<hbm>> -> memref<128x64xf32, #tpu.memory_space<hbm>>
      %dma_wait3A_38 = arith.constant 0 : i32
      %dma_wait3A_39 = tpu.memref_slice %arg6[%arg0, %add3A_26, %dma_wait3A_38] : memref<2x10240x64xf32, #tpu.memory_space<hbm>> -> memref<1x128x64xf32, #tpu.memory_space<hbm>>
      %dma_wait3A_40 = tpu.memref_squeeze %dma_wait3A_39 : memref<1x128x64xf32, #tpu.memory_space<hbm>> -> memref<128x64xf32, #tpu.memory_space<hbm>>
      tpu.wait_dma2 semaphore(%run_scoped3A : memref<!tpu.dma_semaphore, #tpu.memory_space<semaphore_mem>>) src(%arg10 : memref<128x64xf32, #tpu.memory_space<vmem>>) dst(%dma_wait3A_40 : memref<128x64xf32, #tpu.memory_space<hbm>>)
      tpu.yield
    }) : () -> ()
    %add3A_27 = arith.constant 384 : i32
    %add3A_28 = arith.addi %mul3A_2, %add3A_27 : i32
    "tpu.region"() ({
      %run_scoped3A = tpu.sem_alloc : memref<!tpu.dma_semaphore, #tpu.memory_space<semaphore_mem>>
      %dma_start3A = arith.constant 0 : i32
      %dma_start3A_31 = tpu.memref_slice %arg11[%add3A_28, %dma_start3A] : memref<10240x64xf32, #tpu.memory_space<vmem_shared>> -> memref<128x64xf32, #tpu.memory_space<vmem_shared>>
      %dma_start3A_32 = arith.constant 0 : i32
      %dma_start3A_33 = tpu.memref_slice %arg11[%add3A_28, %dma_start3A_32] : memref<10240x64xf32, #tpu.memory_space<vmem_shared>> -> memref<128x64xf32, #tpu.memory_space<vmem_shared>>
      tpu.enqueue_dma source(%dma_start3A_33 : memref<128x64xf32, #tpu.memory_space<vmem_shared>>) target(%arg10 : memref<128x64xf32, #tpu.memory_space<vmem>>) target_semaphore(%run_scoped3A : memref<!tpu.dma_semaphore, #tpu.memory_space<semaphore_mem>>)
      %dma_wait3A = arith.constant 0 : i32
      %dma_wait3A_34 = tpu.memref_slice %arg11[%add3A_28, %dma_wait3A] : memref<10240x64xf32, #tpu.memory_space<vmem_shared>> -> memref<128x64xf32, #tpu.memory_space<vmem_shared>>
      %dma_wait3A_35 = arith.constant 0 : i32
      %dma_wait3A_36 = tpu.memref_slice %arg11[%add3A_28, %dma_wait3A_35] : memref<10240x64xf32, #tpu.memory_space<vmem_shared>> -> memref<128x64xf32, #tpu.memory_space<vmem_shared>>
      tpu.wait_dma2 semaphore(%run_scoped3A : memref<!tpu.dma_semaphore, #tpu.memory_space<semaphore_mem>>) src(%dma_wait3A_36 : memref<128x64xf32, #tpu.memory_space<vmem_shared>>) dst(%arg10 : memref<128x64xf32, #tpu.memory_space<vmem>>)
      tpu.yield
    }) : () -> ()
    "tpu.region"() ({
      %run_scoped3A = tpu.sem_alloc : memref<!tpu.dma_semaphore, #tpu.memory_space<semaphore_mem>>
      %dma_start3A = arith.constant 0 : i32
      %dma_start3A_31 = tpu.memref_slice %arg6[%arg0, %add3A_28, %dma_start3A] : memref<2x10240x64xf32, #tpu.memory_space<hbm>> -> memref<1x128x64xf32, #tpu.memory_space<hbm>>
      %dma_start3A_32 = tpu.memref_squeeze %dma_start3A_31 : memref<1x128x64xf32, #tpu.memory_space<hbm>> -> memref<128x64xf32, #tpu.memory_space<hbm>>
      %dma_start3A_33 = arith.constant 0 : i32
      %dma_start3A_34 = tpu.memref_slice %arg6[%arg0, %add3A_28, %dma_start3A_33] : memref<2x10240x64xf32, #tpu.memory_space<hbm>> -> memref<1x128x64xf32, #tpu.memory_space<hbm>>
      %dma_start3A_35 = tpu.memref_squeeze %dma_start3A_34 : memref<1x128x64xf32, #tpu.memory_space<hbm>> -> memref<128x64xf32, #tpu.memory_space<hbm>>
      tpu.enqueue_dma source(%arg10 : memref<128x64xf32, #tpu.memory_space<vmem>>) target(%dma_start3A_35 : memref<128x64xf32, #tpu.memory_space<hbm>>) target_semaphore(%run_scoped3A : memref<!tpu.dma_semaphore, #tpu.memory_space<semaphore_mem>>)
      %dma_wait3A = arith.constant 0 : i32
      %dma_wait3A_36 = tpu.memref_slice %arg6[%arg0, %add3A_28, %dma_wait3A] : memref<2x10240x64xf32, #tpu.memory_space<hbm>> -> memref<1x128x64xf32, #tpu.memory_space<hbm>>
      %dma_wait3A_37 = tpu.memref_squeeze %dma_wait3A_36 : memref<1x128x64xf32, #tpu.memory_space<hbm>> -> memref<128x64xf32, #tpu.memory_space<hbm>>
      %dma_wait3A_38 = arith.constant 0 : i32
      %dma_wait3A_39 = tpu.memref_slice %arg6[%arg0, %add3A_28, %dma_wait3A_38] : memref<2x10240x64xf32, #tpu.memory_space<hbm>> -> memref<1x128x64xf32, #tpu.memory_space<hbm>>
      %dma_wait3A_40 = tpu.memref_squeeze %dma_wait3A_39 : memref<1x128x64xf32, #tpu.memory_space<hbm>> -> memref<128x64xf32, #tpu.memory_space<hbm>>
      tpu.wait_dma2 semaphore(%run_scoped3A : memref<!tpu.dma_semaphore, #tpu.memory_space<semaphore_mem>>) src(%arg10 : memref<128x64xf32, #tpu.memory_space<vmem>>) dst(%dma_wait3A_40 : memref<128x64xf32, #tpu.memory_space<hbm>>)
      tpu.yield
    }) : () -> ()
    %add3A_29 = arith.constant 512 : i32
    %add3A_30 = arith.addi %mul3A_2, %add3A_29 : i32
    "tpu.region"() ({
      %run_scoped3A = tpu.sem_alloc : memref<!tpu.dma_semaphore, #tpu.memory_space<semaphore_mem>>
      %dma_start3A = arith.constant 0 : i32
      %dma_start3A_31 = tpu.memref_slice %arg11[%add3A_30, %dma_start3A] : memref<10240x64xf32, #tpu.memory_space<vmem_shared>> -> memref<128x64xf32, #tpu.memory_space<vmem_shared>>
      %dma_start3A_32 = arith.constant 0 : i32
      %dma_start3A_33 = tpu.memref_slice %arg11[%add3A_30, %dma_start3A_32] : memref<10240x64xf32, #tpu.memory_space<vmem_shared>> -> memref<128x64xf32, #tpu.memory_space<vmem_shared>>
      tpu.enqueue_dma source(%dma_start3A_33 : memref<128x64xf32, #tpu.memory_space<vmem_shared>>) target(%arg10 : memref<128x64xf32, #tpu.memory_space<vmem>>) target_semaphore(%run_scoped3A : memref<!tpu.dma_semaphore, #tpu.memory_space<semaphore_mem>>)
      %dma_wait3A = arith.constant 0 : i32
      %dma_wait3A_34 = tpu.memref_slice %arg11[%add3A_30, %dma_wait3A] : memref<10240x64xf32, #tpu.memory_space<vmem_shared>> -> memref<128x64xf32, #tpu.memory_space<vmem_shared>>
      %dma_wait3A_35 = arith.constant 0 : i32
      %dma_wait3A_36 = tpu.memref_slice %arg11[%add3A_30, %dma_wait3A_35] : memref<10240x64xf32, #tpu.memory_space<vmem_shared>> -> memref<128x64xf32, #tpu.memory_space<vmem_shared>>
      tpu.wait_dma2 semaphore(%run_scoped3A : memref<!tpu.dma_semaphore, #tpu.memory_space<semaphore_mem>>) src(%dma_wait3A_36 : memref<128x64xf32, #tpu.memory_space<vmem_shared>>) dst(%arg10 : memref<128x64xf32, #tpu.memory_space<vmem>>)
      tpu.yield
    }) : () -> ()
    "tpu.region"() ({
      %run_scoped3A = tpu.sem_alloc : memref<!tpu.dma_semaphore, #tpu.memory_space<semaphore_mem>>
      %dma_start3A = arith.constant 0 : i32
      %dma_start3A_31 = tpu.memref_slice %arg6[%arg0, %add3A_30, %dma_start3A] : memref<2x10240x64xf32, #tpu.memory_space<hbm>> -> memref<1x128x64xf32, #tpu.memory_space<hbm>>
      %dma_start3A_32 = tpu.memref_squeeze %dma_start3A_31 : memref<1x128x64xf32, #tpu.memory_space<hbm>> -> memref<128x64xf32, #tpu.memory_space<hbm>>
      %dma_start3A_33 = arith.constant 0 : i32
      %dma_start3A_34 = tpu.memref_slice %arg6[%arg0, %add3A_30, %dma_start3A_33] : memref<2x10240x64xf32, #tpu.memory_space<hbm>> -> memref<1x128x64xf32, #tpu.memory_space<hbm>>
      %dma_start3A_35 = tpu.memref_squeeze %dma_start3A_34 : memref<1x128x64xf32, #tpu.memory_space<hbm>> -> memref<128x64xf32, #tpu.memory_space<hbm>>
      tpu.enqueue_dma source(%arg10 : memref<128x64xf32, #tpu.memory_space<vmem>>) target(%dma_start3A_35 : memref<128x64xf32, #tpu.memory_space<hbm>>) target_semaphore(%run_scoped3A : memref<!tpu.dma_semaphore, #tpu.memory_space<semaphore_mem>>)
      %dma_wait3A = arith.constant 0 : i32
      %dma_wait3A_36 = tpu.memref_slice %arg6[%arg0, %add3A_30, %dma_wait3A] : memref<2x10240x64xf32, #tpu.memory_space<hbm>> -> memref<1x128x64xf32, #tpu.memory_space<hbm>>
      %dma_wait3A_37 = tpu.memref_squeeze %dma_wait3A_36 : memref<1x128x64xf32, #tpu.memory_space<hbm>> -> memref<128x64xf32, #tpu.memory_space<hbm>>
      %dma_wait3A_38 = arith.constant 0 : i32
      %dma_wait3A_39 = tpu.memref_slice %arg6[%arg0, %add3A_30, %dma_wait3A_38] : memref<2x10240x64xf32, #tpu.memory_space<hbm>> -> memref<1x128x64xf32, #tpu.memory_space<hbm>>
      %dma_wait3A_40 = tpu.memref_squeeze %dma_wait3A_39 : memref<1x128x64xf32, #tpu.memory_space<hbm>> -> memref<128x64xf32, #tpu.memory_space<hbm>>
      tpu.wait_dma2 semaphore(%run_scoped3A : memref<!tpu.dma_semaphore, #tpu.memory_space<semaphore_mem>>) src(%arg10 : memref<128x64xf32, #tpu.memory_space<vmem>>) dst(%dma_wait3A_40 : memref<128x64xf32, #tpu.memory_space<hbm>>)
      tpu.yield
    }) : () -> ()
    return
  }
}

#map = affine_map<(d0, d1) -> (0)>
#map1 = affine_map<(d0, d1) -> (0, 0)>
#map2 = affine_map<(d0, d1) -> (0, 0, 0)>
module attributes {stable_mosaic.version = 14 : i64} {
  func.func @_deg_kernel(%arg0: i32, %arg1: i32, %arg2: memref<320000xi32, #tpu.memory_space<hbm>>, %arg3: memref<320000xi32, #tpu.memory_space<hbm>>, %arg4: memref<128x16xf32, #tpu.memory_space<hbm>>, %arg5: memref<80x16xf32, #tpu.memory_space<hbm>>, %arg6: memref<2x10240x16xf32, #tpu.memory_space<hbm>>, %arg7: memref<2x10240x16xf32, #tpu.memory_space<hbm>>, %arg8: memref<80xi32, #tpu.memory_space<vmem>>, %arg9: memref<80xi32, #tpu.memory_space<vmem>>, %arg10: memref<80x16xf32, #tpu.memory_space<vmem>>, %arg11: memref<128x16xf32, #tpu.memory_space<vmem>>, %arg12: memref<10240x16xf32, #tpu.memory_space<vmem_shared>>, %arg13: memref<10240x16xf32, #tpu.memory_space<vmem_shared>>) attributes {dimension_semantics = [#tpu.dimension_semantics<core_parallel>, #tpu.dimension_semantics<subcore_parallel>], iteration_bounds = array<i64: 2, 16>, scalar_prefetch = 0 : i64, scratch_operands = 6 : i64, tpu.core_type = #tpu.core_type<sc_vector_subcore>, window_params = [{transform_indices = #map}, {transform_indices = #map}, {transform_indices = #map1}, {transform_indices = #map1}, {transform_indices = #map2}, {transform_indices = #map2}]} {
    %mul3A = arith.constant 16 : i32
    %mul3A_0 = arith.muli %arg0, %mul3A : i32
    %add3A = arith.addi %mul3A_0, %arg1 : i32
    %mul3A_1 = arith.constant 640 : i32
    %mul3A_2 = arith.muli %arg1, %mul3A_1 : i32
    "tpu.region"() ({
      %run_scoped3A = tpu.sem_alloc : memref<!tpu.dma_semaphore, #tpu.memory_space<semaphore_mem>>
      tpu.enqueue_dma source(%arg4 : memref<128x16xf32, #tpu.memory_space<hbm>>) target(%arg11 : memref<128x16xf32, #tpu.memory_space<vmem>>) target_semaphore(%run_scoped3A : memref<!tpu.dma_semaphore, #tpu.memory_space<semaphore_mem>>)
      tpu.wait_dma2 semaphore(%run_scoped3A : memref<!tpu.dma_semaphore, #tpu.memory_space<semaphore_mem>>) src(%arg4 : memref<128x16xf32, #tpu.memory_space<hbm>>) dst(%arg11 : memref<128x16xf32, #tpu.memory_space<vmem>>)
      tpu.yield
    }) : () -> ()
    %add3A_3 = arith.constant 0 : i32
    %add3A_4 = arith.addi %mul3A_2, %add3A_3 : i32
    "tpu.region"() ({
      %run_scoped3A = tpu.sem_alloc : memref<!tpu.dma_semaphore, #tpu.memory_space<semaphore_mem>>
      %dma_start3A = arith.constant 0 : i32
      %dma_start3A_41 = tpu.memref_slice %arg12[%add3A_4, %dma_start3A] : memref<10240x16xf32, #tpu.memory_space<vmem_shared>> -> memref<128x16xf32, #tpu.memory_space<vmem_shared>>
      %dma_start3A_42 = arith.constant 0 : i32
      %dma_start3A_43 = tpu.memref_slice %arg12[%add3A_4, %dma_start3A_42] : memref<10240x16xf32, #tpu.memory_space<vmem_shared>> -> memref<128x16xf32, #tpu.memory_space<vmem_shared>>
      tpu.enqueue_dma source(%arg11 : memref<128x16xf32, #tpu.memory_space<vmem>>) target(%dma_start3A_43 : memref<128x16xf32, #tpu.memory_space<vmem_shared>>) target_semaphore(%run_scoped3A : memref<!tpu.dma_semaphore, #tpu.memory_space<semaphore_mem>>)
      %dma_wait3A = arith.constant 0 : i32
      %dma_wait3A_44 = tpu.memref_slice %arg12[%add3A_4, %dma_wait3A] : memref<10240x16xf32, #tpu.memory_space<vmem_shared>> -> memref<128x16xf32, #tpu.memory_space<vmem_shared>>
      %dma_wait3A_45 = arith.constant 0 : i32
      %dma_wait3A_46 = tpu.memref_slice %arg12[%add3A_4, %dma_wait3A_45] : memref<10240x16xf32, #tpu.memory_space<vmem_shared>> -> memref<128x16xf32, #tpu.memory_space<vmem_shared>>
      tpu.wait_dma2 semaphore(%run_scoped3A : memref<!tpu.dma_semaphore, #tpu.memory_space<semaphore_mem>>) src(%arg11 : memref<128x16xf32, #tpu.memory_space<vmem>>) dst(%dma_wait3A_46 : memref<128x16xf32, #tpu.memory_space<vmem_shared>>)
      tpu.yield
    }) : () -> ()
    %add3A_5 = arith.constant 0 : i32
    %add3A_6 = arith.addi %mul3A_2, %add3A_5 : i32
    "tpu.region"() ({
      %run_scoped3A = tpu.sem_alloc : memref<!tpu.dma_semaphore, #tpu.memory_space<semaphore_mem>>
      %dma_start3A = arith.constant 0 : i32
      %dma_start3A_41 = tpu.memref_slice %arg13[%add3A_6, %dma_start3A] : memref<10240x16xf32, #tpu.memory_space<vmem_shared>> -> memref<128x16xf32, #tpu.memory_space<vmem_shared>>
      %dma_start3A_42 = arith.constant 0 : i32
      %dma_start3A_43 = tpu.memref_slice %arg13[%add3A_6, %dma_start3A_42] : memref<10240x16xf32, #tpu.memory_space<vmem_shared>> -> memref<128x16xf32, #tpu.memory_space<vmem_shared>>
      tpu.enqueue_dma source(%arg11 : memref<128x16xf32, #tpu.memory_space<vmem>>) target(%dma_start3A_43 : memref<128x16xf32, #tpu.memory_space<vmem_shared>>) target_semaphore(%run_scoped3A : memref<!tpu.dma_semaphore, #tpu.memory_space<semaphore_mem>>)
      %dma_wait3A = arith.constant 0 : i32
      %dma_wait3A_44 = tpu.memref_slice %arg13[%add3A_6, %dma_wait3A] : memref<10240x16xf32, #tpu.memory_space<vmem_shared>> -> memref<128x16xf32, #tpu.memory_space<vmem_shared>>
      %dma_wait3A_45 = arith.constant 0 : i32
      %dma_wait3A_46 = tpu.memref_slice %arg13[%add3A_6, %dma_wait3A_45] : memref<10240x16xf32, #tpu.memory_space<vmem_shared>> -> memref<128x16xf32, #tpu.memory_space<vmem_shared>>
      tpu.wait_dma2 semaphore(%run_scoped3A : memref<!tpu.dma_semaphore, #tpu.memory_space<semaphore_mem>>) src(%arg11 : memref<128x16xf32, #tpu.memory_space<vmem>>) dst(%dma_wait3A_46 : memref<128x16xf32, #tpu.memory_space<vmem_shared>>)
      tpu.yield
    }) : () -> ()
    %add3A_7 = arith.constant 128 : i32
    %add3A_8 = arith.addi %mul3A_2, %add3A_7 : i32
    "tpu.region"() ({
      %run_scoped3A = tpu.sem_alloc : memref<!tpu.dma_semaphore, #tpu.memory_space<semaphore_mem>>
      %dma_start3A = arith.constant 0 : i32
      %dma_start3A_41 = tpu.memref_slice %arg12[%add3A_8, %dma_start3A] : memref<10240x16xf32, #tpu.memory_space<vmem_shared>> -> memref<128x16xf32, #tpu.memory_space<vmem_shared>>
      %dma_start3A_42 = arith.constant 0 : i32
      %dma_start3A_43 = tpu.memref_slice %arg12[%add3A_8, %dma_start3A_42] : memref<10240x16xf32, #tpu.memory_space<vmem_shared>> -> memref<128x16xf32, #tpu.memory_space<vmem_shared>>
      tpu.enqueue_dma source(%arg11 : memref<128x16xf32, #tpu.memory_space<vmem>>) target(%dma_start3A_43 : memref<128x16xf32, #tpu.memory_space<vmem_shared>>) target_semaphore(%run_scoped3A : memref<!tpu.dma_semaphore, #tpu.memory_space<semaphore_mem>>)
      %dma_wait3A = arith.constant 0 : i32
      %dma_wait3A_44 = tpu.memref_slice %arg12[%add3A_8, %dma_wait3A] : memref<10240x16xf32, #tpu.memory_space<vmem_shared>> -> memref<128x16xf32, #tpu.memory_space<vmem_shared>>
      %dma_wait3A_45 = arith.constant 0 : i32
      %dma_wait3A_46 = tpu.memref_slice %arg12[%add3A_8, %dma_wait3A_45] : memref<10240x16xf32, #tpu.memory_space<vmem_shared>> -> memref<128x16xf32, #tpu.memory_space<vmem_shared>>
      tpu.wait_dma2 semaphore(%run_scoped3A : memref<!tpu.dma_semaphore, #tpu.memory_space<semaphore_mem>>) src(%arg11 : memref<128x16xf32, #tpu.memory_space<vmem>>) dst(%dma_wait3A_46 : memref<128x16xf32, #tpu.memory_space<vmem_shared>>)
      tpu.yield
    }) : () -> ()
    %add3A_9 = arith.constant 128 : i32
    %add3A_10 = arith.addi %mul3A_2, %add3A_9 : i32
    "tpu.region"() ({
      %run_scoped3A = tpu.sem_alloc : memref<!tpu.dma_semaphore, #tpu.memory_space<semaphore_mem>>
      %dma_start3A = arith.constant 0 : i32
      %dma_start3A_41 = tpu.memref_slice %arg13[%add3A_10, %dma_start3A] : memref<10240x16xf32, #tpu.memory_space<vmem_shared>> -> memref<128x16xf32, #tpu.memory_space<vmem_shared>>
      %dma_start3A_42 = arith.constant 0 : i32
      %dma_start3A_43 = tpu.memref_slice %arg13[%add3A_10, %dma_start3A_42] : memref<10240x16xf32, #tpu.memory_space<vmem_shared>> -> memref<128x16xf32, #tpu.memory_space<vmem_shared>>
      tpu.enqueue_dma source(%arg11 : memref<128x16xf32, #tpu.memory_space<vmem>>) target(%dma_start3A_43 : memref<128x16xf32, #tpu.memory_space<vmem_shared>>) target_semaphore(%run_scoped3A : memref<!tpu.dma_semaphore, #tpu.memory_space<semaphore_mem>>)
      %dma_wait3A = arith.constant 0 : i32
      %dma_wait3A_44 = tpu.memref_slice %arg13[%add3A_10, %dma_wait3A] : memref<10240x16xf32, #tpu.memory_space<vmem_shared>> -> memref<128x16xf32, #tpu.memory_space<vmem_shared>>
      %dma_wait3A_45 = arith.constant 0 : i32
      %dma_wait3A_46 = tpu.memref_slice %arg13[%add3A_10, %dma_wait3A_45] : memref<10240x16xf32, #tpu.memory_space<vmem_shared>> -> memref<128x16xf32, #tpu.memory_space<vmem_shared>>
      tpu.wait_dma2 semaphore(%run_scoped3A : memref<!tpu.dma_semaphore, #tpu.memory_space<semaphore_mem>>) src(%arg11 : memref<128x16xf32, #tpu.memory_space<vmem>>) dst(%dma_wait3A_46 : memref<128x16xf32, #tpu.memory_space<vmem_shared>>)
      tpu.yield
    }) : () -> ()
    %add3A_11 = arith.constant 256 : i32
    %add3A_12 = arith.addi %mul3A_2, %add3A_11 : i32
    "tpu.region"() ({
      %run_scoped3A = tpu.sem_alloc : memref<!tpu.dma_semaphore, #tpu.memory_space<semaphore_mem>>
      %dma_start3A = arith.constant 0 : i32
      %dma_start3A_41 = tpu.memref_slice %arg12[%add3A_12, %dma_start3A] : memref<10240x16xf32, #tpu.memory_space<vmem_shared>> -> memref<128x16xf32, #tpu.memory_space<vmem_shared>>
      %dma_start3A_42 = arith.constant 0 : i32
      %dma_start3A_43 = tpu.memref_slice %arg12[%add3A_12, %dma_start3A_42] : memref<10240x16xf32, #tpu.memory_space<vmem_shared>> -> memref<128x16xf32, #tpu.memory_space<vmem_shared>>
      tpu.enqueue_dma source(%arg11 : memref<128x16xf32, #tpu.memory_space<vmem>>) target(%dma_start3A_43 : memref<128x16xf32, #tpu.memory_space<vmem_shared>>) target_semaphore(%run_scoped3A : memref<!tpu.dma_semaphore, #tpu.memory_space<semaphore_mem>>)
      %dma_wait3A = arith.constant 0 : i32
      %dma_wait3A_44 = tpu.memref_slice %arg12[%add3A_12, %dma_wait3A] : memref<10240x16xf32, #tpu.memory_space<vmem_shared>> -> memref<128x16xf32, #tpu.memory_space<vmem_shared>>
      %dma_wait3A_45 = arith.constant 0 : i32
      %dma_wait3A_46 = tpu.memref_slice %arg12[%add3A_12, %dma_wait3A_45] : memref<10240x16xf32, #tpu.memory_space<vmem_shared>> -> memref<128x16xf32, #tpu.memory_space<vmem_shared>>
      tpu.wait_dma2 semaphore(%run_scoped3A : memref<!tpu.dma_semaphore, #tpu.memory_space<semaphore_mem>>) src(%arg11 : memref<128x16xf32, #tpu.memory_space<vmem>>) dst(%dma_wait3A_46 : memref<128x16xf32, #tpu.memory_space<vmem_shared>>)
      tpu.yield
    }) : () -> ()
    %add3A_13 = arith.constant 256 : i32
    %add3A_14 = arith.addi %mul3A_2, %add3A_13 : i32
    "tpu.region"() ({
      %run_scoped3A = tpu.sem_alloc : memref<!tpu.dma_semaphore, #tpu.memory_space<semaphore_mem>>
      %dma_start3A = arith.constant 0 : i32
      %dma_start3A_41 = tpu.memref_slice %arg13[%add3A_14, %dma_start3A] : memref<10240x16xf32, #tpu.memory_space<vmem_shared>> -> memref<128x16xf32, #tpu.memory_space<vmem_shared>>
      %dma_start3A_42 = arith.constant 0 : i32
      %dma_start3A_43 = tpu.memref_slice %arg13[%add3A_14, %dma_start3A_42] : memref<10240x16xf32, #tpu.memory_space<vmem_shared>> -> memref<128x16xf32, #tpu.memory_space<vmem_shared>>
      tpu.enqueue_dma source(%arg11 : memref<128x16xf32, #tpu.memory_space<vmem>>) target(%dma_start3A_43 : memref<128x16xf32, #tpu.memory_space<vmem_shared>>) target_semaphore(%run_scoped3A : memref<!tpu.dma_semaphore, #tpu.memory_space<semaphore_mem>>)
      %dma_wait3A = arith.constant 0 : i32
      %dma_wait3A_44 = tpu.memref_slice %arg13[%add3A_14, %dma_wait3A] : memref<10240x16xf32, #tpu.memory_space<vmem_shared>> -> memref<128x16xf32, #tpu.memory_space<vmem_shared>>
      %dma_wait3A_45 = arith.constant 0 : i32
      %dma_wait3A_46 = tpu.memref_slice %arg13[%add3A_14, %dma_wait3A_45] : memref<10240x16xf32, #tpu.memory_space<vmem_shared>> -> memref<128x16xf32, #tpu.memory_space<vmem_shared>>
      tpu.wait_dma2 semaphore(%run_scoped3A : memref<!tpu.dma_semaphore, #tpu.memory_space<semaphore_mem>>) src(%arg11 : memref<128x16xf32, #tpu.memory_space<vmem>>) dst(%dma_wait3A_46 : memref<128x16xf32, #tpu.memory_space<vmem_shared>>)
      tpu.yield
    }) : () -> ()
    %add3A_15 = arith.constant 384 : i32
    %add3A_16 = arith.addi %mul3A_2, %add3A_15 : i32
    "tpu.region"() ({
      %run_scoped3A = tpu.sem_alloc : memref<!tpu.dma_semaphore, #tpu.memory_space<semaphore_mem>>
      %dma_start3A = arith.constant 0 : i32
      %dma_start3A_41 = tpu.memref_slice %arg12[%add3A_16, %dma_start3A] : memref<10240x16xf32, #tpu.memory_space<vmem_shared>> -> memref<128x16xf32, #tpu.memory_space<vmem_shared>>
      %dma_start3A_42 = arith.constant 0 : i32
      %dma_start3A_43 = tpu.memref_slice %arg12[%add3A_16, %dma_start3A_42] : memref<10240x16xf32, #tpu.memory_space<vmem_shared>> -> memref<128x16xf32, #tpu.memory_space<vmem_shared>>
      tpu.enqueue_dma source(%arg11 : memref<128x16xf32, #tpu.memory_space<vmem>>) target(%dma_start3A_43 : memref<128x16xf32, #tpu.memory_space<vmem_shared>>) target_semaphore(%run_scoped3A : memref<!tpu.dma_semaphore, #tpu.memory_space<semaphore_mem>>)
      %dma_wait3A = arith.constant 0 : i32
      %dma_wait3A_44 = tpu.memref_slice %arg12[%add3A_16, %dma_wait3A] : memref<10240x16xf32, #tpu.memory_space<vmem_shared>> -> memref<128x16xf32, #tpu.memory_space<vmem_shared>>
      %dma_wait3A_45 = arith.constant 0 : i32
      %dma_wait3A_46 = tpu.memref_slice %arg12[%add3A_16, %dma_wait3A_45] : memref<10240x16xf32, #tpu.memory_space<vmem_shared>> -> memref<128x16xf32, #tpu.memory_space<vmem_shared>>
      tpu.wait_dma2 semaphore(%run_scoped3A : memref<!tpu.dma_semaphore, #tpu.memory_space<semaphore_mem>>) src(%arg11 : memref<128x16xf32, #tpu.memory_space<vmem>>) dst(%dma_wait3A_46 : memref<128x16xf32, #tpu.memory_space<vmem_shared>>)
      tpu.yield
    }) : () -> ()
    %add3A_17 = arith.constant 384 : i32
    %add3A_18 = arith.addi %mul3A_2, %add3A_17 : i32
    "tpu.region"() ({
      %run_scoped3A = tpu.sem_alloc : memref<!tpu.dma_semaphore, #tpu.memory_space<semaphore_mem>>
      %dma_start3A = arith.constant 0 : i32
      %dma_start3A_41 = tpu.memref_slice %arg13[%add3A_18, %dma_start3A] : memref<10240x16xf32, #tpu.memory_space<vmem_shared>> -> memref<128x16xf32, #tpu.memory_space<vmem_shared>>
      %dma_start3A_42 = arith.constant 0 : i32
      %dma_start3A_43 = tpu.memref_slice %arg13[%add3A_18, %dma_start3A_42] : memref<10240x16xf32, #tpu.memory_space<vmem_shared>> -> memref<128x16xf32, #tpu.memory_space<vmem_shared>>
      tpu.enqueue_dma source(%arg11 : memref<128x16xf32, #tpu.memory_space<vmem>>) target(%dma_start3A_43 : memref<128x16xf32, #tpu.memory_space<vmem_shared>>) target_semaphore(%run_scoped3A : memref<!tpu.dma_semaphore, #tpu.memory_space<semaphore_mem>>)
      %dma_wait3A = arith.constant 0 : i32
      %dma_wait3A_44 = tpu.memref_slice %arg13[%add3A_18, %dma_wait3A] : memref<10240x16xf32, #tpu.memory_space<vmem_shared>> -> memref<128x16xf32, #tpu.memory_space<vmem_shared>>
      %dma_wait3A_45 = arith.constant 0 : i32
      %dma_wait3A_46 = tpu.memref_slice %arg13[%add3A_18, %dma_wait3A_45] : memref<10240x16xf32, #tpu.memory_space<vmem_shared>> -> memref<128x16xf32, #tpu.memory_space<vmem_shared>>
      tpu.wait_dma2 semaphore(%run_scoped3A : memref<!tpu.dma_semaphore, #tpu.memory_space<semaphore_mem>>) src(%arg11 : memref<128x16xf32, #tpu.memory_space<vmem>>) dst(%dma_wait3A_46 : memref<128x16xf32, #tpu.memory_space<vmem_shared>>)
      tpu.yield
    }) : () -> ()
    %add3A_19 = arith.constant 512 : i32
    %add3A_20 = arith.addi %mul3A_2, %add3A_19 : i32
    "tpu.region"() ({
      %run_scoped3A = tpu.sem_alloc : memref<!tpu.dma_semaphore, #tpu.memory_space<semaphore_mem>>
      %dma_start3A = arith.constant 0 : i32
      %dma_start3A_41 = tpu.memref_slice %arg12[%add3A_20, %dma_start3A] : memref<10240x16xf32, #tpu.memory_space<vmem_shared>> -> memref<128x16xf32, #tpu.memory_space<vmem_shared>>
      %dma_start3A_42 = arith.constant 0 : i32
      %dma_start3A_43 = tpu.memref_slice %arg12[%add3A_20, %dma_start3A_42] : memref<10240x16xf32, #tpu.memory_space<vmem_shared>> -> memref<128x16xf32, #tpu.memory_space<vmem_shared>>
      tpu.enqueue_dma source(%arg11 : memref<128x16xf32, #tpu.memory_space<vmem>>) target(%dma_start3A_43 : memref<128x16xf32, #tpu.memory_space<vmem_shared>>) target_semaphore(%run_scoped3A : memref<!tpu.dma_semaphore, #tpu.memory_space<semaphore_mem>>)
      %dma_wait3A = arith.constant 0 : i32
      %dma_wait3A_44 = tpu.memref_slice %arg12[%add3A_20, %dma_wait3A] : memref<10240x16xf32, #tpu.memory_space<vmem_shared>> -> memref<128x16xf32, #tpu.memory_space<vmem_shared>>
      %dma_wait3A_45 = arith.constant 0 : i32
      %dma_wait3A_46 = tpu.memref_slice %arg12[%add3A_20, %dma_wait3A_45] : memref<10240x16xf32, #tpu.memory_space<vmem_shared>> -> memref<128x16xf32, #tpu.memory_space<vmem_shared>>
      tpu.wait_dma2 semaphore(%run_scoped3A : memref<!tpu.dma_semaphore, #tpu.memory_space<semaphore_mem>>) src(%arg11 : memref<128x16xf32, #tpu.memory_space<vmem>>) dst(%dma_wait3A_46 : memref<128x16xf32, #tpu.memory_space<vmem_shared>>)
      tpu.yield
    }) : () -> ()
    %add3A_21 = arith.constant 512 : i32
    %add3A_22 = arith.addi %mul3A_2, %add3A_21 : i32
    "tpu.region"() ({
      %run_scoped3A = tpu.sem_alloc : memref<!tpu.dma_semaphore, #tpu.memory_space<semaphore_mem>>
      %dma_start3A = arith.constant 0 : i32
      %dma_start3A_41 = tpu.memref_slice %arg13[%add3A_22, %dma_start3A] : memref<10240x16xf32, #tpu.memory_space<vmem_shared>> -> memref<128x16xf32, #tpu.memory_space<vmem_shared>>
      %dma_start3A_42 = arith.constant 0 : i32
      %dma_start3A_43 = tpu.memref_slice %arg13[%add3A_22, %dma_start3A_42] : memref<10240x16xf32, #tpu.memory_space<vmem_shared>> -> memref<128x16xf32, #tpu.memory_space<vmem_shared>>
      tpu.enqueue_dma source(%arg11 : memref<128x16xf32, #tpu.memory_space<vmem>>) target(%dma_start3A_43 : memref<128x16xf32, #tpu.memory_space<vmem_shared>>) target_semaphore(%run_scoped3A : memref<!tpu.dma_semaphore, #tpu.memory_space<semaphore_mem>>)
      %dma_wait3A = arith.constant 0 : i32
      %dma_wait3A_44 = tpu.memref_slice %arg13[%add3A_22, %dma_wait3A] : memref<10240x16xf32, #tpu.memory_space<vmem_shared>> -> memref<128x16xf32, #tpu.memory_space<vmem_shared>>
      %dma_wait3A_45 = arith.constant 0 : i32
      %dma_wait3A_46 = tpu.memref_slice %arg13[%add3A_22, %dma_wait3A_45] : memref<10240x16xf32, #tpu.memory_space<vmem_shared>> -> memref<128x16xf32, #tpu.memory_space<vmem_shared>>
      tpu.wait_dma2 semaphore(%run_scoped3A : memref<!tpu.dma_semaphore, #tpu.memory_space<semaphore_mem>>) src(%arg11 : memref<128x16xf32, #tpu.memory_space<vmem>>) dst(%dma_wait3A_46 : memref<128x16xf32, #tpu.memory_space<vmem_shared>>)
      tpu.yield
    }) : () -> ()
    "tpu.region"() ({
      %run_scoped3A = tpu.sem_alloc : memref<!tpu.dma_semaphore, #tpu.memory_space<semaphore_mem>>
      tpu.enqueue_dma source(%arg5 : memref<80x16xf32, #tpu.memory_space<hbm>>) target(%arg10 : memref<80x16xf32, #tpu.memory_space<vmem>>) target_semaphore(%run_scoped3A : memref<!tpu.dma_semaphore, #tpu.memory_space<semaphore_mem>>)
      tpu.wait_dma2 semaphore(%run_scoped3A : memref<!tpu.dma_semaphore, #tpu.memory_space<semaphore_mem>>) src(%arg5 : memref<80x16xf32, #tpu.memory_space<hbm>>) dst(%arg10 : memref<80x16xf32, #tpu.memory_space<vmem>>)
      tpu.yield
    }) : () -> ()
    %barrier3A = arith.constant 0 : index
    tpu.barrier barrier_id(%barrier3A)
    %mul3A_23 = arith.constant 10000 : i32
    %mul3A_24 = arith.muli %add3A, %mul3A_23 : i32
    %scan3A = arith.constant 0 : i32
    %scan3A_25 = arith.constant 0 : i32
    %scan3A_26 = arith.constant 125 : i32
    %scan3A_27 = arith.addi %scan3A_25, %scan3A_26 : i32
    %scan3A_28 = arith.constant 1 : i32
    scf.for %scan3A_41 = %scan3A_25 to %scan3A_27 step %scan3A_28  : i32 {
      %mul3A_42 = arith.constant 80 : i32
      %mul3A_43 = arith.muli %scan3A_41, %mul3A_42 : i32
      %add3A_44 = arith.addi %mul3A_24, %mul3A_43 : i32
      "tpu.region"() ({
        %run_scoped3A = tpu.sem_alloc : memref<!tpu.dma_semaphore, #tpu.memory_space<semaphore_mem>>
        %dma_start3A = tpu.memref_slice %arg2[%add3A_44] : memref<320000xi32, #tpu.memory_space<hbm>> -> memref<80xi32, #tpu.memory_space<hbm>>
        %dma_start3A_45 = tpu.memref_slice %arg2[%add3A_44] : memref<320000xi32, #tpu.memory_space<hbm>> -> memref<80xi32, #tpu.memory_space<hbm>>
        tpu.enqueue_dma source(%dma_start3A_45 : memref<80xi32, #tpu.memory_space<hbm>>) target(%arg8 : memref<80xi32, #tpu.memory_space<vmem>>) target_semaphore(%run_scoped3A : memref<!tpu.dma_semaphore, #tpu.memory_space<semaphore_mem>>)
        %dma_wait3A = tpu.memref_slice %arg2[%add3A_44] : memref<320000xi32, #tpu.memory_space<hbm>> -> memref<80xi32, #tpu.memory_space<hbm>>
        %dma_wait3A_46 = tpu.memref_slice %arg2[%add3A_44] : memref<320000xi32, #tpu.memory_space<hbm>> -> memref<80xi32, #tpu.memory_space<hbm>>
        tpu.wait_dma2 semaphore(%run_scoped3A : memref<!tpu.dma_semaphore, #tpu.memory_space<semaphore_mem>>) src(%dma_wait3A_46 : memref<80xi32, #tpu.memory_space<hbm>>) dst(%arg8 : memref<80xi32, #tpu.memory_space<vmem>>)
        tpu.yield
      }) : () -> ()
      "tpu.region"() ({
        %run_scoped3A = tpu.sem_alloc : memref<!tpu.dma_semaphore, #tpu.memory_space<semaphore_mem>>
        %dma_start3A = tpu.memref_slice %arg3[%add3A_44] : memref<320000xi32, #tpu.memory_space<hbm>> -> memref<80xi32, #tpu.memory_space<hbm>>
        %dma_start3A_45 = tpu.memref_slice %arg3[%add3A_44] : memref<320000xi32, #tpu.memory_space<hbm>> -> memref<80xi32, #tpu.memory_space<hbm>>
        tpu.enqueue_dma source(%dma_start3A_45 : memref<80xi32, #tpu.memory_space<hbm>>) target(%arg9 : memref<80xi32, #tpu.memory_space<vmem>>) target_semaphore(%run_scoped3A : memref<!tpu.dma_semaphore, #tpu.memory_space<semaphore_mem>>)
        %dma_wait3A = tpu.memref_slice %arg3[%add3A_44] : memref<320000xi32, #tpu.memory_space<hbm>> -> memref<80xi32, #tpu.memory_space<hbm>>
        %dma_wait3A_46 = tpu.memref_slice %arg3[%add3A_44] : memref<320000xi32, #tpu.memory_space<hbm>> -> memref<80xi32, #tpu.memory_space<hbm>>
        tpu.wait_dma2 semaphore(%run_scoped3A : memref<!tpu.dma_semaphore, #tpu.memory_space<semaphore_mem>>) src(%dma_wait3A_46 : memref<80xi32, #tpu.memory_space<hbm>>) dst(%arg9 : memref<80xi32, #tpu.memory_space<vmem>>)
        tpu.yield
      }) : () -> ()
      "tpu.region"() ({
        %run_scoped3A = tpu.sem_alloc : memref<!tpu.dma_semaphore, #tpu.memory_space<semaphore_mem>>
        %dma_start3A = arith.constant 0 : i32
        %dma_start3A_45 = arith.constant 0 : i32
        %dma_start3A_46 = tpu.memref_slice %arg12[%dma_start3A, %dma_start3A_45] : memref<10240x16xf32, #tpu.memory_space<vmem_shared>> -> memref<10240x16xf32, #tpu.memory_space<vmem_shared>>
        tpu.enqueue_indirect_dma source(%arg10 : memref<80x16xf32, #tpu.memory_space<vmem>>) target(%dma_start3A_46 : memref<10240x16xf32, #tpu.memory_space<vmem_shared>>) offsets(%arg8 : memref<80xi32, #tpu.memory_space<vmem>>) semaphore(%run_scoped3A : memref<!tpu.dma_semaphore, #tpu.memory_space<semaphore_mem>>) {add = true}
        %dma_wait3A = arith.constant 0 : i32
        %dma_wait3A_47 = arith.constant 0 : i32
        %dma_wait3A_48 = tpu.memref_slice %arg12[%dma_wait3A, %dma_wait3A_47] : memref<10240x16xf32, #tpu.memory_space<vmem_shared>> -> memref<10240x16xf32, #tpu.memory_space<vmem_shared>>
        tpu.wait_indirect_dma semaphore(%run_scoped3A : memref<!tpu.dma_semaphore, #tpu.memory_space<semaphore_mem>>) src(%arg10 : memref<80x16xf32, #tpu.memory_space<vmem>>) dst(%dma_wait3A_48 : memref<10240x16xf32, #tpu.memory_space<vmem_shared>>)
        tpu.yield
      }) : () -> ()
      "tpu.region"() ({
        %run_scoped3A = tpu.sem_alloc : memref<!tpu.dma_semaphore, #tpu.memory_space<semaphore_mem>>
        %dma_start3A = arith.constant 0 : i32
        %dma_start3A_45 = arith.constant 0 : i32
        %dma_start3A_46 = tpu.memref_slice %arg13[%dma_start3A, %dma_start3A_45] : memref<10240x16xf32, #tpu.memory_space<vmem_shared>> -> memref<10240x16xf32, #tpu.memory_space<vmem_shared>>
        tpu.enqueue_indirect_dma source(%arg10 : memref<80x16xf32, #tpu.memory_space<vmem>>) target(%dma_start3A_46 : memref<10240x16xf32, #tpu.memory_space<vmem_shared>>) offsets(%arg9 : memref<80xi32, #tpu.memory_space<vmem>>) semaphore(%run_scoped3A : memref<!tpu.dma_semaphore, #tpu.memory_space<semaphore_mem>>) {add = true}
        %dma_wait3A = arith.constant 0 : i32
        %dma_wait3A_47 = arith.constant 0 : i32
        %dma_wait3A_48 = tpu.memref_slice %arg13[%dma_wait3A, %dma_wait3A_47] : memref<10240x16xf32, #tpu.memory_space<vmem_shared>> -> memref<10240x16xf32, #tpu.memory_space<vmem_shared>>
        tpu.wait_indirect_dma semaphore(%run_scoped3A : memref<!tpu.dma_semaphore, #tpu.memory_space<semaphore_mem>>) src(%arg10 : memref<80x16xf32, #tpu.memory_space<vmem>>) dst(%dma_wait3A_48 : memref<10240x16xf32, #tpu.memory_space<vmem_shared>>)
        tpu.yield
      }) : () -> ()
    }
    %scan3A_29 = arith.constant 125 : i32
    %barrier3A_30 = arith.constant 0 : index
    tpu.barrier barrier_id(%barrier3A_30)
    %add3A_31 = arith.constant 0 : i32
    %add3A_32 = arith.addi %mul3A_2, %add3A_31 : i32
    "tpu.region"() ({
      %run_scoped3A = tpu.sem_alloc : memref<!tpu.dma_semaphore, #tpu.memory_space<semaphore_mem>>
      %dma_start3A = arith.constant 0 : i32
      %dma_start3A_41 = tpu.memref_slice %arg12[%add3A_32, %dma_start3A] : memref<10240x16xf32, #tpu.memory_space<vmem_shared>> -> memref<128x16xf32, #tpu.memory_space<vmem_shared>>
      %dma_start3A_42 = arith.constant 0 : i32
      %dma_start3A_43 = tpu.memref_slice %arg12[%add3A_32, %dma_start3A_42] : memref<10240x16xf32, #tpu.memory_space<vmem_shared>> -> memref<128x16xf32, #tpu.memory_space<vmem_shared>>
      tpu.enqueue_dma source(%dma_start3A_43 : memref<128x16xf32, #tpu.memory_space<vmem_shared>>) target(%arg11 : memref<128x16xf32, #tpu.memory_space<vmem>>) target_semaphore(%run_scoped3A : memref<!tpu.dma_semaphore, #tpu.memory_space<semaphore_mem>>)
      %dma_wait3A = arith.constant 0 : i32
      %dma_wait3A_44 = tpu.memref_slice %arg12[%add3A_32, %dma_wait3A] : memref<10240x16xf32, #tpu.memory_space<vmem_shared>> -> memref<128x16xf32, #tpu.memory_space<vmem_shared>>
      %dma_wait3A_45 = arith.constant 0 : i32
      %dma_wait3A_46 = tpu.memref_slice %arg12[%add3A_32, %dma_wait3A_45] : memref<10240x16xf32, #tpu.memory_space<vmem_shared>> -> memref<128x16xf32, #tpu.memory_space<vmem_shared>>
      tpu.wait_dma2 semaphore(%run_scoped3A : memref<!tpu.dma_semaphore, #tpu.memory_space<semaphore_mem>>) src(%dma_wait3A_46 : memref<128x16xf32, #tpu.memory_space<vmem_shared>>) dst(%arg11 : memref<128x16xf32, #tpu.memory_space<vmem>>)
      tpu.yield
    }) : () -> ()
    "tpu.region"() ({
      %run_scoped3A = tpu.sem_alloc : memref<!tpu.dma_semaphore, #tpu.memory_space<semaphore_mem>>
      %dma_start3A = arith.constant 0 : i32
      %dma_start3A_41 = tpu.memref_slice %arg6[%arg0, %add3A_32, %dma_start3A] : memref<2x10240x16xf32, #tpu.memory_space<hbm>> -> memref<1x128x16xf32, #tpu.memory_space<hbm>>
      %dma_start3A_42 = tpu.memref_squeeze %dma_start3A_41 : memref<1x128x16xf32, #tpu.memory_space<hbm>> -> memref<128x16xf32, #tpu.memory_space<hbm>>
      %dma_start3A_43 = arith.constant 0 : i32
      %dma_start3A_44 = tpu.memref_slice %arg6[%arg0, %add3A_32, %dma_start3A_43] : memref<2x10240x16xf32, #tpu.memory_space<hbm>> -> memref<1x128x16xf32, #tpu.memory_space<hbm>>
      %dma_start3A_45 = tpu.memref_squeeze %dma_start3A_44 : memref<1x128x16xf32, #tpu.memory_space<hbm>> -> memref<128x16xf32, #tpu.memory_space<hbm>>
      tpu.enqueue_dma source(%arg11 : memref<128x16xf32, #tpu.memory_space<vmem>>) target(%dma_start3A_45 : memref<128x16xf32, #tpu.memory_space<hbm>>) target_semaphore(%run_scoped3A : memref<!tpu.dma_semaphore, #tpu.memory_space<semaphore_mem>>)
      %dma_wait3A = arith.constant 0 : i32
      %dma_wait3A_46 = tpu.memref_slice %arg6[%arg0, %add3A_32, %dma_wait3A] : memref<2x10240x16xf32, #tpu.memory_space<hbm>> -> memref<1x128x16xf32, #tpu.memory_space<hbm>>
      %dma_wait3A_47 = tpu.memref_squeeze %dma_wait3A_46 : memref<1x128x16xf32, #tpu.memory_space<hbm>> -> memref<128x16xf32, #tpu.memory_space<hbm>>
      %dma_wait3A_48 = arith.constant 0 : i32
      %dma_wait3A_49 = tpu.memref_slice %arg6[%arg0, %add3A_32, %dma_wait3A_48] : memref<2x10240x16xf32, #tpu.memory_space<hbm>> -> memref<1x128x16xf32, #tpu.memory_space<hbm>>
      %dma_wait3A_50 = tpu.memref_squeeze %dma_wait3A_49 : memref<1x128x16xf32, #tpu.memory_space<hbm>> -> memref<128x16xf32, #tpu.memory_space<hbm>>
      tpu.wait_dma2 semaphore(%run_scoped3A : memref<!tpu.dma_semaphore, #tpu.memory_space<semaphore_mem>>) src(%arg11 : memref<128x16xf32, #tpu.memory_space<vmem>>) dst(%dma_wait3A_50 : memref<128x16xf32, #tpu.memory_space<hbm>>)
      tpu.yield
    }) : () -> ()
    "tpu.region"() ({
      %run_scoped3A = tpu.sem_alloc : memref<!tpu.dma_semaphore, #tpu.memory_space<semaphore_mem>>
      %dma_start3A = arith.constant 0 : i32
      %dma_start3A_41 = tpu.memref_slice %arg13[%add3A_32, %dma_start3A] : memref<10240x16xf32, #tpu.memory_space<vmem_shared>> -> memref<128x16xf32, #tpu.memory_space<vmem_shared>>
      %dma_start3A_42 = arith.constant 0 : i32
      %dma_start3A_43 = tpu.memref_slice %arg13[%add3A_32, %dma_start3A_42] : memref<10240x16xf32, #tpu.memory_space<vmem_shared>> -> memref<128x16xf32, #tpu.memory_space<vmem_shared>>
      tpu.enqueue_dma source(%dma_start3A_43 : memref<128x16xf32, #tpu.memory_space<vmem_shared>>) target(%arg11 : memref<128x16xf32, #tpu.memory_space<vmem>>) target_semaphore(%run_scoped3A : memref<!tpu.dma_semaphore, #tpu.memory_space<semaphore_mem>>)
      %dma_wait3A = arith.constant 0 : i32
      %dma_wait3A_44 = tpu.memref_slice %arg13[%add3A_32, %dma_wait3A] : memref<10240x16xf32, #tpu.memory_space<vmem_shared>> -> memref<128x16xf32, #tpu.memory_space<vmem_shared>>
      %dma_wait3A_45 = arith.constant 0 : i32
      %dma_wait3A_46 = tpu.memref_slice %arg13[%add3A_32, %dma_wait3A_45] : memref<10240x16xf32, #tpu.memory_space<vmem_shared>> -> memref<128x16xf32, #tpu.memory_space<vmem_shared>>
      tpu.wait_dma2 semaphore(%run_scoped3A : memref<!tpu.dma_semaphore, #tpu.memory_space<semaphore_mem>>) src(%dma_wait3A_46 : memref<128x16xf32, #tpu.memory_space<vmem_shared>>) dst(%arg11 : memref<128x16xf32, #tpu.memory_space<vmem>>)
      tpu.yield
    }) : () -> ()
    "tpu.region"() ({
      %run_scoped3A = tpu.sem_alloc : memref<!tpu.dma_semaphore, #tpu.memory_space<semaphore_mem>>
      %dma_start3A = arith.constant 0 : i32
      %dma_start3A_41 = tpu.memref_slice %arg7[%arg0, %add3A_32, %dma_start3A] : memref<2x10240x16xf32, #tpu.memory_space<hbm>> -> memref<1x128x16xf32, #tpu.memory_space<hbm>>
      %dma_start3A_42 = tpu.memref_squeeze %dma_start3A_41 : memref<1x128x16xf32, #tpu.memory_space<hbm>> -> memref<128x16xf32, #tpu.memory_space<hbm>>
      %dma_start3A_43 = arith.constant 0 : i32
      %dma_start3A_44 = tpu.memref_slice %arg7[%arg0, %add3A_32, %dma_start3A_43] : memref<2x10240x16xf32, #tpu.memory_space<hbm>> -> memref<1x128x16xf32, #tpu.memory_space<hbm>>
      %dma_start3A_45 = tpu.memref_squeeze %dma_start3A_44 : memref<1x128x16xf32, #tpu.memory_space<hbm>> -> memref<128x16xf32, #tpu.memory_space<hbm>>
      tpu.enqueue_dma source(%arg11 : memref<128x16xf32, #tpu.memory_space<vmem>>) target(%dma_start3A_45 : memref<128x16xf32, #tpu.memory_space<hbm>>) target_semaphore(%run_scoped3A : memref<!tpu.dma_semaphore, #tpu.memory_space<semaphore_mem>>)
      %dma_wait3A = arith.constant 0 : i32
      %dma_wait3A_46 = tpu.memref_slice %arg7[%arg0, %add3A_32, %dma_wait3A] : memref<2x10240x16xf32, #tpu.memory_space<hbm>> -> memref<1x128x16xf32, #tpu.memory_space<hbm>>
      %dma_wait3A_47 = tpu.memref_squeeze %dma_wait3A_46 : memref<1x128x16xf32, #tpu.memory_space<hbm>> -> memref<128x16xf32, #tpu.memory_space<hbm>>
      %dma_wait3A_48 = arith.constant 0 : i32
      %dma_wait3A_49 = tpu.memref_slice %arg7[%arg0, %add3A_32, %dma_wait3A_48] : memref<2x10240x16xf32, #tpu.memory_space<hbm>> -> memref<1x128x16xf32, #tpu.memory_space<hbm>>
      %dma_wait3A_50 = tpu.memref_squeeze %dma_wait3A_49 : memref<1x128x16xf32, #tpu.memory_space<hbm>> -> memref<128x16xf32, #tpu.memory_space<hbm>>
      tpu.wait_dma2 semaphore(%run_scoped3A : memref<!tpu.dma_semaphore, #tpu.memory_space<semaphore_mem>>) src(%arg11 : memref<128x16xf32, #tpu.memory_space<vmem>>) dst(%dma_wait3A_50 : memref<128x16xf32, #tpu.memory_space<hbm>>)
      tpu.yield
    }) : () -> ()
    %add3A_33 = arith.constant 128 : i32
    %add3A_34 = arith.addi %mul3A_2, %add3A_33 : i32
    "tpu.region"() ({
      %run_scoped3A = tpu.sem_alloc : memref<!tpu.dma_semaphore, #tpu.memory_space<semaphore_mem>>
      %dma_start3A = arith.constant 0 : i32
      %dma_start3A_41 = tpu.memref_slice %arg12[%add3A_34, %dma_start3A] : memref<10240x16xf32, #tpu.memory_space<vmem_shared>> -> memref<128x16xf32, #tpu.memory_space<vmem_shared>>
      %dma_start3A_42 = arith.constant 0 : i32
      %dma_start3A_43 = tpu.memref_slice %arg12[%add3A_34, %dma_start3A_42] : memref<10240x16xf32, #tpu.memory_space<vmem_shared>> -> memref<128x16xf32, #tpu.memory_space<vmem_shared>>
      tpu.enqueue_dma source(%dma_start3A_43 : memref<128x16xf32, #tpu.memory_space<vmem_shared>>) target(%arg11 : memref<128x16xf32, #tpu.memory_space<vmem>>) target_semaphore(%run_scoped3A : memref<!tpu.dma_semaphore, #tpu.memory_space<semaphore_mem>>)
      %dma_wait3A = arith.constant 0 : i32
      %dma_wait3A_44 = tpu.memref_slice %arg12[%add3A_34, %dma_wait3A] : memref<10240x16xf32, #tpu.memory_space<vmem_shared>> -> memref<128x16xf32, #tpu.memory_space<vmem_shared>>
      %dma_wait3A_45 = arith.constant 0 : i32
      %dma_wait3A_46 = tpu.memref_slice %arg12[%add3A_34, %dma_wait3A_45] : memref<10240x16xf32, #tpu.memory_space<vmem_shared>> -> memref<128x16xf32, #tpu.memory_space<vmem_shared>>
      tpu.wait_dma2 semaphore(%run_scoped3A : memref<!tpu.dma_semaphore, #tpu.memory_space<semaphore_mem>>) src(%dma_wait3A_46 : memref<128x16xf32, #tpu.memory_space<vmem_shared>>) dst(%arg11 : memref<128x16xf32, #tpu.memory_space<vmem>>)
      tpu.yield
    }) : () -> ()
    "tpu.region"() ({
      %run_scoped3A = tpu.sem_alloc : memref<!tpu.dma_semaphore, #tpu.memory_space<semaphore_mem>>
      %dma_start3A = arith.constant 0 : i32
      %dma_start3A_41 = tpu.memref_slice %arg6[%arg0, %add3A_34, %dma_start3A] : memref<2x10240x16xf32, #tpu.memory_space<hbm>> -> memref<1x128x16xf32, #tpu.memory_space<hbm>>
      %dma_start3A_42 = tpu.memref_squeeze %dma_start3A_41 : memref<1x128x16xf32, #tpu.memory_space<hbm>> -> memref<128x16xf32, #tpu.memory_space<hbm>>
      %dma_start3A_43 = arith.constant 0 : i32
      %dma_start3A_44 = tpu.memref_slice %arg6[%arg0, %add3A_34, %dma_start3A_43] : memref<2x10240x16xf32, #tpu.memory_space<hbm>> -> memref<1x128x16xf32, #tpu.memory_space<hbm>>
      %dma_start3A_45 = tpu.memref_squeeze %dma_start3A_44 : memref<1x128x16xf32, #tpu.memory_space<hbm>> -> memref<128x16xf32, #tpu.memory_space<hbm>>
      tpu.enqueue_dma source(%arg11 : memref<128x16xf32, #tpu.memory_space<vmem>>) target(%dma_start3A_45 : memref<128x16xf32, #tpu.memory_space<hbm>>) target_semaphore(%run_scoped3A : memref<!tpu.dma_semaphore, #tpu.memory_space<semaphore_mem>>)
      %dma_wait3A = arith.constant 0 : i32
      %dma_wait3A_46 = tpu.memref_slice %arg6[%arg0, %add3A_34, %dma_wait3A] : memref<2x10240x16xf32, #tpu.memory_space<hbm>> -> memref<1x128x16xf32, #tpu.memory_space<hbm>>
      %dma_wait3A_47 = tpu.memref_squeeze %dma_wait3A_46 : memref<1x128x16xf32, #tpu.memory_space<hbm>> -> memref<128x16xf32, #tpu.memory_space<hbm>>
      %dma_wait3A_48 = arith.constant 0 : i32
      %dma_wait3A_49 = tpu.memref_slice %arg6[%arg0, %add3A_34, %dma_wait3A_48] : memref<2x10240x16xf32, #tpu.memory_space<hbm>> -> memref<1x128x16xf32, #tpu.memory_space<hbm>>
      %dma_wait3A_50 = tpu.memref_squeeze %dma_wait3A_49 : memref<1x128x16xf32, #tpu.memory_space<hbm>> -> memref<128x16xf32, #tpu.memory_space<hbm>>
      tpu.wait_dma2 semaphore(%run_scoped3A : memref<!tpu.dma_semaphore, #tpu.memory_space<semaphore_mem>>) src(%arg11 : memref<128x16xf32, #tpu.memory_space<vmem>>) dst(%dma_wait3A_50 : memref<128x16xf32, #tpu.memory_space<hbm>>)
      tpu.yield
    }) : () -> ()
    "tpu.region"() ({
      %run_scoped3A = tpu.sem_alloc : memref<!tpu.dma_semaphore, #tpu.memory_space<semaphore_mem>>
      %dma_start3A = arith.constant 0 : i32
      %dma_start3A_41 = tpu.memref_slice %arg13[%add3A_34, %dma_start3A] : memref<10240x16xf32, #tpu.memory_space<vmem_shared>> -> memref<128x16xf32, #tpu.memory_space<vmem_shared>>
      %dma_start3A_42 = arith.constant 0 : i32
      %dma_start3A_43 = tpu.memref_slice %arg13[%add3A_34, %dma_start3A_42] : memref<10240x16xf32, #tpu.memory_space<vmem_shared>> -> memref<128x16xf32, #tpu.memory_space<vmem_shared>>
      tpu.enqueue_dma source(%dma_start3A_43 : memref<128x16xf32, #tpu.memory_space<vmem_shared>>) target(%arg11 : memref<128x16xf32, #tpu.memory_space<vmem>>) target_semaphore(%run_scoped3A : memref<!tpu.dma_semaphore, #tpu.memory_space<semaphore_mem>>)
      %dma_wait3A = arith.constant 0 : i32
      %dma_wait3A_44 = tpu.memref_slice %arg13[%add3A_34, %dma_wait3A] : memref<10240x16xf32, #tpu.memory_space<vmem_shared>> -> memref<128x16xf32, #tpu.memory_space<vmem_shared>>
      %dma_wait3A_45 = arith.constant 0 : i32
      %dma_wait3A_46 = tpu.memref_slice %arg13[%add3A_34, %dma_wait3A_45] : memref<10240x16xf32, #tpu.memory_space<vmem_shared>> -> memref<128x16xf32, #tpu.memory_space<vmem_shared>>
      tpu.wait_dma2 semaphore(%run_scoped3A : memref<!tpu.dma_semaphore, #tpu.memory_space<semaphore_mem>>) src(%dma_wait3A_46 : memref<128x16xf32, #tpu.memory_space<vmem_shared>>) dst(%arg11 : memref<128x16xf32, #tpu.memory_space<vmem>>)
      tpu.yield
    }) : () -> ()
    "tpu.region"() ({
      %run_scoped3A = tpu.sem_alloc : memref<!tpu.dma_semaphore, #tpu.memory_space<semaphore_mem>>
      %dma_start3A = arith.constant 0 : i32
      %dma_start3A_41 = tpu.memref_slice %arg7[%arg0, %add3A_34, %dma_start3A] : memref<2x10240x16xf32, #tpu.memory_space<hbm>> -> memref<1x128x16xf32, #tpu.memory_space<hbm>>
      %dma_start3A_42 = tpu.memref_squeeze %dma_start3A_41 : memref<1x128x16xf32, #tpu.memory_space<hbm>> -> memref<128x16xf32, #tpu.memory_space<hbm>>
      %dma_start3A_43 = arith.constant 0 : i32
      %dma_start3A_44 = tpu.memref_slice %arg7[%arg0, %add3A_34, %dma_start3A_43] : memref<2x10240x16xf32, #tpu.memory_space<hbm>> -> memref<1x128x16xf32, #tpu.memory_space<hbm>>
      %dma_start3A_45 = tpu.memref_squeeze %dma_start3A_44 : memref<1x128x16xf32, #tpu.memory_space<hbm>> -> memref<128x16xf32, #tpu.memory_space<hbm>>
      tpu.enqueue_dma source(%arg11 : memref<128x16xf32, #tpu.memory_space<vmem>>) target(%dma_start3A_45 : memref<128x16xf32, #tpu.memory_space<hbm>>) target_semaphore(%run_scoped3A : memref<!tpu.dma_semaphore, #tpu.memory_space<semaphore_mem>>)
      %dma_wait3A = arith.constant 0 : i32
      %dma_wait3A_46 = tpu.memref_slice %arg7[%arg0, %add3A_34, %dma_wait3A] : memref<2x10240x16xf32, #tpu.memory_space<hbm>> -> memref<1x128x16xf32, #tpu.memory_space<hbm>>
      %dma_wait3A_47 = tpu.memref_squeeze %dma_wait3A_46 : memref<1x128x16xf32, #tpu.memory_space<hbm>> -> memref<128x16xf32, #tpu.memory_space<hbm>>
      %dma_wait3A_48 = arith.constant 0 : i32
      %dma_wait3A_49 = tpu.memref_slice %arg7[%arg0, %add3A_34, %dma_wait3A_48] : memref<2x10240x16xf32, #tpu.memory_space<hbm>> -> memref<1x128x16xf32, #tpu.memory_space<hbm>>
      %dma_wait3A_50 = tpu.memref_squeeze %dma_wait3A_49 : memref<1x128x16xf32, #tpu.memory_space<hbm>> -> memref<128x16xf32, #tpu.memory_space<hbm>>
      tpu.wait_dma2 semaphore(%run_scoped3A : memref<!tpu.dma_semaphore, #tpu.memory_space<semaphore_mem>>) src(%arg11 : memref<128x16xf32, #tpu.memory_space<vmem>>) dst(%dma_wait3A_50 : memref<128x16xf32, #tpu.memory_space<hbm>>)
      tpu.yield
    }) : () -> ()
    %add3A_35 = arith.constant 256 : i32
    %add3A_36 = arith.addi %mul3A_2, %add3A_35 : i32
    "tpu.region"() ({
      %run_scoped3A = tpu.sem_alloc : memref<!tpu.dma_semaphore, #tpu.memory_space<semaphore_mem>>
      %dma_start3A = arith.constant 0 : i32
      %dma_start3A_41 = tpu.memref_slice %arg12[%add3A_36, %dma_start3A] : memref<10240x16xf32, #tpu.memory_space<vmem_shared>> -> memref<128x16xf32, #tpu.memory_space<vmem_shared>>
      %dma_start3A_42 = arith.constant 0 : i32
      %dma_start3A_43 = tpu.memref_slice %arg12[%add3A_36, %dma_start3A_42] : memref<10240x16xf32, #tpu.memory_space<vmem_shared>> -> memref<128x16xf32, #tpu.memory_space<vmem_shared>>
      tpu.enqueue_dma source(%dma_start3A_43 : memref<128x16xf32, #tpu.memory_space<vmem_shared>>) target(%arg11 : memref<128x16xf32, #tpu.memory_space<vmem>>) target_semaphore(%run_scoped3A : memref<!tpu.dma_semaphore, #tpu.memory_space<semaphore_mem>>)
      %dma_wait3A = arith.constant 0 : i32
      %dma_wait3A_44 = tpu.memref_slice %arg12[%add3A_36, %dma_wait3A] : memref<10240x16xf32, #tpu.memory_space<vmem_shared>> -> memref<128x16xf32, #tpu.memory_space<vmem_shared>>
      %dma_wait3A_45 = arith.constant 0 : i32
      %dma_wait3A_46 = tpu.memref_slice %arg12[%add3A_36, %dma_wait3A_45] : memref<10240x16xf32, #tpu.memory_space<vmem_shared>> -> memref<128x16xf32, #tpu.memory_space<vmem_shared>>
      tpu.wait_dma2 semaphore(%run_scoped3A : memref<!tpu.dma_semaphore, #tpu.memory_space<semaphore_mem>>) src(%dma_wait3A_46 : memref<128x16xf32, #tpu.memory_space<vmem_shared>>) dst(%arg11 : memref<128x16xf32, #tpu.memory_space<vmem>>)
      tpu.yield
    }) : () -> ()
    "tpu.region"() ({
      %run_scoped3A = tpu.sem_alloc : memref<!tpu.dma_semaphore, #tpu.memory_space<semaphore_mem>>
      %dma_start3A = arith.constant 0 : i32
      %dma_start3A_41 = tpu.memref_slice %arg6[%arg0, %add3A_36, %dma_start3A] : memref<2x10240x16xf32, #tpu.memory_space<hbm>> -> memref<1x128x16xf32, #tpu.memory_space<hbm>>
      %dma_start3A_42 = tpu.memref_squeeze %dma_start3A_41 : memref<1x128x16xf32, #tpu.memory_space<hbm>> -> memref<128x16xf32, #tpu.memory_space<hbm>>
      %dma_start3A_43 = arith.constant 0 : i32
      %dma_start3A_44 = tpu.memref_slice %arg6[%arg0, %add3A_36, %dma_start3A_43] : memref<2x10240x16xf32, #tpu.memory_space<hbm>> -> memref<1x128x16xf32, #tpu.memory_space<hbm>>
      %dma_start3A_45 = tpu.memref_squeeze %dma_start3A_44 : memref<1x128x16xf32, #tpu.memory_space<hbm>> -> memref<128x16xf32, #tpu.memory_space<hbm>>
      tpu.enqueue_dma source(%arg11 : memref<128x16xf32, #tpu.memory_space<vmem>>) target(%dma_start3A_45 : memref<128x16xf32, #tpu.memory_space<hbm>>) target_semaphore(%run_scoped3A : memref<!tpu.dma_semaphore, #tpu.memory_space<semaphore_mem>>)
      %dma_wait3A = arith.constant 0 : i32
      %dma_wait3A_46 = tpu.memref_slice %arg6[%arg0, %add3A_36, %dma_wait3A] : memref<2x10240x16xf32, #tpu.memory_space<hbm>> -> memref<1x128x16xf32, #tpu.memory_space<hbm>>
      %dma_wait3A_47 = tpu.memref_squeeze %dma_wait3A_46 : memref<1x128x16xf32, #tpu.memory_space<hbm>> -> memref<128x16xf32, #tpu.memory_space<hbm>>
      %dma_wait3A_48 = arith.constant 0 : i32
      %dma_wait3A_49 = tpu.memref_slice %arg6[%arg0, %add3A_36, %dma_wait3A_48] : memref<2x10240x16xf32, #tpu.memory_space<hbm>> -> memref<1x128x16xf32, #tpu.memory_space<hbm>>
      %dma_wait3A_50 = tpu.memref_squeeze %dma_wait3A_49 : memref<1x128x16xf32, #tpu.memory_space<hbm>> -> memref<128x16xf32, #tpu.memory_space<hbm>>
      tpu.wait_dma2 semaphore(%run_scoped3A : memref<!tpu.dma_semaphore, #tpu.memory_space<semaphore_mem>>) src(%arg11 : memref<128x16xf32, #tpu.memory_space<vmem>>) dst(%dma_wait3A_50 : memref<128x16xf32, #tpu.memory_space<hbm>>)
      tpu.yield
    }) : () -> ()
    "tpu.region"() ({
      %run_scoped3A = tpu.sem_alloc : memref<!tpu.dma_semaphore, #tpu.memory_space<semaphore_mem>>
      %dma_start3A = arith.constant 0 : i32
      %dma_start3A_41 = tpu.memref_slice %arg13[%add3A_36, %dma_start3A] : memref<10240x16xf32, #tpu.memory_space<vmem_shared>> -> memref<128x16xf32, #tpu.memory_space<vmem_shared>>
      %dma_start3A_42 = arith.constant 0 : i32
      %dma_start3A_43 = tpu.memref_slice %arg13[%add3A_36, %dma_start3A_42] : memref<10240x16xf32, #tpu.memory_space<vmem_shared>> -> memref<128x16xf32, #tpu.memory_space<vmem_shared>>
      tpu.enqueue_dma source(%dma_start3A_43 : memref<128x16xf32, #tpu.memory_space<vmem_shared>>) target(%arg11 : memref<128x16xf32, #tpu.memory_space<vmem>>) target_semaphore(%run_scoped3A : memref<!tpu.dma_semaphore, #tpu.memory_space<semaphore_mem>>)
      %dma_wait3A = arith.constant 0 : i32
      %dma_wait3A_44 = tpu.memref_slice %arg13[%add3A_36, %dma_wait3A] : memref<10240x16xf32, #tpu.memory_space<vmem_shared>> -> memref<128x16xf32, #tpu.memory_space<vmem_shared>>
      %dma_wait3A_45 = arith.constant 0 : i32
      %dma_wait3A_46 = tpu.memref_slice %arg13[%add3A_36, %dma_wait3A_45] : memref<10240x16xf32, #tpu.memory_space<vmem_shared>> -> memref<128x16xf32, #tpu.memory_space<vmem_shared>>
      tpu.wait_dma2 semaphore(%run_scoped3A : memref<!tpu.dma_semaphore, #tpu.memory_space<semaphore_mem>>) src(%dma_wait3A_46 : memref<128x16xf32, #tpu.memory_space<vmem_shared>>) dst(%arg11 : memref<128x16xf32, #tpu.memory_space<vmem>>)
      tpu.yield
    }) : () -> ()
    "tpu.region"() ({
      %run_scoped3A = tpu.sem_alloc : memref<!tpu.dma_semaphore, #tpu.memory_space<semaphore_mem>>
      %dma_start3A = arith.constant 0 : i32
      %dma_start3A_41 = tpu.memref_slice %arg7[%arg0, %add3A_36, %dma_start3A] : memref<2x10240x16xf32, #tpu.memory_space<hbm>> -> memref<1x128x16xf32, #tpu.memory_space<hbm>>
      %dma_start3A_42 = tpu.memref_squeeze %dma_start3A_41 : memref<1x128x16xf32, #tpu.memory_space<hbm>> -> memref<128x16xf32, #tpu.memory_space<hbm>>
      %dma_start3A_43 = arith.constant 0 : i32
      %dma_start3A_44 = tpu.memref_slice %arg7[%arg0, %add3A_36, %dma_start3A_43] : memref<2x10240x16xf32, #tpu.memory_space<hbm>> -> memref<1x128x16xf32, #tpu.memory_space<hbm>>
      %dma_start3A_45 = tpu.memref_squeeze %dma_start3A_44 : memref<1x128x16xf32, #tpu.memory_space<hbm>> -> memref<128x16xf32, #tpu.memory_space<hbm>>
      tpu.enqueue_dma source(%arg11 : memref<128x16xf32, #tpu.memory_space<vmem>>) target(%dma_start3A_45 : memref<128x16xf32, #tpu.memory_space<hbm>>) target_semaphore(%run_scoped3A : memref<!tpu.dma_semaphore, #tpu.memory_space<semaphore_mem>>)
      %dma_wait3A = arith.constant 0 : i32
      %dma_wait3A_46 = tpu.memref_slice %arg7[%arg0, %add3A_36, %dma_wait3A] : memref<2x10240x16xf32, #tpu.memory_space<hbm>> -> memref<1x128x16xf32, #tpu.memory_space<hbm>>
      %dma_wait3A_47 = tpu.memref_squeeze %dma_wait3A_46 : memref<1x128x16xf32, #tpu.memory_space<hbm>> -> memref<128x16xf32, #tpu.memory_space<hbm>>
      %dma_wait3A_48 = arith.constant 0 : i32
      %dma_wait3A_49 = tpu.memref_slice %arg7[%arg0, %add3A_36, %dma_wait3A_48] : memref<2x10240x16xf32, #tpu.memory_space<hbm>> -> memref<1x128x16xf32, #tpu.memory_space<hbm>>
      %dma_wait3A_50 = tpu.memref_squeeze %dma_wait3A_49 : memref<1x128x16xf32, #tpu.memory_space<hbm>> -> memref<128x16xf32, #tpu.memory_space<hbm>>
      tpu.wait_dma2 semaphore(%run_scoped3A : memref<!tpu.dma_semaphore, #tpu.memory_space<semaphore_mem>>) src(%arg11 : memref<128x16xf32, #tpu.memory_space<vmem>>) dst(%dma_wait3A_50 : memref<128x16xf32, #tpu.memory_space<hbm>>)
      tpu.yield
    }) : () -> ()
    %add3A_37 = arith.constant 384 : i32
    %add3A_38 = arith.addi %mul3A_2, %add3A_37 : i32
    "tpu.region"() ({
      %run_scoped3A = tpu.sem_alloc : memref<!tpu.dma_semaphore, #tpu.memory_space<semaphore_mem>>
      %dma_start3A = arith.constant 0 : i32
      %dma_start3A_41 = tpu.memref_slice %arg12[%add3A_38, %dma_start3A] : memref<10240x16xf32, #tpu.memory_space<vmem_shared>> -> memref<128x16xf32, #tpu.memory_space<vmem_shared>>
      %dma_start3A_42 = arith.constant 0 : i32
      %dma_start3A_43 = tpu.memref_slice %arg12[%add3A_38, %dma_start3A_42] : memref<10240x16xf32, #tpu.memory_space<vmem_shared>> -> memref<128x16xf32, #tpu.memory_space<vmem_shared>>
      tpu.enqueue_dma source(%dma_start3A_43 : memref<128x16xf32, #tpu.memory_space<vmem_shared>>) target(%arg11 : memref<128x16xf32, #tpu.memory_space<vmem>>) target_semaphore(%run_scoped3A : memref<!tpu.dma_semaphore, #tpu.memory_space<semaphore_mem>>)
      %dma_wait3A = arith.constant 0 : i32
      %dma_wait3A_44 = tpu.memref_slice %arg12[%add3A_38, %dma_wait3A] : memref<10240x16xf32, #tpu.memory_space<vmem_shared>> -> memref<128x16xf32, #tpu.memory_space<vmem_shared>>
      %dma_wait3A_45 = arith.constant 0 : i32
      %dma_wait3A_46 = tpu.memref_slice %arg12[%add3A_38, %dma_wait3A_45] : memref<10240x16xf32, #tpu.memory_space<vmem_shared>> -> memref<128x16xf32, #tpu.memory_space<vmem_shared>>
      tpu.wait_dma2 semaphore(%run_scoped3A : memref<!tpu.dma_semaphore, #tpu.memory_space<semaphore_mem>>) src(%dma_wait3A_46 : memref<128x16xf32, #tpu.memory_space<vmem_shared>>) dst(%arg11 : memref<128x16xf32, #tpu.memory_space<vmem>>)
      tpu.yield
    }) : () -> ()
    "tpu.region"() ({
      %run_scoped3A = tpu.sem_alloc : memref<!tpu.dma_semaphore, #tpu.memory_space<semaphore_mem>>
      %dma_start3A = arith.constant 0 : i32
      %dma_start3A_41 = tpu.memref_slice %arg6[%arg0, %add3A_38, %dma_start3A] : memref<2x10240x16xf32, #tpu.memory_space<hbm>> -> memref<1x128x16xf32, #tpu.memory_space<hbm>>
      %dma_start3A_42 = tpu.memref_squeeze %dma_start3A_41 : memref<1x128x16xf32, #tpu.memory_space<hbm>> -> memref<128x16xf32, #tpu.memory_space<hbm>>
      %dma_start3A_43 = arith.constant 0 : i32
      %dma_start3A_44 = tpu.memref_slice %arg6[%arg0, %add3A_38, %dma_start3A_43] : memref<2x10240x16xf32, #tpu.memory_space<hbm>> -> memref<1x128x16xf32, #tpu.memory_space<hbm>>
      %dma_start3A_45 = tpu.memref_squeeze %dma_start3A_44 : memref<1x128x16xf32, #tpu.memory_space<hbm>> -> memref<128x16xf32, #tpu.memory_space<hbm>>
      tpu.enqueue_dma source(%arg11 : memref<128x16xf32, #tpu.memory_space<vmem>>) target(%dma_start3A_45 : memref<128x16xf32, #tpu.memory_space<hbm>>) target_semaphore(%run_scoped3A : memref<!tpu.dma_semaphore, #tpu.memory_space<semaphore_mem>>)
      %dma_wait3A = arith.constant 0 : i32
      %dma_wait3A_46 = tpu.memref_slice %arg6[%arg0, %add3A_38, %dma_wait3A] : memref<2x10240x16xf32, #tpu.memory_space<hbm>> -> memref<1x128x16xf32, #tpu.memory_space<hbm>>
      %dma_wait3A_47 = tpu.memref_squeeze %dma_wait3A_46 : memref<1x128x16xf32, #tpu.memory_space<hbm>> -> memref<128x16xf32, #tpu.memory_space<hbm>>
      %dma_wait3A_48 = arith.constant 0 : i32
      %dma_wait3A_49 = tpu.memref_slice %arg6[%arg0, %add3A_38, %dma_wait3A_48] : memref<2x10240x16xf32, #tpu.memory_space<hbm>> -> memref<1x128x16xf32, #tpu.memory_space<hbm>>
      %dma_wait3A_50 = tpu.memref_squeeze %dma_wait3A_49 : memref<1x128x16xf32, #tpu.memory_space<hbm>> -> memref<128x16xf32, #tpu.memory_space<hbm>>
      tpu.wait_dma2 semaphore(%run_scoped3A : memref<!tpu.dma_semaphore, #tpu.memory_space<semaphore_mem>>) src(%arg11 : memref<128x16xf32, #tpu.memory_space<vmem>>) dst(%dma_wait3A_50 : memref<128x16xf32, #tpu.memory_space<hbm>>)
      tpu.yield
    }) : () -> ()
    "tpu.region"() ({
      %run_scoped3A = tpu.sem_alloc : memref<!tpu.dma_semaphore, #tpu.memory_space<semaphore_mem>>
      %dma_start3A = arith.constant 0 : i32
      %dma_start3A_41 = tpu.memref_slice %arg13[%add3A_38, %dma_start3A] : memref<10240x16xf32, #tpu.memory_space<vmem_shared>> -> memref<128x16xf32, #tpu.memory_space<vmem_shared>>
      %dma_start3A_42 = arith.constant 0 : i32
      %dma_start3A_43 = tpu.memref_slice %arg13[%add3A_38, %dma_start3A_42] : memref<10240x16xf32, #tpu.memory_space<vmem_shared>> -> memref<128x16xf32, #tpu.memory_space<vmem_shared>>
      tpu.enqueue_dma source(%dma_start3A_43 : memref<128x16xf32, #tpu.memory_space<vmem_shared>>) target(%arg11 : memref<128x16xf32, #tpu.memory_space<vmem>>) target_semaphore(%run_scoped3A : memref<!tpu.dma_semaphore, #tpu.memory_space<semaphore_mem>>)
      %dma_wait3A = arith.constant 0 : i32
      %dma_wait3A_44 = tpu.memref_slice %arg13[%add3A_38, %dma_wait3A] : memref<10240x16xf32, #tpu.memory_space<vmem_shared>> -> memref<128x16xf32, #tpu.memory_space<vmem_shared>>
      %dma_wait3A_45 = arith.constant 0 : i32
      %dma_wait3A_46 = tpu.memref_slice %arg13[%add3A_38, %dma_wait3A_45] : memref<10240x16xf32, #tpu.memory_space<vmem_shared>> -> memref<128x16xf32, #tpu.memory_space<vmem_shared>>
      tpu.wait_dma2 semaphore(%run_scoped3A : memref<!tpu.dma_semaphore, #tpu.memory_space<semaphore_mem>>) src(%dma_wait3A_46 : memref<128x16xf32, #tpu.memory_space<vmem_shared>>) dst(%arg11 : memref<128x16xf32, #tpu.memory_space<vmem>>)
      tpu.yield
    }) : () -> ()
    "tpu.region"() ({
      %run_scoped3A = tpu.sem_alloc : memref<!tpu.dma_semaphore, #tpu.memory_space<semaphore_mem>>
      %dma_start3A = arith.constant 0 : i32
      %dma_start3A_41 = tpu.memref_slice %arg7[%arg0, %add3A_38, %dma_start3A] : memref<2x10240x16xf32, #tpu.memory_space<hbm>> -> memref<1x128x16xf32, #tpu.memory_space<hbm>>
      %dma_start3A_42 = tpu.memref_squeeze %dma_start3A_41 : memref<1x128x16xf32, #tpu.memory_space<hbm>> -> memref<128x16xf32, #tpu.memory_space<hbm>>
      %dma_start3A_43 = arith.constant 0 : i32
      %dma_start3A_44 = tpu.memref_slice %arg7[%arg0, %add3A_38, %dma_start3A_43] : memref<2x10240x16xf32, #tpu.memory_space<hbm>> -> memref<1x128x16xf32, #tpu.memory_space<hbm>>
      %dma_start3A_45 = tpu.memref_squeeze %dma_start3A_44 : memref<1x128x16xf32, #tpu.memory_space<hbm>> -> memref<128x16xf32, #tpu.memory_space<hbm>>
      tpu.enqueue_dma source(%arg11 : memref<128x16xf32, #tpu.memory_space<vmem>>) target(%dma_start3A_45 : memref<128x16xf32, #tpu.memory_space<hbm>>) target_semaphore(%run_scoped3A : memref<!tpu.dma_semaphore, #tpu.memory_space<semaphore_mem>>)
      %dma_wait3A = arith.constant 0 : i32
      %dma_wait3A_46 = tpu.memref_slice %arg7[%arg0, %add3A_38, %dma_wait3A] : memref<2x10240x16xf32, #tpu.memory_space<hbm>> -> memref<1x128x16xf32, #tpu.memory_space<hbm>>
      %dma_wait3A_47 = tpu.memref_squeeze %dma_wait3A_46 : memref<1x128x16xf32, #tpu.memory_space<hbm>> -> memref<128x16xf32, #tpu.memory_space<hbm>>
      %dma_wait3A_48 = arith.constant 0 : i32
      %dma_wait3A_49 = tpu.memref_slice %arg7[%arg0, %add3A_38, %dma_wait3A_48] : memref<2x10240x16xf32, #tpu.memory_space<hbm>> -> memref<1x128x16xf32, #tpu.memory_space<hbm>>
      %dma_wait3A_50 = tpu.memref_squeeze %dma_wait3A_49 : memref<1x128x16xf32, #tpu.memory_space<hbm>> -> memref<128x16xf32, #tpu.memory_space<hbm>>
      tpu.wait_dma2 semaphore(%run_scoped3A : memref<!tpu.dma_semaphore, #tpu.memory_space<semaphore_mem>>) src(%arg11 : memref<128x16xf32, #tpu.memory_space<vmem>>) dst(%dma_wait3A_50 : memref<128x16xf32, #tpu.memory_space<hbm>>)
      tpu.yield
    }) : () -> ()
    %add3A_39 = arith.constant 512 : i32
    %add3A_40 = arith.addi %mul3A_2, %add3A_39 : i32
    "tpu.region"() ({
      %run_scoped3A = tpu.sem_alloc : memref<!tpu.dma_semaphore, #tpu.memory_space<semaphore_mem>>
      %dma_start3A = arith.constant 0 : i32
      %dma_start3A_41 = tpu.memref_slice %arg12[%add3A_40, %dma_start3A] : memref<10240x16xf32, #tpu.memory_space<vmem_shared>> -> memref<128x16xf32, #tpu.memory_space<vmem_shared>>
      %dma_start3A_42 = arith.constant 0 : i32
      %dma_start3A_43 = tpu.memref_slice %arg12[%add3A_40, %dma_start3A_42] : memref<10240x16xf32, #tpu.memory_space<vmem_shared>> -> memref<128x16xf32, #tpu.memory_space<vmem_shared>>
      tpu.enqueue_dma source(%dma_start3A_43 : memref<128x16xf32, #tpu.memory_space<vmem_shared>>) target(%arg11 : memref<128x16xf32, #tpu.memory_space<vmem>>) target_semaphore(%run_scoped3A : memref<!tpu.dma_semaphore, #tpu.memory_space<semaphore_mem>>)
      %dma_wait3A = arith.constant 0 : i32
      %dma_wait3A_44 = tpu.memref_slice %arg12[%add3A_40, %dma_wait3A] : memref<10240x16xf32, #tpu.memory_space<vmem_shared>> -> memref<128x16xf32, #tpu.memory_space<vmem_shared>>
      %dma_wait3A_45 = arith.constant 0 : i32
      %dma_wait3A_46 = tpu.memref_slice %arg12[%add3A_40, %dma_wait3A_45] : memref<10240x16xf32, #tpu.memory_space<vmem_shared>> -> memref<128x16xf32, #tpu.memory_space<vmem_shared>>
      tpu.wait_dma2 semaphore(%run_scoped3A : memref<!tpu.dma_semaphore, #tpu.memory_space<semaphore_mem>>) src(%dma_wait3A_46 : memref<128x16xf32, #tpu.memory_space<vmem_shared>>) dst(%arg11 : memref<128x16xf32, #tpu.memory_space<vmem>>)
      tpu.yield
    }) : () -> ()
    "tpu.region"() ({
      %run_scoped3A = tpu.sem_alloc : memref<!tpu.dma_semaphore, #tpu.memory_space<semaphore_mem>>
      %dma_start3A = arith.constant 0 : i32
      %dma_start3A_41 = tpu.memref_slice %arg6[%arg0, %add3A_40, %dma_start3A] : memref<2x10240x16xf32, #tpu.memory_space<hbm>> -> memref<1x128x16xf32, #tpu.memory_space<hbm>>
      %dma_start3A_42 = tpu.memref_squeeze %dma_start3A_41 : memref<1x128x16xf32, #tpu.memory_space<hbm>> -> memref<128x16xf32, #tpu.memory_space<hbm>>
      %dma_start3A_43 = arith.constant 0 : i32
      %dma_start3A_44 = tpu.memref_slice %arg6[%arg0, %add3A_40, %dma_start3A_43] : memref<2x10240x16xf32, #tpu.memory_space<hbm>> -> memref<1x128x16xf32, #tpu.memory_space<hbm>>
      %dma_start3A_45 = tpu.memref_squeeze %dma_start3A_44 : memref<1x128x16xf32, #tpu.memory_space<hbm>> -> memref<128x16xf32, #tpu.memory_space<hbm>>
      tpu.enqueue_dma source(%arg11 : memref<128x16xf32, #tpu.memory_space<vmem>>) target(%dma_start3A_45 : memref<128x16xf32, #tpu.memory_space<hbm>>) target_semaphore(%run_scoped3A : memref<!tpu.dma_semaphore, #tpu.memory_space<semaphore_mem>>)
      %dma_wait3A = arith.constant 0 : i32
      %dma_wait3A_46 = tpu.memref_slice %arg6[%arg0, %add3A_40, %dma_wait3A] : memref<2x10240x16xf32, #tpu.memory_space<hbm>> -> memref<1x128x16xf32, #tpu.memory_space<hbm>>
      %dma_wait3A_47 = tpu.memref_squeeze %dma_wait3A_46 : memref<1x128x16xf32, #tpu.memory_space<hbm>> -> memref<128x16xf32, #tpu.memory_space<hbm>>
      %dma_wait3A_48 = arith.constant 0 : i32
      %dma_wait3A_49 = tpu.memref_slice %arg6[%arg0, %add3A_40, %dma_wait3A_48] : memref<2x10240x16xf32, #tpu.memory_space<hbm>> -> memref<1x128x16xf32, #tpu.memory_space<hbm>>
      %dma_wait3A_50 = tpu.memref_squeeze %dma_wait3A_49 : memref<1x128x16xf32, #tpu.memory_space<hbm>> -> memref<128x16xf32, #tpu.memory_space<hbm>>
      tpu.wait_dma2 semaphore(%run_scoped3A : memref<!tpu.dma_semaphore, #tpu.memory_space<semaphore_mem>>) src(%arg11 : memref<128x16xf32, #tpu.memory_space<vmem>>) dst(%dma_wait3A_50 : memref<128x16xf32, #tpu.memory_space<hbm>>)
      tpu.yield
    }) : () -> ()
    "tpu.region"() ({
      %run_scoped3A = tpu.sem_alloc : memref<!tpu.dma_semaphore, #tpu.memory_space<semaphore_mem>>
      %dma_start3A = arith.constant 0 : i32
      %dma_start3A_41 = tpu.memref_slice %arg13[%add3A_40, %dma_start3A] : memref<10240x16xf32, #tpu.memory_space<vmem_shared>> -> memref<128x16xf32, #tpu.memory_space<vmem_shared>>
      %dma_start3A_42 = arith.constant 0 : i32
      %dma_start3A_43 = tpu.memref_slice %arg13[%add3A_40, %dma_start3A_42] : memref<10240x16xf32, #tpu.memory_space<vmem_shared>> -> memref<128x16xf32, #tpu.memory_space<vmem_shared>>
      tpu.enqueue_dma source(%dma_start3A_43 : memref<128x16xf32, #tpu.memory_space<vmem_shared>>) target(%arg11 : memref<128x16xf32, #tpu.memory_space<vmem>>) target_semaphore(%run_scoped3A : memref<!tpu.dma_semaphore, #tpu.memory_space<semaphore_mem>>)
      %dma_wait3A = arith.constant 0 : i32
      %dma_wait3A_44 = tpu.memref_slice %arg13[%add3A_40, %dma_wait3A] : memref<10240x16xf32, #tpu.memory_space<vmem_shared>> -> memref<128x16xf32, #tpu.memory_space<vmem_shared>>
      %dma_wait3A_45 = arith.constant 0 : i32
      %dma_wait3A_46 = tpu.memref_slice %arg13[%add3A_40, %dma_wait3A_45] : memref<10240x16xf32, #tpu.memory_space<vmem_shared>> -> memref<128x16xf32, #tpu.memory_space<vmem_shared>>
      tpu.wait_dma2 semaphore(%run_scoped3A : memref<!tpu.dma_semaphore, #tpu.memory_space<semaphore_mem>>) src(%dma_wait3A_46 : memref<128x16xf32, #tpu.memory_space<vmem_shared>>) dst(%arg11 : memref<128x16xf32, #tpu.memory_space<vmem>>)
      tpu.yield
    }) : () -> ()
    "tpu.region"() ({
      %run_scoped3A = tpu.sem_alloc : memref<!tpu.dma_semaphore, #tpu.memory_space<semaphore_mem>>
      %dma_start3A = arith.constant 0 : i32
      %dma_start3A_41 = tpu.memref_slice %arg7[%arg0, %add3A_40, %dma_start3A] : memref<2x10240x16xf32, #tpu.memory_space<hbm>> -> memref<1x128x16xf32, #tpu.memory_space<hbm>>
      %dma_start3A_42 = tpu.memref_squeeze %dma_start3A_41 : memref<1x128x16xf32, #tpu.memory_space<hbm>> -> memref<128x16xf32, #tpu.memory_space<hbm>>
      %dma_start3A_43 = arith.constant 0 : i32
      %dma_start3A_44 = tpu.memref_slice %arg7[%arg0, %add3A_40, %dma_start3A_43] : memref<2x10240x16xf32, #tpu.memory_space<hbm>> -> memref<1x128x16xf32, #tpu.memory_space<hbm>>
      %dma_start3A_45 = tpu.memref_squeeze %dma_start3A_44 : memref<1x128x16xf32, #tpu.memory_space<hbm>> -> memref<128x16xf32, #tpu.memory_space<hbm>>
      tpu.enqueue_dma source(%arg11 : memref<128x16xf32, #tpu.memory_space<vmem>>) target(%dma_start3A_45 : memref<128x16xf32, #tpu.memory_space<hbm>>) target_semaphore(%run_scoped3A : memref<!tpu.dma_semaphore, #tpu.memory_space<semaphore_mem>>)
      %dma_wait3A = arith.constant 0 : i32
      %dma_wait3A_46 = tpu.memref_slice %arg7[%arg0, %add3A_40, %dma_wait3A] : memref<2x10240x16xf32, #tpu.memory_space<hbm>> -> memref<1x128x16xf32, #tpu.memory_space<hbm>>
      %dma_wait3A_47 = tpu.memref_squeeze %dma_wait3A_46 : memref<1x128x16xf32, #tpu.memory_space<hbm>> -> memref<128x16xf32, #tpu.memory_space<hbm>>
      %dma_wait3A_48 = arith.constant 0 : i32
      %dma_wait3A_49 = tpu.memref_slice %arg7[%arg0, %add3A_40, %dma_wait3A_48] : memref<2x10240x16xf32, #tpu.memory_space<hbm>> -> memref<1x128x16xf32, #tpu.memory_space<hbm>>
      %dma_wait3A_50 = tpu.memref_squeeze %dma_wait3A_49 : memref<1x128x16xf32, #tpu.memory_space<hbm>> -> memref<128x16xf32, #tpu.memory_space<hbm>>
      tpu.wait_dma2 semaphore(%run_scoped3A : memref<!tpu.dma_semaphore, #tpu.memory_space<semaphore_mem>>) src(%arg11 : memref<128x16xf32, #tpu.memory_space<vmem>>) dst(%dma_wait3A_50 : memref<128x16xf32, #tpu.memory_space<hbm>>)
      tpu.yield
    }) : () -> ()
    return
  }
}

#map = affine_map<(d0, d1) -> (0, 0)>
#map1 = affine_map<(d0, d1) -> (0)>
#map2 = affine_map<(d0, d1) -> (0, 0, 0)>
module attributes {stable_mosaic.version = 14 : i64} {
  func.func @_prop(%arg0: i32, %arg1: i32, %arg2: memref<10000x128xf32, #tpu.memory_space<hbm>>, %arg3: memref<320000xi32, #tpu.memory_space<hbm>>, %arg4: memref<320000xi32, #tpu.memory_space<hbm>>, %arg5: memref<128x128xf32, #tpu.memory_space<hbm>>, %arg6: memref<2x10240x128xf32, #tpu.memory_space<hbm>>, %arg7: memref<80xi32, #tpu.memory_space<vmem>>, %arg8: memref<80xi32, #tpu.memory_space<vmem>>, %arg9: memref<80x128xf32, #tpu.memory_space<vmem>>, %arg10: memref<128x128xf32, #tpu.memory_space<vmem>>, %arg11: memref<10240x128xf32, #tpu.memory_space<vmem_shared>>, %arg12: memref<!tpu.dma_semaphore, #tpu.memory_space<semaphore_mem>>) attributes {dimension_semantics = [#tpu.dimension_semantics<core_parallel>, #tpu.dimension_semantics<subcore_parallel>], iteration_bounds = array<i64: 2, 16>, scalar_prefetch = 0 : i64, scratch_operands = 6 : i64, tpu.core_type = #tpu.core_type<sc_vector_subcore>, window_params = [{transform_indices = #map}, {transform_indices = #map1}, {transform_indices = #map1}, {transform_indices = #map}, {transform_indices = #map2}]} {
    %mul3A = arith.constant 16 : i32
    %mul3A_0 = arith.muli %arg0, %mul3A : i32
    %add3A = arith.addi %mul3A_0, %arg1 : i32
    %mul3A_1 = arith.constant 640 : i32
    %mul3A_2 = arith.muli %arg1, %mul3A_1 : i32
    "tpu.region"() ({
      %run_scoped3A = tpu.sem_alloc : memref<!tpu.dma_semaphore, #tpu.memory_space<semaphore_mem>>
      tpu.enqueue_dma source(%arg5 : memref<128x128xf32, #tpu.memory_space<hbm>>) target(%arg10 : memref<128x128xf32, #tpu.memory_space<vmem>>) target_semaphore(%run_scoped3A : memref<!tpu.dma_semaphore, #tpu.memory_space<semaphore_mem>>)
      tpu.wait_dma2 semaphore(%run_scoped3A : memref<!tpu.dma_semaphore, #tpu.memory_space<semaphore_mem>>) src(%arg5 : memref<128x128xf32, #tpu.memory_space<hbm>>) dst(%arg10 : memref<128x128xf32, #tpu.memory_space<vmem>>)
      tpu.yield
    }) : () -> ()
    %add3A_3 = arith.constant 0 : i32
    %add3A_4 = arith.addi %mul3A_2, %add3A_3 : i32
    "tpu.region"() ({
      %run_scoped3A = tpu.sem_alloc : memref<!tpu.dma_semaphore, #tpu.memory_space<semaphore_mem>>
      %dma_start3A = arith.constant 0 : i32
      %dma_start3A_31 = tpu.memref_slice %arg11[%add3A_4, %dma_start3A] : memref<10240x128xf32, #tpu.memory_space<vmem_shared>> -> memref<128x128xf32, #tpu.memory_space<vmem_shared>>
      %dma_start3A_32 = arith.constant 0 : i32
      %dma_start3A_33 = tpu.memref_slice %arg11[%add3A_4, %dma_start3A_32] : memref<10240x128xf32, #tpu.memory_space<vmem_shared>> -> memref<128x128xf32, #tpu.memory_space<vmem_shared>>
      tpu.enqueue_dma source(%arg10 : memref<128x128xf32, #tpu.memory_space<vmem>>) target(%dma_start3A_33 : memref<128x128xf32, #tpu.memory_space<vmem_shared>>) target_semaphore(%run_scoped3A : memref<!tpu.dma_semaphore, #tpu.memory_space<semaphore_mem>>)
      %dma_wait3A = arith.constant 0 : i32
      %dma_wait3A_34 = tpu.memref_slice %arg11[%add3A_4, %dma_wait3A] : memref<10240x128xf32, #tpu.memory_space<vmem_shared>> -> memref<128x128xf32, #tpu.memory_space<vmem_shared>>
      %dma_wait3A_35 = arith.constant 0 : i32
      %dma_wait3A_36 = tpu.memref_slice %arg11[%add3A_4, %dma_wait3A_35] : memref<10240x128xf32, #tpu.memory_space<vmem_shared>> -> memref<128x128xf32, #tpu.memory_space<vmem_shared>>
      tpu.wait_dma2 semaphore(%run_scoped3A : memref<!tpu.dma_semaphore, #tpu.memory_space<semaphore_mem>>) src(%arg10 : memref<128x128xf32, #tpu.memory_space<vmem>>) dst(%dma_wait3A_36 : memref<128x128xf32, #tpu.memory_space<vmem_shared>>)
      tpu.yield
    }) : () -> ()
    %add3A_5 = arith.constant 128 : i32
    %add3A_6 = arith.addi %mul3A_2, %add3A_5 : i32
    "tpu.region"() ({
      %run_scoped3A = tpu.sem_alloc : memref<!tpu.dma_semaphore, #tpu.memory_space<semaphore_mem>>
      %dma_start3A = arith.constant 0 : i32
      %dma_start3A_31 = tpu.memref_slice %arg11[%add3A_6, %dma_start3A] : memref<10240x128xf32, #tpu.memory_space<vmem_shared>> -> memref<128x128xf32, #tpu.memory_space<vmem_shared>>
      %dma_start3A_32 = arith.constant 0 : i32
      %dma_start3A_33 = tpu.memref_slice %arg11[%add3A_6, %dma_start3A_32] : memref<10240x128xf32, #tpu.memory_space<vmem_shared>> -> memref<128x128xf32, #tpu.memory_space<vmem_shared>>
      tpu.enqueue_dma source(%arg10 : memref<128x128xf32, #tpu.memory_space<vmem>>) target(%dma_start3A_33 : memref<128x128xf32, #tpu.memory_space<vmem_shared>>) target_semaphore(%run_scoped3A : memref<!tpu.dma_semaphore, #tpu.memory_space<semaphore_mem>>)
      %dma_wait3A = arith.constant 0 : i32
      %dma_wait3A_34 = tpu.memref_slice %arg11[%add3A_6, %dma_wait3A] : memref<10240x128xf32, #tpu.memory_space<vmem_shared>> -> memref<128x128xf32, #tpu.memory_space<vmem_shared>>
      %dma_wait3A_35 = arith.constant 0 : i32
      %dma_wait3A_36 = tpu.memref_slice %arg11[%add3A_6, %dma_wait3A_35] : memref<10240x128xf32, #tpu.memory_space<vmem_shared>> -> memref<128x128xf32, #tpu.memory_space<vmem_shared>>
      tpu.wait_dma2 semaphore(%run_scoped3A : memref<!tpu.dma_semaphore, #tpu.memory_space<semaphore_mem>>) src(%arg10 : memref<128x128xf32, #tpu.memory_space<vmem>>) dst(%dma_wait3A_36 : memref<128x128xf32, #tpu.memory_space<vmem_shared>>)
      tpu.yield
    }) : () -> ()
    %add3A_7 = arith.constant 256 : i32
    %add3A_8 = arith.addi %mul3A_2, %add3A_7 : i32
    "tpu.region"() ({
      %run_scoped3A = tpu.sem_alloc : memref<!tpu.dma_semaphore, #tpu.memory_space<semaphore_mem>>
      %dma_start3A = arith.constant 0 : i32
      %dma_start3A_31 = tpu.memref_slice %arg11[%add3A_8, %dma_start3A] : memref<10240x128xf32, #tpu.memory_space<vmem_shared>> -> memref<128x128xf32, #tpu.memory_space<vmem_shared>>
      %dma_start3A_32 = arith.constant 0 : i32
      %dma_start3A_33 = tpu.memref_slice %arg11[%add3A_8, %dma_start3A_32] : memref<10240x128xf32, #tpu.memory_space<vmem_shared>> -> memref<128x128xf32, #tpu.memory_space<vmem_shared>>
      tpu.enqueue_dma source(%arg10 : memref<128x128xf32, #tpu.memory_space<vmem>>) target(%dma_start3A_33 : memref<128x128xf32, #tpu.memory_space<vmem_shared>>) target_semaphore(%run_scoped3A : memref<!tpu.dma_semaphore, #tpu.memory_space<semaphore_mem>>)
      %dma_wait3A = arith.constant 0 : i32
      %dma_wait3A_34 = tpu.memref_slice %arg11[%add3A_8, %dma_wait3A] : memref<10240x128xf32, #tpu.memory_space<vmem_shared>> -> memref<128x128xf32, #tpu.memory_space<vmem_shared>>
      %dma_wait3A_35 = arith.constant 0 : i32
      %dma_wait3A_36 = tpu.memref_slice %arg11[%add3A_8, %dma_wait3A_35] : memref<10240x128xf32, #tpu.memory_space<vmem_shared>> -> memref<128x128xf32, #tpu.memory_space<vmem_shared>>
      tpu.wait_dma2 semaphore(%run_scoped3A : memref<!tpu.dma_semaphore, #tpu.memory_space<semaphore_mem>>) src(%arg10 : memref<128x128xf32, #tpu.memory_space<vmem>>) dst(%dma_wait3A_36 : memref<128x128xf32, #tpu.memory_space<vmem_shared>>)
      tpu.yield
    }) : () -> ()
    %add3A_9 = arith.constant 384 : i32
    %add3A_10 = arith.addi %mul3A_2, %add3A_9 : i32
    "tpu.region"() ({
      %run_scoped3A = tpu.sem_alloc : memref<!tpu.dma_semaphore, #tpu.memory_space<semaphore_mem>>
      %dma_start3A = arith.constant 0 : i32
      %dma_start3A_31 = tpu.memref_slice %arg11[%add3A_10, %dma_start3A] : memref<10240x128xf32, #tpu.memory_space<vmem_shared>> -> memref<128x128xf32, #tpu.memory_space<vmem_shared>>
      %dma_start3A_32 = arith.constant 0 : i32
      %dma_start3A_33 = tpu.memref_slice %arg11[%add3A_10, %dma_start3A_32] : memref<10240x128xf32, #tpu.memory_space<vmem_shared>> -> memref<128x128xf32, #tpu.memory_space<vmem_shared>>
      tpu.enqueue_dma source(%arg10 : memref<128x128xf32, #tpu.memory_space<vmem>>) target(%dma_start3A_33 : memref<128x128xf32, #tpu.memory_space<vmem_shared>>) target_semaphore(%run_scoped3A : memref<!tpu.dma_semaphore, #tpu.memory_space<semaphore_mem>>)
      %dma_wait3A = arith.constant 0 : i32
      %dma_wait3A_34 = tpu.memref_slice %arg11[%add3A_10, %dma_wait3A] : memref<10240x128xf32, #tpu.memory_space<vmem_shared>> -> memref<128x128xf32, #tpu.memory_space<vmem_shared>>
      %dma_wait3A_35 = arith.constant 0 : i32
      %dma_wait3A_36 = tpu.memref_slice %arg11[%add3A_10, %dma_wait3A_35] : memref<10240x128xf32, #tpu.memory_space<vmem_shared>> -> memref<128x128xf32, #tpu.memory_space<vmem_shared>>
      tpu.wait_dma2 semaphore(%run_scoped3A : memref<!tpu.dma_semaphore, #tpu.memory_space<semaphore_mem>>) src(%arg10 : memref<128x128xf32, #tpu.memory_space<vmem>>) dst(%dma_wait3A_36 : memref<128x128xf32, #tpu.memory_space<vmem_shared>>)
      tpu.yield
    }) : () -> ()
    %add3A_11 = arith.constant 512 : i32
    %add3A_12 = arith.addi %mul3A_2, %add3A_11 : i32
    "tpu.region"() ({
      %run_scoped3A = tpu.sem_alloc : memref<!tpu.dma_semaphore, #tpu.memory_space<semaphore_mem>>
      %dma_start3A = arith.constant 0 : i32
      %dma_start3A_31 = tpu.memref_slice %arg11[%add3A_12, %dma_start3A] : memref<10240x128xf32, #tpu.memory_space<vmem_shared>> -> memref<128x128xf32, #tpu.memory_space<vmem_shared>>
      %dma_start3A_32 = arith.constant 0 : i32
      %dma_start3A_33 = tpu.memref_slice %arg11[%add3A_12, %dma_start3A_32] : memref<10240x128xf32, #tpu.memory_space<vmem_shared>> -> memref<128x128xf32, #tpu.memory_space<vmem_shared>>
      tpu.enqueue_dma source(%arg10 : memref<128x128xf32, #tpu.memory_space<vmem>>) target(%dma_start3A_33 : memref<128x128xf32, #tpu.memory_space<vmem_shared>>) target_semaphore(%run_scoped3A : memref<!tpu.dma_semaphore, #tpu.memory_space<semaphore_mem>>)
      %dma_wait3A = arith.constant 0 : i32
      %dma_wait3A_34 = tpu.memref_slice %arg11[%add3A_12, %dma_wait3A] : memref<10240x128xf32, #tpu.memory_space<vmem_shared>> -> memref<128x128xf32, #tpu.memory_space<vmem_shared>>
      %dma_wait3A_35 = arith.constant 0 : i32
      %dma_wait3A_36 = tpu.memref_slice %arg11[%add3A_12, %dma_wait3A_35] : memref<10240x128xf32, #tpu.memory_space<vmem_shared>> -> memref<128x128xf32, #tpu.memory_space<vmem_shared>>
      tpu.wait_dma2 semaphore(%run_scoped3A : memref<!tpu.dma_semaphore, #tpu.memory_space<semaphore_mem>>) src(%arg10 : memref<128x128xf32, #tpu.memory_space<vmem>>) dst(%dma_wait3A_36 : memref<128x128xf32, #tpu.memory_space<vmem_shared>>)
      tpu.yield
    }) : () -> ()
    %barrier3A = arith.constant 0 : index
    tpu.barrier barrier_id(%barrier3A)
    %mul3A_13 = arith.constant 10000 : i32
    %mul3A_14 = arith.muli %add3A, %mul3A_13 : i32
    %scan3A = arith.constant 0 : i32
    %scan3A_15 = arith.constant 0 : i32
    %scan3A_16 = arith.constant 125 : i32
    %scan3A_17 = arith.addi %scan3A_15, %scan3A_16 : i32
    %scan3A_18 = arith.constant 1 : i32
    scf.for %scan3A_31 = %scan3A_15 to %scan3A_17 step %scan3A_18  : i32 {
      %mul3A_32 = arith.constant 80 : i32
      %mul3A_33 = arith.muli %scan3A_31, %mul3A_32 : i32
      %add3A_34 = arith.addi %mul3A_14, %mul3A_33 : i32
      "tpu.region"() ({
        %run_scoped3A = tpu.sem_alloc : memref<!tpu.dma_semaphore, #tpu.memory_space<semaphore_mem>>
        %dma_start3A_39 = tpu.memref_slice %arg3[%add3A_34] : memref<320000xi32, #tpu.memory_space<hbm>> -> memref<80xi32, #tpu.memory_space<hbm>>
        %dma_start3A_40 = tpu.memref_slice %arg3[%add3A_34] : memref<320000xi32, #tpu.memory_space<hbm>> -> memref<80xi32, #tpu.memory_space<hbm>>
        tpu.enqueue_dma source(%dma_start3A_40 : memref<80xi32, #tpu.memory_space<hbm>>) target(%arg7 : memref<80xi32, #tpu.memory_space<vmem>>) target_semaphore(%run_scoped3A : memref<!tpu.dma_semaphore, #tpu.memory_space<semaphore_mem>>)
        %dma_wait3A_41 = tpu.memref_slice %arg3[%add3A_34] : memref<320000xi32, #tpu.memory_space<hbm>> -> memref<80xi32, #tpu.memory_space<hbm>>
        %dma_wait3A_42 = tpu.memref_slice %arg3[%add3A_34] : memref<320000xi32, #tpu.memory_space<hbm>> -> memref<80xi32, #tpu.memory_space<hbm>>
        tpu.wait_dma2 semaphore(%run_scoped3A : memref<!tpu.dma_semaphore, #tpu.memory_space<semaphore_mem>>) src(%dma_wait3A_42 : memref<80xi32, #tpu.memory_space<hbm>>) dst(%arg7 : memref<80xi32, #tpu.memory_space<vmem>>)
        tpu.yield
      }) : () -> ()
      "tpu.region"() ({
        %run_scoped3A = tpu.sem_alloc : memref<!tpu.dma_semaphore, #tpu.memory_space<semaphore_mem>>
        %dma_start3A_39 = tpu.memref_slice %arg4[%add3A_34] : memref<320000xi32, #tpu.memory_space<hbm>> -> memref<80xi32, #tpu.memory_space<hbm>>
        %dma_start3A_40 = tpu.memref_slice %arg4[%add3A_34] : memref<320000xi32, #tpu.memory_space<hbm>> -> memref<80xi32, #tpu.memory_space<hbm>>
        tpu.enqueue_dma source(%dma_start3A_40 : memref<80xi32, #tpu.memory_space<hbm>>) target(%arg8 : memref<80xi32, #tpu.memory_space<vmem>>) target_semaphore(%run_scoped3A : memref<!tpu.dma_semaphore, #tpu.memory_space<semaphore_mem>>)
        %dma_wait3A_41 = tpu.memref_slice %arg4[%add3A_34] : memref<320000xi32, #tpu.memory_space<hbm>> -> memref<80xi32, #tpu.memory_space<hbm>>
        %dma_wait3A_42 = tpu.memref_slice %arg4[%add3A_34] : memref<320000xi32, #tpu.memory_space<hbm>> -> memref<80xi32, #tpu.memory_space<hbm>>
        tpu.wait_dma2 semaphore(%run_scoped3A : memref<!tpu.dma_semaphore, #tpu.memory_space<semaphore_mem>>) src(%dma_wait3A_42 : memref<80xi32, #tpu.memory_space<hbm>>) dst(%arg8 : memref<80xi32, #tpu.memory_space<vmem>>)
        tpu.yield
      }) : () -> ()
      %dma_start3A = arith.constant 0 : i32
      %dma_start3A_35 = arith.constant 0 : i32
      %dma_start3A_36 = tpu.memref_slice %arg2[%dma_start3A, %dma_start3A_35] : memref<10000x128xf32, #tpu.memory_space<hbm>> -> memref<10000x128xf32, #tpu.memory_space<hbm>>
      tpu.enqueue_indirect_dma source(%dma_start3A_36 : memref<10000x128xf32, #tpu.memory_space<hbm>>) target(%arg9 : memref<80x128xf32, #tpu.memory_space<vmem>>) offsets(%arg7 : memref<80xi32, #tpu.memory_space<vmem>>) semaphore(%arg12 : memref<!tpu.dma_semaphore, #tpu.memory_space<semaphore_mem>>)
      %dma_wait3A = arith.constant 0 : i32
      %dma_wait3A_37 = arith.constant 0 : i32
      %dma_wait3A_38 = tpu.memref_slice %arg2[%dma_wait3A, %dma_wait3A_37] : memref<10000x128xf32, #tpu.memory_space<hbm>> -> memref<10000x128xf32, #tpu.memory_space<hbm>>
      tpu.wait_indirect_dma semaphore(%arg12 : memref<!tpu.dma_semaphore, #tpu.memory_space<semaphore_mem>>) src(%dma_wait3A_38 : memref<10000x128xf32, #tpu.memory_space<hbm>>) dst(%arg9 : memref<80x128xf32, #tpu.memory_space<vmem>>)
      "tpu.region"() ({
        %run_scoped3A = tpu.sem_alloc : memref<!tpu.dma_semaphore, #tpu.memory_space<semaphore_mem>>
        %dma_start3A_39 = arith.constant 0 : i32
        %dma_start3A_40 = arith.constant 0 : i32
        %dma_start3A_41 = tpu.memref_slice %arg11[%dma_start3A_39, %dma_start3A_40] : memref<10240x128xf32, #tpu.memory_space<vmem_shared>> -> memref<10240x128xf32, #tpu.memory_space<vmem_shared>>
        tpu.enqueue_indirect_dma source(%arg9 : memref<80x128xf32, #tpu.memory_space<vmem>>) target(%dma_start3A_41 : memref<10240x128xf32, #tpu.memory_space<vmem_shared>>) offsets(%arg8 : memref<80xi32, #tpu.memory_space<vmem>>) semaphore(%run_scoped3A : memref<!tpu.dma_semaphore, #tpu.memory_space<semaphore_mem>>) {add = true}
        %dma_wait3A_42 = arith.constant 0 : i32
        %dma_wait3A_43 = arith.constant 0 : i32
        %dma_wait3A_44 = tpu.memref_slice %arg11[%dma_wait3A_42, %dma_wait3A_43] : memref<10240x128xf32, #tpu.memory_space<vmem_shared>> -> memref<10240x128xf32, #tpu.memory_space<vmem_shared>>
        tpu.wait_indirect_dma semaphore(%run_scoped3A : memref<!tpu.dma_semaphore, #tpu.memory_space<semaphore_mem>>) src(%arg9 : memref<80x128xf32, #tpu.memory_space<vmem>>) dst(%dma_wait3A_44 : memref<10240x128xf32, #tpu.memory_space<vmem_shared>>)
        tpu.yield
      }) : () -> ()
    }
    %scan3A_19 = arith.constant 125 : i32
    %barrier3A_20 = arith.constant 0 : index
    tpu.barrier barrier_id(%barrier3A_20)
    %add3A_21 = arith.constant 0 : i32
    %add3A_22 = arith.addi %mul3A_2, %add3A_21 : i32
    "tpu.region"() ({
      %run_scoped3A = tpu.sem_alloc : memref<!tpu.dma_semaphore, #tpu.memory_space<semaphore_mem>>
      %dma_start3A = arith.constant 0 : i32
      %dma_start3A_31 = tpu.memref_slice %arg11[%add3A_22, %dma_start3A] : memref<10240x128xf32, #tpu.memory_space<vmem_shared>> -> memref<128x128xf32, #tpu.memory_space<vmem_shared>>
      %dma_start3A_32 = arith.constant 0 : i32
      %dma_start3A_33 = tpu.memref_slice %arg11[%add3A_22, %dma_start3A_32] : memref<10240x128xf32, #tpu.memory_space<vmem_shared>> -> memref<128x128xf32, #tpu.memory_space<vmem_shared>>
      tpu.enqueue_dma source(%dma_start3A_33 : memref<128x128xf32, #tpu.memory_space<vmem_shared>>) target(%arg10 : memref<128x128xf32, #tpu.memory_space<vmem>>) target_semaphore(%run_scoped3A : memref<!tpu.dma_semaphore, #tpu.memory_space<semaphore_mem>>)
      %dma_wait3A = arith.constant 0 : i32
      %dma_wait3A_34 = tpu.memref_slice %arg11[%add3A_22, %dma_wait3A] : memref<10240x128xf32, #tpu.memory_space<vmem_shared>> -> memref<128x128xf32, #tpu.memory_space<vmem_shared>>
      %dma_wait3A_35 = arith.constant 0 : i32
      %dma_wait3A_36 = tpu.memref_slice %arg11[%add3A_22, %dma_wait3A_35] : memref<10240x128xf32, #tpu.memory_space<vmem_shared>> -> memref<128x128xf32, #tpu.memory_space<vmem_shared>>
      tpu.wait_dma2 semaphore(%run_scoped3A : memref<!tpu.dma_semaphore, #tpu.memory_space<semaphore_mem>>) src(%dma_wait3A_36 : memref<128x128xf32, #tpu.memory_space<vmem_shared>>) dst(%arg10 : memref<128x128xf32, #tpu.memory_space<vmem>>)
      tpu.yield
    }) : () -> ()
    "tpu.region"() ({
      %run_scoped3A = tpu.sem_alloc : memref<!tpu.dma_semaphore, #tpu.memory_space<semaphore_mem>>
      %dma_start3A = arith.constant 0 : i32
      %dma_start3A_31 = tpu.memref_slice %arg6[%arg0, %add3A_22, %dma_start3A] : memref<2x10240x128xf32, #tpu.memory_space<hbm>> -> memref<1x128x128xf32, #tpu.memory_space<hbm>>
      %dma_start3A_32 = tpu.memref_squeeze %dma_start3A_31 : memref<1x128x128xf32, #tpu.memory_space<hbm>> -> memref<128x128xf32, #tpu.memory_space<hbm>>
      %dma_start3A_33 = arith.constant 0 : i32
      %dma_start3A_34 = tpu.memref_slice %arg6[%arg0, %add3A_22, %dma_start3A_33] : memref<2x10240x128xf32, #tpu.memory_space<hbm>> -> memref<1x128x128xf32, #tpu.memory_space<hbm>>
      %dma_start3A_35 = tpu.memref_squeeze %dma_start3A_34 : memref<1x128x128xf32, #tpu.memory_space<hbm>> -> memref<128x128xf32, #tpu.memory_space<hbm>>
      tpu.enqueue_dma source(%arg10 : memref<128x128xf32, #tpu.memory_space<vmem>>) target(%dma_start3A_35 : memref<128x128xf32, #tpu.memory_space<hbm>>) target_semaphore(%run_scoped3A : memref<!tpu.dma_semaphore, #tpu.memory_space<semaphore_mem>>)
      %dma_wait3A = arith.constant 0 : i32
      %dma_wait3A_36 = tpu.memref_slice %arg6[%arg0, %add3A_22, %dma_wait3A] : memref<2x10240x128xf32, #tpu.memory_space<hbm>> -> memref<1x128x128xf32, #tpu.memory_space<hbm>>
      %dma_wait3A_37 = tpu.memref_squeeze %dma_wait3A_36 : memref<1x128x128xf32, #tpu.memory_space<hbm>> -> memref<128x128xf32, #tpu.memory_space<hbm>>
      %dma_wait3A_38 = arith.constant 0 : i32
      %dma_wait3A_39 = tpu.memref_slice %arg6[%arg0, %add3A_22, %dma_wait3A_38] : memref<2x10240x128xf32, #tpu.memory_space<hbm>> -> memref<1x128x128xf32, #tpu.memory_space<hbm>>
      %dma_wait3A_40 = tpu.memref_squeeze %dma_wait3A_39 : memref<1x128x128xf32, #tpu.memory_space<hbm>> -> memref<128x128xf32, #tpu.memory_space<hbm>>
      tpu.wait_dma2 semaphore(%run_scoped3A : memref<!tpu.dma_semaphore, #tpu.memory_space<semaphore_mem>>) src(%arg10 : memref<128x128xf32, #tpu.memory_space<vmem>>) dst(%dma_wait3A_40 : memref<128x128xf32, #tpu.memory_space<hbm>>)
      tpu.yield
    }) : () -> ()
    %add3A_23 = arith.constant 128 : i32
    %add3A_24 = arith.addi %mul3A_2, %add3A_23 : i32
    "tpu.region"() ({
      %run_scoped3A = tpu.sem_alloc : memref<!tpu.dma_semaphore, #tpu.memory_space<semaphore_mem>>
      %dma_start3A = arith.constant 0 : i32
      %dma_start3A_31 = tpu.memref_slice %arg11[%add3A_24, %dma_start3A] : memref<10240x128xf32, #tpu.memory_space<vmem_shared>> -> memref<128x128xf32, #tpu.memory_space<vmem_shared>>
      %dma_start3A_32 = arith.constant 0 : i32
      %dma_start3A_33 = tpu.memref_slice %arg11[%add3A_24, %dma_start3A_32] : memref<10240x128xf32, #tpu.memory_space<vmem_shared>> -> memref<128x128xf32, #tpu.memory_space<vmem_shared>>
      tpu.enqueue_dma source(%dma_start3A_33 : memref<128x128xf32, #tpu.memory_space<vmem_shared>>) target(%arg10 : memref<128x128xf32, #tpu.memory_space<vmem>>) target_semaphore(%run_scoped3A : memref<!tpu.dma_semaphore, #tpu.memory_space<semaphore_mem>>)
      %dma_wait3A = arith.constant 0 : i32
      %dma_wait3A_34 = tpu.memref_slice %arg11[%add3A_24, %dma_wait3A] : memref<10240x128xf32, #tpu.memory_space<vmem_shared>> -> memref<128x128xf32, #tpu.memory_space<vmem_shared>>
      %dma_wait3A_35 = arith.constant 0 : i32
      %dma_wait3A_36 = tpu.memref_slice %arg11[%add3A_24, %dma_wait3A_35] : memref<10240x128xf32, #tpu.memory_space<vmem_shared>> -> memref<128x128xf32, #tpu.memory_space<vmem_shared>>
      tpu.wait_dma2 semaphore(%run_scoped3A : memref<!tpu.dma_semaphore, #tpu.memory_space<semaphore_mem>>) src(%dma_wait3A_36 : memref<128x128xf32, #tpu.memory_space<vmem_shared>>) dst(%arg10 : memref<128x128xf32, #tpu.memory_space<vmem>>)
      tpu.yield
    }) : () -> ()
    "tpu.region"() ({
      %run_scoped3A = tpu.sem_alloc : memref<!tpu.dma_semaphore, #tpu.memory_space<semaphore_mem>>
      %dma_start3A = arith.constant 0 : i32
      %dma_start3A_31 = tpu.memref_slice %arg6[%arg0, %add3A_24, %dma_start3A] : memref<2x10240x128xf32, #tpu.memory_space<hbm>> -> memref<1x128x128xf32, #tpu.memory_space<hbm>>
      %dma_start3A_32 = tpu.memref_squeeze %dma_start3A_31 : memref<1x128x128xf32, #tpu.memory_space<hbm>> -> memref<128x128xf32, #tpu.memory_space<hbm>>
      %dma_start3A_33 = arith.constant 0 : i32
      %dma_start3A_34 = tpu.memref_slice %arg6[%arg0, %add3A_24, %dma_start3A_33] : memref<2x10240x128xf32, #tpu.memory_space<hbm>> -> memref<1x128x128xf32, #tpu.memory_space<hbm>>
      %dma_start3A_35 = tpu.memref_squeeze %dma_start3A_34 : memref<1x128x128xf32, #tpu.memory_space<hbm>> -> memref<128x128xf32, #tpu.memory_space<hbm>>
      tpu.enqueue_dma source(%arg10 : memref<128x128xf32, #tpu.memory_space<vmem>>) target(%dma_start3A_35 : memref<128x128xf32, #tpu.memory_space<hbm>>) target_semaphore(%run_scoped3A : memref<!tpu.dma_semaphore, #tpu.memory_space<semaphore_mem>>)
      %dma_wait3A = arith.constant 0 : i32
      %dma_wait3A_36 = tpu.memref_slice %arg6[%arg0, %add3A_24, %dma_wait3A] : memref<2x10240x128xf32, #tpu.memory_space<hbm>> -> memref<1x128x128xf32, #tpu.memory_space<hbm>>
      %dma_wait3A_37 = tpu.memref_squeeze %dma_wait3A_36 : memref<1x128x128xf32, #tpu.memory_space<hbm>> -> memref<128x128xf32, #tpu.memory_space<hbm>>
      %dma_wait3A_38 = arith.constant 0 : i32
      %dma_wait3A_39 = tpu.memref_slice %arg6[%arg0, %add3A_24, %dma_wait3A_38] : memref<2x10240x128xf32, #tpu.memory_space<hbm>> -> memref<1x128x128xf32, #tpu.memory_space<hbm>>
      %dma_wait3A_40 = tpu.memref_squeeze %dma_wait3A_39 : memref<1x128x128xf32, #tpu.memory_space<hbm>> -> memref<128x128xf32, #tpu.memory_space<hbm>>
      tpu.wait_dma2 semaphore(%run_scoped3A : memref<!tpu.dma_semaphore, #tpu.memory_space<semaphore_mem>>) src(%arg10 : memref<128x128xf32, #tpu.memory_space<vmem>>) dst(%dma_wait3A_40 : memref<128x128xf32, #tpu.memory_space<hbm>>)
      tpu.yield
    }) : () -> ()
    %add3A_25 = arith.constant 256 : i32
    %add3A_26 = arith.addi %mul3A_2, %add3A_25 : i32
    "tpu.region"() ({
      %run_scoped3A = tpu.sem_alloc : memref<!tpu.dma_semaphore, #tpu.memory_space<semaphore_mem>>
      %dma_start3A = arith.constant 0 : i32
      %dma_start3A_31 = tpu.memref_slice %arg11[%add3A_26, %dma_start3A] : memref<10240x128xf32, #tpu.memory_space<vmem_shared>> -> memref<128x128xf32, #tpu.memory_space<vmem_shared>>
      %dma_start3A_32 = arith.constant 0 : i32
      %dma_start3A_33 = tpu.memref_slice %arg11[%add3A_26, %dma_start3A_32] : memref<10240x128xf32, #tpu.memory_space<vmem_shared>> -> memref<128x128xf32, #tpu.memory_space<vmem_shared>>
      tpu.enqueue_dma source(%dma_start3A_33 : memref<128x128xf32, #tpu.memory_space<vmem_shared>>) target(%arg10 : memref<128x128xf32, #tpu.memory_space<vmem>>) target_semaphore(%run_scoped3A : memref<!tpu.dma_semaphore, #tpu.memory_space<semaphore_mem>>)
      %dma_wait3A = arith.constant 0 : i32
      %dma_wait3A_34 = tpu.memref_slice %arg11[%add3A_26, %dma_wait3A] : memref<10240x128xf32, #tpu.memory_space<vmem_shared>> -> memref<128x128xf32, #tpu.memory_space<vmem_shared>>
      %dma_wait3A_35 = arith.constant 0 : i32
      %dma_wait3A_36 = tpu.memref_slice %arg11[%add3A_26, %dma_wait3A_35] : memref<10240x128xf32, #tpu.memory_space<vmem_shared>> -> memref<128x128xf32, #tpu.memory_space<vmem_shared>>
      tpu.wait_dma2 semaphore(%run_scoped3A : memref<!tpu.dma_semaphore, #tpu.memory_space<semaphore_mem>>) src(%dma_wait3A_36 : memref<128x128xf32, #tpu.memory_space<vmem_shared>>) dst(%arg10 : memref<128x128xf32, #tpu.memory_space<vmem>>)
      tpu.yield
    }) : () -> ()
    "tpu.region"() ({
      %run_scoped3A = tpu.sem_alloc : memref<!tpu.dma_semaphore, #tpu.memory_space<semaphore_mem>>
      %dma_start3A = arith.constant 0 : i32
      %dma_start3A_31 = tpu.memref_slice %arg6[%arg0, %add3A_26, %dma_start3A] : memref<2x10240x128xf32, #tpu.memory_space<hbm>> -> memref<1x128x128xf32, #tpu.memory_space<hbm>>
      %dma_start3A_32 = tpu.memref_squeeze %dma_start3A_31 : memref<1x128x128xf32, #tpu.memory_space<hbm>> -> memref<128x128xf32, #tpu.memory_space<hbm>>
      %dma_start3A_33 = arith.constant 0 : i32
      %dma_start3A_34 = tpu.memref_slice %arg6[%arg0, %add3A_26, %dma_start3A_33] : memref<2x10240x128xf32, #tpu.memory_space<hbm>> -> memref<1x128x128xf32, #tpu.memory_space<hbm>>
      %dma_start3A_35 = tpu.memref_squeeze %dma_start3A_34 : memref<1x128x128xf32, #tpu.memory_space<hbm>> -> memref<128x128xf32, #tpu.memory_space<hbm>>
      tpu.enqueue_dma source(%arg10 : memref<128x128xf32, #tpu.memory_space<vmem>>) target(%dma_start3A_35 : memref<128x128xf32, #tpu.memory_space<hbm>>) target_semaphore(%run_scoped3A : memref<!tpu.dma_semaphore, #tpu.memory_space<semaphore_mem>>)
      %dma_wait3A = arith.constant 0 : i32
      %dma_wait3A_36 = tpu.memref_slice %arg6[%arg0, %add3A_26, %dma_wait3A] : memref<2x10240x128xf32, #tpu.memory_space<hbm>> -> memref<1x128x128xf32, #tpu.memory_space<hbm>>
      %dma_wait3A_37 = tpu.memref_squeeze %dma_wait3A_36 : memref<1x128x128xf32, #tpu.memory_space<hbm>> -> memref<128x128xf32, #tpu.memory_space<hbm>>
      %dma_wait3A_38 = arith.constant 0 : i32
      %dma_wait3A_39 = tpu.memref_slice %arg6[%arg0, %add3A_26, %dma_wait3A_38] : memref<2x10240x128xf32, #tpu.memory_space<hbm>> -> memref<1x128x128xf32, #tpu.memory_space<hbm>>
      %dma_wait3A_40 = tpu.memref_squeeze %dma_wait3A_39 : memref<1x128x128xf32, #tpu.memory_space<hbm>> -> memref<128x128xf32, #tpu.memory_space<hbm>>
      tpu.wait_dma2 semaphore(%run_scoped3A : memref<!tpu.dma_semaphore, #tpu.memory_space<semaphore_mem>>) src(%arg10 : memref<128x128xf32, #tpu.memory_space<vmem>>) dst(%dma_wait3A_40 : memref<128x128xf32, #tpu.memory_space<hbm>>)
      tpu.yield
    }) : () -> ()
    %add3A_27 = arith.constant 384 : i32
    %add3A_28 = arith.addi %mul3A_2, %add3A_27 : i32
    "tpu.region"() ({
      %run_scoped3A = tpu.sem_alloc : memref<!tpu.dma_semaphore, #tpu.memory_space<semaphore_mem>>
      %dma_start3A = arith.constant 0 : i32
      %dma_start3A_31 = tpu.memref_slice %arg11[%add3A_28, %dma_start3A] : memref<10240x128xf32, #tpu.memory_space<vmem_shared>> -> memref<128x128xf32, #tpu.memory_space<vmem_shared>>
      %dma_start3A_32 = arith.constant 0 : i32
      %dma_start3A_33 = tpu.memref_slice %arg11[%add3A_28, %dma_start3A_32] : memref<10240x128xf32, #tpu.memory_space<vmem_shared>> -> memref<128x128xf32, #tpu.memory_space<vmem_shared>>
      tpu.enqueue_dma source(%dma_start3A_33 : memref<128x128xf32, #tpu.memory_space<vmem_shared>>) target(%arg10 : memref<128x128xf32, #tpu.memory_space<vmem>>) target_semaphore(%run_scoped3A : memref<!tpu.dma_semaphore, #tpu.memory_space<semaphore_mem>>)
      %dma_wait3A = arith.constant 0 : i32
      %dma_wait3A_34 = tpu.memref_slice %arg11[%add3A_28, %dma_wait3A] : memref<10240x128xf32, #tpu.memory_space<vmem_shared>> -> memref<128x128xf32, #tpu.memory_space<vmem_shared>>
      %dma_wait3A_35 = arith.constant 0 : i32
      %dma_wait3A_36 = tpu.memref_slice %arg11[%add3A_28, %dma_wait3A_35] : memref<10240x128xf32, #tpu.memory_space<vmem_shared>> -> memref<128x128xf32, #tpu.memory_space<vmem_shared>>
      tpu.wait_dma2 semaphore(%run_scoped3A : memref<!tpu.dma_semaphore, #tpu.memory_space<semaphore_mem>>) src(%dma_wait3A_36 : memref<128x128xf32, #tpu.memory_space<vmem_shared>>) dst(%arg10 : memref<128x128xf32, #tpu.memory_space<vmem>>)
      tpu.yield
    }) : () -> ()
    "tpu.region"() ({
      %run_scoped3A = tpu.sem_alloc : memref<!tpu.dma_semaphore, #tpu.memory_space<semaphore_mem>>
      %dma_start3A = arith.constant 0 : i32
      %dma_start3A_31 = tpu.memref_slice %arg6[%arg0, %add3A_28, %dma_start3A] : memref<2x10240x128xf32, #tpu.memory_space<hbm>> -> memref<1x128x128xf32, #tpu.memory_space<hbm>>
      %dma_start3A_32 = tpu.memref_squeeze %dma_start3A_31 : memref<1x128x128xf32, #tpu.memory_space<hbm>> -> memref<128x128xf32, #tpu.memory_space<hbm>>
      %dma_start3A_33 = arith.constant 0 : i32
      %dma_start3A_34 = tpu.memref_slice %arg6[%arg0, %add3A_28, %dma_start3A_33] : memref<2x10240x128xf32, #tpu.memory_space<hbm>> -> memref<1x128x128xf32, #tpu.memory_space<hbm>>
      %dma_start3A_35 = tpu.memref_squeeze %dma_start3A_34 : memref<1x128x128xf32, #tpu.memory_space<hbm>> -> memref<128x128xf32, #tpu.memory_space<hbm>>
      tpu.enqueue_dma source(%arg10 : memref<128x128xf32, #tpu.memory_space<vmem>>) target(%dma_start3A_35 : memref<128x128xf32, #tpu.memory_space<hbm>>) target_semaphore(%run_scoped3A : memref<!tpu.dma_semaphore, #tpu.memory_space<semaphore_mem>>)
      %dma_wait3A = arith.constant 0 : i32
      %dma_wait3A_36 = tpu.memref_slice %arg6[%arg0, %add3A_28, %dma_wait3A] : memref<2x10240x128xf32, #tpu.memory_space<hbm>> -> memref<1x128x128xf32, #tpu.memory_space<hbm>>
      %dma_wait3A_37 = tpu.memref_squeeze %dma_wait3A_36 : memref<1x128x128xf32, #tpu.memory_space<hbm>> -> memref<128x128xf32, #tpu.memory_space<hbm>>
      %dma_wait3A_38 = arith.constant 0 : i32
      %dma_wait3A_39 = tpu.memref_slice %arg6[%arg0, %add3A_28, %dma_wait3A_38] : memref<2x10240x128xf32, #tpu.memory_space<hbm>> -> memref<1x128x128xf32, #tpu.memory_space<hbm>>
      %dma_wait3A_40 = tpu.memref_squeeze %dma_wait3A_39 : memref<1x128x128xf32, #tpu.memory_space<hbm>> -> memref<128x128xf32, #tpu.memory_space<hbm>>
      tpu.wait_dma2 semaphore(%run_scoped3A : memref<!tpu.dma_semaphore, #tpu.memory_space<semaphore_mem>>) src(%arg10 : memref<128x128xf32, #tpu.memory_space<vmem>>) dst(%dma_wait3A_40 : memref<128x128xf32, #tpu.memory_space<hbm>>)
      tpu.yield
    }) : () -> ()
    %add3A_29 = arith.constant 512 : i32
    %add3A_30 = arith.addi %mul3A_2, %add3A_29 : i32
    "tpu.region"() ({
      %run_scoped3A = tpu.sem_alloc : memref<!tpu.dma_semaphore, #tpu.memory_space<semaphore_mem>>
      %dma_start3A = arith.constant 0 : i32
      %dma_start3A_31 = tpu.memref_slice %arg11[%add3A_30, %dma_start3A] : memref<10240x128xf32, #tpu.memory_space<vmem_shared>> -> memref<128x128xf32, #tpu.memory_space<vmem_shared>>
      %dma_start3A_32 = arith.constant 0 : i32
      %dma_start3A_33 = tpu.memref_slice %arg11[%add3A_30, %dma_start3A_32] : memref<10240x128xf32, #tpu.memory_space<vmem_shared>> -> memref<128x128xf32, #tpu.memory_space<vmem_shared>>
      tpu.enqueue_dma source(%dma_start3A_33 : memref<128x128xf32, #tpu.memory_space<vmem_shared>>) target(%arg10 : memref<128x128xf32, #tpu.memory_space<vmem>>) target_semaphore(%run_scoped3A : memref<!tpu.dma_semaphore, #tpu.memory_space<semaphore_mem>>)
      %dma_wait3A = arith.constant 0 : i32
      %dma_wait3A_34 = tpu.memref_slice %arg11[%add3A_30, %dma_wait3A] : memref<10240x128xf32, #tpu.memory_space<vmem_shared>> -> memref<128x128xf32, #tpu.memory_space<vmem_shared>>
      %dma_wait3A_35 = arith.constant 0 : i32
      %dma_wait3A_36 = tpu.memref_slice %arg11[%add3A_30, %dma_wait3A_35] : memref<10240x128xf32, #tpu.memory_space<vmem_shared>> -> memref<128x128xf32, #tpu.memory_space<vmem_shared>>
      tpu.wait_dma2 semaphore(%run_scoped3A : memref<!tpu.dma_semaphore, #tpu.memory_space<semaphore_mem>>) src(%dma_wait3A_36 : memref<128x128xf32, #tpu.memory_space<vmem_shared>>) dst(%arg10 : memref<128x128xf32, #tpu.memory_space<vmem>>)
      tpu.yield
    }) : () -> ()
    "tpu.region"() ({
      %run_scoped3A = tpu.sem_alloc : memref<!tpu.dma_semaphore, #tpu.memory_space<semaphore_mem>>
      %dma_start3A = arith.constant 0 : i32
      %dma_start3A_31 = tpu.memref_slice %arg6[%arg0, %add3A_30, %dma_start3A] : memref<2x10240x128xf32, #tpu.memory_space<hbm>> -> memref<1x128x128xf32, #tpu.memory_space<hbm>>
      %dma_start3A_32 = tpu.memref_squeeze %dma_start3A_31 : memref<1x128x128xf32, #tpu.memory_space<hbm>> -> memref<128x128xf32, #tpu.memory_space<hbm>>
      %dma_start3A_33 = arith.constant 0 : i32
      %dma_start3A_34 = tpu.memref_slice %arg6[%arg0, %add3A_30, %dma_start3A_33] : memref<2x10240x128xf32, #tpu.memory_space<hbm>> -> memref<1x128x128xf32, #tpu.memory_space<hbm>>
      %dma_start3A_35 = tpu.memref_squeeze %dma_start3A_34 : memref<1x128x128xf32, #tpu.memory_space<hbm>> -> memref<128x128xf32, #tpu.memory_space<hbm>>
      tpu.enqueue_dma source(%arg10 : memref<128x128xf32, #tpu.memory_space<vmem>>) target(%dma_start3A_35 : memref<128x128xf32, #tpu.memory_space<hbm>>) target_semaphore(%run_scoped3A : memref<!tpu.dma_semaphore, #tpu.memory_space<semaphore_mem>>)
      %dma_wait3A = arith.constant 0 : i32
      %dma_wait3A_36 = tpu.memref_slice %arg6[%arg0, %add3A_30, %dma_wait3A] : memref<2x10240x128xf32, #tpu.memory_space<hbm>> -> memref<1x128x128xf32, #tpu.memory_space<hbm>>
      %dma_wait3A_37 = tpu.memref_squeeze %dma_wait3A_36 : memref<1x128x128xf32, #tpu.memory_space<hbm>> -> memref<128x128xf32, #tpu.memory_space<hbm>>
      %dma_wait3A_38 = arith.constant 0 : i32
      %dma_wait3A_39 = tpu.memref_slice %arg6[%arg0, %add3A_30, %dma_wait3A_38] : memref<2x10240x128xf32, #tpu.memory_space<hbm>> -> memref<1x128x128xf32, #tpu.memory_space<hbm>>
      %dma_wait3A_40 = tpu.memref_squeeze %dma_wait3A_39 : memref<1x128x128xf32, #tpu.memory_space<hbm>> -> memref<128x128xf32, #tpu.memory_space<hbm>>
      tpu.wait_dma2 semaphore(%run_scoped3A : memref<!tpu.dma_semaphore, #tpu.memory_space<semaphore_mem>>) src(%arg10 : memref<128x128xf32, #tpu.memory_space<vmem>>) dst(%dma_wait3A_40 : memref<128x128xf32, #tpu.memory_space<hbm>>)
      tpu.yield
    }) : () -> ()
    return
  }
}

module attributes {stable_mosaic.version = 14 : i64} {
  func.func @_tc1_body(%arg0: i32, %arg1: memref<2000x128xf32, #tpu.memory_space<vmem>>, %arg2: memref<128x128xf32, #tpu.memory_space<vmem>>, %arg3: memref<2x2000x16xf32, #tpu.memory_space<vmem>>, %arg4: memref<2000x128xf32, #tpu.memory_space<vmem>>) attributes {dimension_semantics = [#tpu.dimension_semantics<arbitrary>], iteration_bounds = array<i64: 5>, scalar_prefetch = 0 : i64, scratch_operands = 0 : i64, tpu.core_type = #tpu.core_type<tc>, window_params = [{transform_indices = @transform_0, window_bounds = array<i64: 2000, 128>}, {pipeline_mode = #tpu.pipeline_mode<synchronous>, transform_indices = @transform_1, window_bounds = array<i64: 128, 128>}, {transform_indices = @transform_2, window_bounds = array<i64: 2, 2000, 16>}, {transform_indices = @transform_3, window_bounds = array<i64: 2000, 128>}]} {
    %get3A = arith.constant 0 : index
    %get3A_0 = arith.constant 0 : index
    %get3A_1 = arith.constant 0 : index
    %get3A_2 = vector.load %arg3[%get3A, %get3A_0, %get3A_1] : memref<2x2000x16xf32, #tpu.memory_space<vmem>>, vector<2x2000x16xf32>
    %slice3A = vector.extract_strided_slice %get3A_2 {offsets = [0, 0, 0], sizes = [1, 2000, 16], strides = [1, 1, 1]} : vector<2x2000x16xf32> to vector<1x2000x16xf32>
    %squeeze3A = vector.shape_cast %slice3A : vector<1x2000x16xf32> to vector<2000x16xf32>
    %slice3A_3 = vector.extract_strided_slice %get3A_2 {offsets = [1, 0, 0], sizes = [1, 2000, 16], strides = [1, 1, 1]} : vector<2x2000x16xf32> to vector<1x2000x16xf32>
    %squeeze3A_4 = vector.shape_cast %slice3A_3 : vector<1x2000x16xf32> to vector<2000x16xf32>
    %add3A = arith.addf %squeeze3A, %squeeze3A_4 : vector<2000x16xf32>
    %max3A = arith.constant 1.000000e+00 : f32
    %max3A_5 = vector.broadcast %max3A : f32 to vector<2000x16xf32>
    %max3A_6 = arith.maximumf %add3A, %max3A_5 : vector<2000x16xf32>
    %rsqrt3A = math.rsqrt %max3A_6 : vector<2000x16xf32>
    %slice3A_7 = vector.extract_strided_slice %rsqrt3A {offsets = [0, 0], sizes = [2000, 1], strides = [1, 1]} : vector<2000x16xf32> to vector<2000x1xf32>
    %get3A_8 = arith.constant 0 : index
    %get3A_9 = arith.constant 0 : index
    %get3A_10 = vector.load %arg1[%get3A_8, %get3A_9] : memref<2000x128xf32, #tpu.memory_space<vmem>>, vector<2000x128xf32>
    %get3A_11 = arith.constant 0 : index
    %get3A_12 = arith.constant 0 : index
    %get3A_13 = vector.load %arg2[%get3A_11, %get3A_12] : memref<128x128xf32, #tpu.memory_space<vmem>>, vector<128x128xf32>
    %dot_general3A = arith.constant dense<0.000000e+00> : vector<2000x128xf32>
    %dot_general3A_14 = tpu.matmul %get3A_10, %get3A_13, %dot_general3A {dimension_numbers = #tpu.dot_dimension_numbers<[1], [0], [0], [1], [0, 0, 1, 1], [], []>, transpose_lhs_hint = false} : vector<2000x128xf32>, vector<128x128xf32>, vector<2000x128xf32> -> vector<2000x128xf32>
    %mul3A = vector.broadcast %slice3A_7 : vector<2000x1xf32> to vector<2000x128xf32>
    %mul3A_15 = arith.mulf %dot_general3A_14, %mul3A : vector<2000x128xf32>
    %swap3A = arith.constant 0 : index
    %swap3A_16 = arith.constant 0 : index
    %swap3A_17 = vector.load %arg4[%swap3A, %swap3A_16] : memref<2000x128xf32, #tpu.memory_space<vmem>>, vector<2000x128xf32>
    tpu.vector_store %arg4[%swap3A, %swap3A_16], %mul3A_15 {strides = array<i32>} : memref<2000x128xf32, #tpu.memory_space<vmem>>, vector<2000x128xf32>,
    return
  }
  func.func @transform_0(%arg0: i32) -> (i32, i32) {
    %c0_i32 = arith.constant 0 : i32
    %c0_i32_0 = arith.constant 0 : i32
    return %arg0, %c0_i32 : i32, i32
  }
  func.func @transform_1(%arg0: i32) -> (i32, i32) {
    %c0_i32 = arith.constant 0 : i32
    %c0_i32_0 = arith.constant 0 : i32
    %c0_i32_1 = arith.constant 0 : i32
    return %c0_i32, %c0_i32_0 : i32, i32
  }
  func.func @transform_2(%arg0: i32) -> (i32, i32, i32) {
    %c0_i32 = arith.constant 0 : i32
    %c0_i32_0 = arith.constant 0 : i32
    %c0_i32_1 = arith.constant 0 : i32
    return %c0_i32, %arg0, %c0_i32_0 : i32, i32, i32
  }
  func.func @transform_3(%arg0: i32) -> (i32, i32) {
    %c0_i32 = arith.constant 0 : i32
    %c0_i32_0 = arith.constant 0 : i32
    return %arg0, %c0_i32 : i32, i32
  }
}

module attributes {stable_mosaic.version = 14 : i64} {
  func.func @_tc2_body(%arg0: i32, %arg1: memref<2x2000x128xf32, #tpu.memory_space<vmem>>, %arg2: memref<2x2000x16xf32, #tpu.memory_space<vmem>>, %arg3: memref<2x2000x16xf32, #tpu.memory_space<vmem>>, %arg4: memref<128x64xf32, #tpu.memory_space<vmem>>, %arg5: memref<1x128xf32, #tpu.memory_space<vmem>>, %arg6: memref<2000x64xf32, #tpu.memory_space<vmem>>) attributes {dimension_semantics = [#tpu.dimension_semantics<arbitrary>], iteration_bounds = array<i64: 5>, scalar_prefetch = 0 : i64, scratch_operands = 0 : i64, tpu.core_type = #tpu.core_type<tc>, window_params = [{transform_indices = @transform_0, window_bounds = array<i64: 2, 2000, 128>}, {transform_indices = @transform_1, window_bounds = array<i64: 2, 2000, 16>}, {transform_indices = @transform_2, window_bounds = array<i64: 2, 2000, 16>}, {pipeline_mode = #tpu.pipeline_mode<synchronous>, transform_indices = @transform_3, window_bounds = array<i64: 128, 64>}, {pipeline_mode = #tpu.pipeline_mode<synchronous>, transform_indices = @transform_4, window_bounds = array<i64: 1, 128>}, {transform_indices = @transform_5, window_bounds = array<i64: 2000, 64>}]} {
    %get3A = arith.constant 0 : index
    %get3A_0 = arith.constant 0 : index
    %get3A_1 = arith.constant 0 : index
    %get3A_2 = vector.load %arg2[%get3A, %get3A_0, %get3A_1] : memref<2x2000x16xf32, #tpu.memory_space<vmem>>, vector<2x2000x16xf32>
    %slice3A = vector.extract_strided_slice %get3A_2 {offsets = [0, 0, 0], sizes = [1, 2000, 16], strides = [1, 1, 1]} : vector<2x2000x16xf32> to vector<1x2000x16xf32>
    %squeeze3A = vector.shape_cast %slice3A : vector<1x2000x16xf32> to vector<2000x16xf32>
    %slice3A_3 = vector.extract_strided_slice %get3A_2 {offsets = [1, 0, 0], sizes = [1, 2000, 16], strides = [1, 1, 1]} : vector<2x2000x16xf32> to vector<1x2000x16xf32>
    %squeeze3A_4 = vector.shape_cast %slice3A_3 : vector<1x2000x16xf32> to vector<2000x16xf32>
    %add3A = arith.addf %squeeze3A, %squeeze3A_4 : vector<2000x16xf32>
    %max3A = arith.constant 1.000000e+00 : f32
    %max3A_5 = vector.broadcast %max3A : f32 to vector<2000x16xf32>
    %max3A_6 = arith.maximumf %add3A, %max3A_5 : vector<2000x16xf32>
    %rsqrt3A = math.rsqrt %max3A_6 : vector<2000x16xf32>
    %slice3A_7 = vector.extract_strided_slice %rsqrt3A {offsets = [0, 0], sizes = [2000, 1], strides = [1, 1]} : vector<2000x16xf32> to vector<2000x1xf32>
    %get3A_8 = arith.constant 0 : index
    %get3A_9 = arith.constant 0 : index
    %get3A_10 = arith.constant 0 : index
    %get3A_11 = vector.load %arg3[%get3A_8, %get3A_9, %get3A_10] : memref<2x2000x16xf32, #tpu.memory_space<vmem>>, vector<2x2000x16xf32>
    %slice3A_12 = vector.extract_strided_slice %get3A_11 {offsets = [0, 0, 0], sizes = [1, 2000, 16], strides = [1, 1, 1]} : vector<2x2000x16xf32> to vector<1x2000x16xf32>
    %squeeze3A_13 = vector.shape_cast %slice3A_12 : vector<1x2000x16xf32> to vector<2000x16xf32>
    %slice3A_14 = vector.extract_strided_slice %get3A_11 {offsets = [1, 0, 0], sizes = [1, 2000, 16], strides = [1, 1, 1]} : vector<2x2000x16xf32> to vector<1x2000x16xf32>
    %squeeze3A_15 = vector.shape_cast %slice3A_14 : vector<1x2000x16xf32> to vector<2000x16xf32>
    %add3A_16 = arith.addf %squeeze3A_13, %squeeze3A_15 : vector<2000x16xf32>
    %max3A_17 = arith.constant 1.000000e+00 : f32
    %max3A_18 = vector.broadcast %max3A_17 : f32 to vector<2000x16xf32>
    %max3A_19 = arith.maximumf %add3A_16, %max3A_18 : vector<2000x16xf32>
    %rsqrt3A_20 = math.rsqrt %max3A_19 : vector<2000x16xf32>
    %slice3A_21 = vector.extract_strided_slice %rsqrt3A_20 {offsets = [0, 0], sizes = [2000, 1], strides = [1, 1]} : vector<2000x16xf32> to vector<2000x1xf32>
    %get3A_22 = arith.constant 0 : index
    %get3A_23 = arith.constant 0 : index
    %get3A_24 = arith.constant 0 : index
    %get3A_25 = vector.load %arg1[%get3A_22, %get3A_23, %get3A_24] : memref<2x2000x128xf32, #tpu.memory_space<vmem>>, vector<1x2000x128xf32>
    %get3A_26 = vector.shape_cast %get3A_25 : vector<1x2000x128xf32> to vector<2000x128xf32>
    %get3A_27 = arith.constant 1 : index
    %get3A_28 = arith.constant 0 : index
    %get3A_29 = arith.constant 0 : index
    %get3A_30 = vector.load %arg1[%get3A_27, %get3A_28, %get3A_29] : memref<2x2000x128xf32, #tpu.memory_space<vmem>>, vector<1x2000x128xf32>
    %get3A_31 = vector.shape_cast %get3A_30 : vector<1x2000x128xf32> to vector<2000x128xf32>
    %add3A_32 = arith.addf %get3A_26, %get3A_31 : vector<2000x128xf32>
    %mul3A = vector.broadcast %slice3A_21 : vector<2000x1xf32> to vector<2000x128xf32>
    %mul3A_33 = arith.mulf %add3A_32, %mul3A : vector<2000x128xf32>
    %get3A_34 = arith.constant 0 : index
    %get3A_35 = arith.constant 0 : index
    %get3A_36 = vector.load %arg5[%get3A_34, %get3A_35] : memref<1x128xf32, #tpu.memory_space<vmem>>, vector<1x128xf32>
    %add3A_37 = vector.broadcast %get3A_36 : vector<1x128xf32> to vector<2000x128xf32>
    %add3A_38 = arith.addf %mul3A_33, %add3A_37 : vector<2000x128xf32>
    %max3A_39 = arith.constant 0.000000e+00 : f32
    %max3A_40 = vector.broadcast %max3A_39 : f32 to vector<2000x128xf32>
    %max3A_41 = arith.maximumf %add3A_38, %max3A_40 : vector<2000x128xf32>
    %get3A_42 = arith.constant 0 : index
    %get3A_43 = arith.constant 0 : index
    %get3A_44 = vector.load %arg4[%get3A_42, %get3A_43] : memref<128x64xf32, #tpu.memory_space<vmem>>, vector<128x64xf32>
    %dot_general3A = arith.constant dense<0.000000e+00> : vector<2000x64xf32>
    %dot_general3A_45 = tpu.matmul %max3A_41, %get3A_44, %dot_general3A {dimension_numbers = #tpu.dot_dimension_numbers<[1], [0], [0], [1], [0, 0, 1, 1], [], []>, transpose_lhs_hint = false} : vector<2000x128xf32>, vector<128x64xf32>, vector<2000x64xf32> -> vector<2000x64xf32>
    %mul3A_46 = vector.broadcast %slice3A_7 : vector<2000x1xf32> to vector<2000x64xf32>
    %mul3A_47 = arith.mulf %dot_general3A_45, %mul3A_46 : vector<2000x64xf32>
    %swap3A = arith.constant 0 : index
    %swap3A_48 = arith.constant 0 : index
    %swap3A_49 = vector.load %arg6[%swap3A, %swap3A_48] : memref<2000x64xf32, #tpu.memory_space<vmem>>, vector<2000x64xf32>
    tpu.vector_store %arg6[%swap3A, %swap3A_48], %mul3A_47 {strides = array<i32>} : memref<2000x64xf32, #tpu.memory_space<vmem>>, vector<2000x64xf32>,
    return
  }
  func.func @transform_0(%arg0: i32) -> (i32, i32, i32) {
    %c0_i32 = arith.constant 0 : i32
    %c0_i32_0 = arith.constant 0 : i32
    %c0_i32_1 = arith.constant 0 : i32
    return %c0_i32, %arg0, %c0_i32_0 : i32, i32, i32
  }
  func.func @transform_1(%arg0: i32) -> (i32, i32, i32) {
    %c0_i32 = arith.constant 0 : i32
    %c0_i32_0 = arith.constant 0 : i32
    %c0_i32_1 = arith.constant 0 : i32
    return %c0_i32, %arg0, %c0_i32_0 : i32, i32, i32
  }
  func.func @transform_2(%arg0: i32) -> (i32, i32, i32) {
    %c0_i32 = arith.constant 0 : i32
    %c0_i32_0 = arith.constant 0 : i32
    %c0_i32_1 = arith.constant 0 : i32
    return %c0_i32, %arg0, %c0_i32_0 : i32, i32, i32
  }
  func.func @transform_3(%arg0: i32) -> (i32, i32) {
    %c0_i32 = arith.constant 0 : i32
    %c0_i32_0 = arith.constant 0 : i32
    %c0_i32_1 = arith.constant 0 : i32
    return %c0_i32, %c0_i32_0 : i32, i32
  }
  func.func @transform_4(%arg0: i32) -> (i32, i32) {
    %c0_i32 = arith.constant 0 : i32
    %c0_i32_0 = arith.constant 0 : i32
    %c0_i32_1 = arith.constant 0 : i32
    return %c0_i32, %c0_i32_0 : i32, i32
  }
  func.func @transform_5(%arg0: i32) -> (i32, i32) {
    %c0_i32 = arith.constant 0 : i32
    %c0_i32_0 = arith.constant 0 : i32
    return %arg0, %c0_i32 : i32, i32
  }
}

module attributes {stable_mosaic.version = 14 : i64} {
  func.func @_tc3_body(%arg0: i32, %arg1: memref<2x2000x64xf32, #tpu.memory_space<vmem>>, %arg2: memref<2x2000x16xf32, #tpu.memory_space<vmem>>, %arg3: memref<1x64xf32, #tpu.memory_space<vmem>>, %arg4: memref<2000x64xf32, #tpu.memory_space<vmem>>) attributes {dimension_semantics = [#tpu.dimension_semantics<arbitrary>], iteration_bounds = array<i64: 5>, scalar_prefetch = 0 : i64, scratch_operands = 0 : i64, tpu.core_type = #tpu.core_type<tc>, window_params = [{transform_indices = @transform_0, window_bounds = array<i64: 2, 2000, 64>}, {transform_indices = @transform_1, window_bounds = array<i64: 2, 2000, 16>}, {pipeline_mode = #tpu.pipeline_mode<synchronous>, transform_indices = @transform_2, window_bounds = array<i64: 1, 64>}, {transform_indices = @transform_3, window_bounds = array<i64: 2000, 64>}]} {
    %get3A = arith.constant 0 : index
    %get3A_0 = arith.constant 0 : index
    %get3A_1 = arith.constant 0 : index
    %get3A_2 = vector.load %arg2[%get3A, %get3A_0, %get3A_1] : memref<2x2000x16xf32, #tpu.memory_space<vmem>>, vector<2x2000x16xf32>
    %slice3A = vector.extract_strided_slice %get3A_2 {offsets = [0, 0, 0], sizes = [1, 2000, 16], strides = [1, 1, 1]} : vector<2x2000x16xf32> to vector<1x2000x16xf32>
    %squeeze3A = vector.shape_cast %slice3A : vector<1x2000x16xf32> to vector<2000x16xf32>
    %slice3A_3 = vector.extract_strided_slice %get3A_2 {offsets = [1, 0, 0], sizes = [1, 2000, 16], strides = [1, 1, 1]} : vector<2x2000x16xf32> to vector<1x2000x16xf32>
    %squeeze3A_4 = vector.shape_cast %slice3A_3 : vector<1x2000x16xf32> to vector<2000x16xf32>
    %add3A = arith.addf %squeeze3A, %squeeze3A_4 : vector<2000x16xf32>
    %max3A = arith.constant 1.000000e+00 : f32
    %max3A_5 = vector.broadcast %max3A : f32 to vector<2000x16xf32>
    %max3A_6 = arith.maximumf %add3A, %max3A_5 : vector<2000x16xf32>
    %rsqrt3A = math.rsqrt %max3A_6 : vector<2000x16xf32>
    %slice3A_7 = vector.extract_strided_slice %rsqrt3A {offsets = [0, 0], sizes = [2000, 1], strides = [1, 1]} : vector<2000x16xf32> to vector<2000x1xf32>
    %get3A_8 = arith.constant 0 : index
    %get3A_9 = arith.constant 0 : index
    %get3A_10 = arith.constant 0 : index
    %get3A_11 = vector.load %arg1[%get3A_8, %get3A_9, %get3A_10] : memref<2x2000x64xf32, #tpu.memory_space<vmem>>, vector<1x2000x64xf32>
    %get3A_12 = vector.shape_cast %get3A_11 : vector<1x2000x64xf32> to vector<2000x64xf32>
    %get3A_13 = arith.constant 1 : index
    %get3A_14 = arith.constant 0 : index
    %get3A_15 = arith.constant 0 : index
    %get3A_16 = vector.load %arg1[%get3A_13, %get3A_14, %get3A_15] : memref<2x2000x64xf32, #tpu.memory_space<vmem>>, vector<1x2000x64xf32>
    %get3A_17 = vector.shape_cast %get3A_16 : vector<1x2000x64xf32> to vector<2000x64xf32>
    %add3A_18 = arith.addf %get3A_12, %get3A_17 : vector<2000x64xf32>
    %mul3A = vector.broadcast %slice3A_7 : vector<2000x1xf32> to vector<2000x64xf32>
    %mul3A_19 = arith.mulf %add3A_18, %mul3A : vector<2000x64xf32>
    %get3A_20 = arith.constant 0 : index
    %get3A_21 = arith.constant 0 : index
    %get3A_22 = vector.load %arg3[%get3A_20, %get3A_21] : memref<1x64xf32, #tpu.memory_space<vmem>>, vector<1x64xf32>
    %add3A_23 = vector.broadcast %get3A_22 : vector<1x64xf32> to vector<2000x64xf32>
    %add3A_24 = arith.addf %mul3A_19, %add3A_23 : vector<2000x64xf32>
    %swap3A = arith.constant 0 : index
    %swap3A_25 = arith.constant 0 : index
    %swap3A_26 = vector.load %arg4[%swap3A, %swap3A_25] : memref<2000x64xf32, #tpu.memory_space<vmem>>, vector<2000x64xf32>
    tpu.vector_store %arg4[%swap3A, %swap3A_25], %add3A_24 {strides = array<i32>} : memref<2000x64xf32, #tpu.memory_space<vmem>>, vector<2000x64xf32>,
    return
  }
  func.func @transform_0(%arg0: i32) -> (i32, i32, i32) {
    %c0_i32 = arith.constant 0 : i32
    %c0_i32_0 = arith.constant 0 : i32
    %c0_i32_1 = arith.constant 0 : i32
    return %c0_i32, %arg0, %c0_i32_0 : i32, i32, i32
  }
  func.func @transform_1(%arg0: i32) -> (i32, i32, i32) {
    %c0_i32 = arith.constant 0 : i32
    %c0_i32_0 = arith.constant 0 : i32
    %c0_i32_1 = arith.constant 0 : i32
    return %c0_i32, %arg0, %c0_i32_0 : i32, i32, i32
  }
  func.func @transform_2(%arg0: i32) -> (i32, i32) {
    %c0_i32 = arith.constant 0 : i32
    %c0_i32_0 = arith.constant 0 : i32
    %c0_i32_1 = arith.constant 0 : i32
    return %c0_i32, %c0_i32_0 : i32, i32
  }
  func.func @transform_3(%arg0: i32) -> (i32, i32) {
    %c0_i32 = arith.constant 0 : i32
    %c0_i32_0 = arith.constant 0 : i32
    return %arg0, %c0_i32 : i32, i32
  }
}

</mosaic_0001>

<sc_bundles>
// kernel: kernel.11.cloned.1.call-start
scs
__scs_entry_jumppad:
0x0: {  	(pc) =	sbr.rel $0x88, $3  }
0x1: {  	(tag) =	ssettag $0x0;
	lr =	simm.s32 $0x1  }
0x2: {  	[smem:$0x3F9B] =	sst lr;
	_ =	strace $0xD0000000  }
0x3: {  	_ = 	snop  }
0x4: {  	_ = 	snop  }
0x5: {  	_ = 	snop  }
0x6: {  	_ = 	snop  }
0x7: {  	_ = 	snop  }
__scs_overlays_trampoline_lowered:
0x8: {  	[smem:$0x3FAA] =	sst s0  }
0x9: {  	[smem:$0x3FAB] =	sst s1  }
0xa: {  	[smem:$0x3FAC] =	sst s2  }
0xb: {  	[smem:$0x3FAD] =	sst s3  }
0xc: {  	[smem:$0x3FAE] =	sst s4  }
0xd: {  	[smem:$0x3FAF] =	sst s5  }
0xe: {  	[smem:$0x3FB0] =	sst s6  }
0xf: {  	[smem:$0x3FB1] =	sst s7  }
0x10: {  	[smem:$0x3FB2] =	sst s8  }
0x11: {  	[smem:$0x3FB3] =	sst s9;
	s0 =	simm.s32 @!p0 $0x0  }
0x12: {  	s1 =	sld [smem:$0x3F99];
	s0 =	simm.s32 @p0 $0x1  }
0x13: {  	[smem:$0x3FB4] =	sst s0;
	s0 =	simm.s32 @!p1 $0x0  }
0x14: {  	s2 =	sld [smem:$0x3F98];
	s0 =	simm.s32 @p1 $0x1  }
0x15: {  	[smem:$0x3FB5] =	sst s0;
	s0 =	simm.s32 @!p2 $0x0  }
0x16: {  	s3 =	sld [smem:$0x3FDB];
	s0 =	simm.s32 @p2 $0x1  }
0x17: {  	s4 =	simm.s32 $0x1BF5;
	[smem:$0x3FB7] =	sst s0  }
0x18: {  	s0 =	sld [smem:$0x3F9A];
	_ =	swait.ge [sflag:s4], $0x0  }
0x19: {  	s7 =	sld [smem:$0x3F9B]  }
0x1a: {  	s8 =	sadd.s32 $0xFFFFE003, lr  }
0x1b: {  	s9 =	sadd.s32 $0xFFFFFEF7, lr;
	s5 =	simm.s32 $0xFFFFFFFF;
	p2 =	slt.u32 s8, $0xFFFFF086  }
0x1c: {  	p1 =	slt.u32 s9, $0xF7A;
	s5 =	simm.s32 @!p2 $0x0  }
0x1d: {  	s5 =	simm.s32 @p1 $0x1;
	p0 =	seq.s32 s7, s2  }
0x1e: {  	s7 =	smul.u32 @!p0 $0xF7A, s2;
	p2 =	seq.s32 @!p0 s5, $0x0  }
0x1f: {  	s9 =	smul.u32 $0xF7A, s1;
	s8 =	simm.s32 @!p0 $0x1BF5;
	p2 =	por !p2, p0  }
0x20: {  	[sflag:s8] =	ssyncset.s32 @!p0 $0xFFFFF086;
	s6 =	sadd.s32 @!p0 s3, s7;
	s7 =	simm.s32 @!p0 $0x108  }
0x21: {  	s3 =	sadd.s32 s3, s9;
	s6 =	sadd.s32 @!p0 $0x88, s6;
	s7 =	simm.s32 @p2 $0x1082  }
0x22: {  	[simem:s7], [sflag:s8] =	dma.local @!p0 [hbm:s6], $0xF7A  }
0x23: {  	s9 =	sor.u32 $0xD0000000, s2;
	s6 =	simm.s32 $0x108;
	_ =	swait.ge @!p0 [sflag:s8], $0x0  }
0x24: {  	s3 =	sadd.s32 $0x88, s3;
	s6 =	simm.s32 @!p1 $0x1082;
	[sflag:s4] =	ssyncset.s32 $0xFFFFF086  }
0x25: {  	[simem:s6], [sflag:s4] =	dma.local [hbm:s3], $0xF7A  }
0x26: {  	[smem:$0x3F9B] =	sst s1;
	(tag) =	ssettag s2;
	_ =	strace s9  }
0x27: {  	s1 =	sld [smem:$0x3FAB]  }
0x28: {  	s2 =	sld [smem:$0x3FAC]  }
0x29: {  	s4 =	sld [smem:$0x3FAE]  }
0x2a: {  	p0 =	seq.s32 s5, $0x0;
	s5 =	sld [smem:$0x3FAF]  }
0x2b: {  	s6 =	sld [smem:$0x3FB0]  }
0x2c: {  	s7 =	sld [smem:$0x3FB1]  }
0x2d: {  	s3 =	simm.s32 $0x108;
	s8 =	sld [smem:$0x3FB2]  }
0x2e: {  	s3 =	simm.s32 @!p0 $0x1082;
	s9 =	sld [smem:$0x3FB3]  }
0x2f: {  	lr =	sadd.s32 s0, s3;
	s0 =	sld [smem:$0x3FAA]  }
0x30: {  	s3 =	sld [smem:$0x3FAD]  }
0x31: {  	[smem:$0x3FB6] =	sst s10  }
0x32: {  	s10 =	sld [smem:$0x3FB4];
	_ =	sdelay $0x3  }
0x33: {  	p0 =	seq.s32 s10, $0x1;
	s10 =	sld [smem:$0x3FB6];
	_ =	sdelay $0x3  }
0x34: {  	[smem:$0x3FB6] =	sst s10  }
0x35: {  	s10 =	sld [smem:$0x3FB5];
	_ =	sdelay $0x3  }
0x36: {  	p1 =	seq.s32 s10, $0x1;
	s10 =	sld [smem:$0x3FB6];
	_ =	sdelay $0x3  }
0x37: {  	[smem:$0x3FB6] =	sst s10  }
0x38: {  	s10 =	sld [smem:$0x3FB7]  }
0x39: {  	_ = 	snop;
	(pc) =	sbr.ind lr, $3  }
0x3a: {  	_ = 	snop  }
0x3b: {  	_ = 	snop  }
0x3c: {  	p2 =	seq.s32 s10, $0x1;
	s10 =	sld [smem:$0x3FB6]  }
0x3d: {  	_ =	shalt  }
0x3e: {  	_ =	shalt  }
0x3f: {  	_ =	shalt  }
0x40: {  	_ =	shalt  }
0x41: {  	_ =	shalt  }
0x42: {  	_ =	shalt  }
0x43: {  	_ =	shalt  }
0x44: {  	_ =	shalt  }
0x45: {  	_ =	shalt  }
0x46: {  	_ =	shalt  }
0x47: {  	_ =	shalt  }
0x48: {  	_ =	shalt  }
0x49: {  	_ =	shalt  }
0x4a: {  	_ =	shalt  }
0x4b: {  	_ =	shalt  }
0x4c: {  	_ =	shalt  }
0x4d: {  	_ =	shalt  }
0x4e: {  	_ =	shalt  }
0x4f: {  	_ =	shalt  }
0x50: {  	_ =	shalt  }
0x51: {  	_ =	shalt  }
0x52: {  	_ =	shalt  }
0x53: {  	_ =	shalt  }
0x54: {  	_ =	shalt  }
0x55: {  	_ =	shalt  }
0x56: {  	_ =	shalt  }
0x57: {  	_ =	shalt  }
0x58: {  	_ =	shalt  }
0x59: {  	_ =	shalt  }
0x5a: {  	_ =	shalt  }
0x5b: {  	_ =	shalt  }
0x5c: {  	_ =	shalt  }
0x5d: {  	_ =	shalt  }
0x5e: {  	_ =	shalt  }
0x5f: {  	_ =	shalt  }
0x60: {  	_ =	shalt  }
0x61: {  	_ =	shalt  }
0x62: {  	_ =	shalt  }
0x63: {  	_ =	shalt  }
0x64: {  	_ =	shalt  }
0x65: {  	_ =	shalt  }
0x66: {  	_ =	shalt  }
0x67: {  	_ =	shalt  }
0x68: {  	_ =	shalt  }
0x69: {  	_ =	shalt  }
0x6a: {  	_ =	shalt  }
0x6b: {  	_ =	shalt  }
0x6c: {  	_ =	shalt  }
0x6d: {  	_ =	shalt  }
0x6e: {  	_ =	shalt  }
0x6f: {  	_ =	shalt  }
0x70: {  	_ =	shalt  }
0x71: {  	_ =	shalt  }
0x72: {  	_ =	shalt  }
0x73: {  	_ =	shalt  }
0x74: {  	_ =	shalt  }
0x75: {  	_ =	shalt  }
0x76: {  	_ =	shalt  }
0x77: {  	_ =	shalt  }
0x78: {  	_ =	shalt  }
0x79: {  	_ =	shalt  }
0x7a: {  	_ =	shalt  }
0x7b: {  	_ =	shalt  }
0x7c: {  	_ =	shalt  }
0x7d: {  	_ =	shalt  }
0x7e: {  	_ =	shalt  }
0x7f: {  	_ =	shalt  }
0x80: {  	_ =	shalt  }
0x81: {  	_ =	shalt  }
0x82: {  	_ =	shalt  }
0x83: {  	_ =	shalt  }
0x84: {  	_ =	shalt  }
0x85: {  	_ =	shalt  }
0x86: {  	_ =	shalt  }
0x87: {  	_ =	shalt  }
.Lfunc_end0:
.L_simem_size_0:
called_computation.1_lowered:
.L_overlay_start_0:
0x88: {  	s2 =	sld [smem:$0x3FD9]  }
0x89: {  	s3 =	sld [smem:$0x3FFE];
	_ =	sdelay $0x1  }
0x8a: {  	s1 =	srdreg.scid  }
0x8b: {  	s0 =	sand.u32 $0x1, s1  }
0x8c: {  	s17 =	sshll.u32 s0, $0xA;
	s2 =	sadd.s32 s3, s2  }
0x8d: {  	s2 =	sadd.s32 s2, s17  }
0x8e: {  	[smem:$0x3FC2] =	sst s2  }
0x8f: {  	_ = 	snop  }
0x90: {  	s2 =	sld [smem:$0x3FD0];
	(tm) =	ssettm $0x1  }
0x91: {  	s18 =	sld [smem:$0x3FFB];
	_ =	sdelay $0x3  }
0x92: {  	_ =	strace s18  }
0x93: {  	s3 =	sld [smem:$0x3FFC];
	_ =	sdelay $0x3  }
0x94: {  	_ =	strace s3  }
0x95: {  	s3 =	sld [smem:$0x3FFD];
	_ =	sdelay $0x3  }
0x96: {  	_ =	strace s3  }
0x97: {  	_ =	strace $0x8FFFFFFF  }
0x98: {  	s19 =	sld [smem:$0x3FDB];
	_ =	sdelay $0x1  }
0x99: {  	s4 =	simm.s32 $_scs_section_size  }
0x9a: {  	s5 =	simm.s32 $_size__tile_overlayer_lowered;
	s6 =	simm.s32 $_tile_overlayer_lowered  }
0x9b: {  	s22 =	simm.s32 $0x1BFF;
	s21 =	sshll.u32 s6, $0x1;
	s3 =	sadd.s32 s4, s19  }
0x9c: {  	s7 =	simm.s32 $0x0;
	s20 =	sshll.u32 s5, $0x1;
	s5 =	sadd.s32 s21, s3  }
0x9d: {  	[timem:s7], [sflag:s22] =	dma.local [hbm:s5], s20  }
0x9e: {  	_ =	swait.ge [sflag:s22], s20  }
0x9f: {  	s4 =	ssub.s32 $0x0, s20;
	[sflag:s22] =	ssyncset.done $0x0  }
0xa0: {  	[sflag:s22] =	ssyncadd.s32 s4;
	_ =	sdelay $0x1  }
0xa1: {  	s23 =	simm.s32 $0x1B8B  }
0xa2: {  	_ =	swait.ge [sflag:s23], $0x1  }
0xa3: {  	[sflag:s23] =	ssyncset.done $0x0  }
0xa4: {  	s25 =	simm.s32 $0x1B8E;
	s24 =	sld [smem:$0x3FFE];
	[sflag:s23] =	ssyncadd.s32 $0xFFFFFFFF  }
0xa5: {  	s26 =	simm.s32 $execute0_lowered;
	[smem:$0x3FD2] =	sst s25  }
0xa6: {  	s5 =	sshll.u32 s26, $0x1;
	_ =	strace $0x80000049;
	[dreg:$0x1] =	wrdreg $0xFFFFFFFF  }
0xa7: {  	s28 =	simm.s32 $_size_execute0_lowered;
	s3 =	sadd.s32 s3, s5;
	[dreg:$0x0] =	wrdreg $0x0  }
0xa8: {  	s5 =	sshll.u32 s28, $0x1;
	[dreg:$0x2] =	wrdreg s3  }
0xa9: {  	[dreg:$0x3] =	wrdreg s5  }
0xaa: {  	[dreg:$0x4] =	wrdreg $0xC0  }
0xab: {  	_ =	task [dreg:s7], $0x5FFFF  }
0xac: {  	[dreg:$0x1] =	wrdreg $0xFFFFFFFF  }
0xad: {  	[dreg:$0x0] =	wrdreg $0x60  }
0xae: {  	[dreg:$0x2] =	wrdreg s24  }
0xaf: {  	[dreg:$0x3] =	wrdreg s2  }
0xb0: {  	[dreg:$0x4] =	wrdreg $0x68A00  }
0xb1: {  	[dreg:$0x5] =	wrdreg $0x9  }
0xb2: {  	_ =	task.clear_ibuf [dreg:s7], $0x6FFFF;
	_ =	strace $0x90000049  }
0xb3: {  	s29 =	simm.s32 $0x9;
	_ =	strace $0x8000004B  }
0xb4: {  	_ =	swait.ge [sflag:s29], $0x1  }
0xb5: {  	[sflag:s29] =	ssyncadd.s32 $0xFFFFFFFF  }
0xb6: {  	_ =	strace $0x9000004B  }
0xb7: {  	_ =	sfence  }
0xb8: {  	s30 =	sld [smem:$0x0];
	_ =	sdelay $0x2  }
0xb9: {  	s31 =	sshll.u32 s1, $0xD;
	s1 =	sshrl.u32 s1, $0x2  }
0xba: {  	s3 =	sand.u32 $0x4000, s31;
	s1 =	sadd.s32 s1, s30  }
0xbb: {  	s0 =	sor.u32 s3, s0;
	s1 =	sshll.u32 s1, $0x11  }
0xbc: {  	s0 =	sor.u32 s1, s0  }
0xbd: {  	s0 =	sadd.s32 $0x8F2B, s0  }
0xbe: {  	[sflag:s0] =	ssyncadd.remote.s32 $0x1  }
0xbf: {  	_ =	sfence.sel $0xFFFF  }
0xc0: {  	[dreg:$0x0] =	wrdreg $0xFFFFFFFF;
	(pc) =	sbr.abs _section_cstart, $3  }
0xc1: {  	[dreg:$0x1] =	wrdreg $0xFFFFFFFF  }
0xc2: {  	_ =	task.clear_ibuf [dreg:s7], $0x2FFFF;
	_ =	strace $0x9FFFFFFF  }
0xc3: {  	(tm) =	ssettm $0x7FFFFFFF  }
tec
execute0_lowered:
.L_overlay_start_1:
0x0: {  	(tag) =	ssettag $0x1  }
0x1: {  	s6 =	rddreg [dreg:$0x0]  }
0x2: {  	s2 =	rddreg [dreg:$0x1]  }
0x3: {  	s0 =	srdreg.scid;
	s3 =	rddreg [dreg:$0x2]  }
0x4: {  	s1 =	stileid.u32;
	s4 =	simm.s32 $0x0;
	s21 =	simm.s32 $0x50  }
0x5: {  	s22 =	simm.s32 $0xA0;
	s23 =	simm.s32 $0x1;
	s24 =	simm.s32 $0x0  }
0x6: {  	s7 =	sand.u32 $0x1, s0;
	s0 =	rddreg [dreg:$0x3];
	s8 =	smul.u32 $0x2710, s1  }
0x7: {  	[smem:$0x7FF] =	sst s4;
	s10 =	smul.u32 $0x14000, s1;
	s15 =	sadd.s32 $0x97200, s6  }
0x8: {  	s5 =	smul.u32 $0x27100, s7;
	_ =	strace $0x8000004A;
	s9 =	ssub.s32 $0x2, s7  }
0x9: {  	s14 =	smul.u32 $0x140000, s7;
	s31 =	sshrl.u32 s9, $0x1;
	s11 =	sadd.s32 $0x4000, s10  }
0xa: {  	s13 =	sadd.s32 $0x8000, s10;
	s17 =	sadd.s32 $0xC000, s10;
	s19 =	sadd.s32 $0x10000, s10  }
0xb: {  	s5 =	sadd.s32 s8, s5;
	s16 =	ssub.s32 s9, s31;
	s7 =	sadd.s32 s11, s3  }
0xc: {  	s9 =	sadd.s32 s17, s3;
	s12 =	sadd.s32 s10, s14;
	s11 =	sadd.s32 s14, s11  }
0xd: {  	s17 =	sadd.s32 s14, s17;
	s8 =	sshrl.u32 s5, $0x3;
	s5 =	sadd.s32 $0x70000, s6  }
0xe: {  	s12 =	sshrl.u32 s12, $0x3;
	s20 =	sshrl.u32 s11, $0x3;
	s17 =	sshrl.u32 s17, $0x3  }
0xf: {  	s16 =	smax.u32 s16, $0x1;
	s18 =	sadd.s32 s8, s6;
	s6 =	sadd.s32 s10, s3  }
0x10: {  	s8 =	sadd.s32 s13, s3;
	s10 =	sadd.s32 s19, s3;
	s11 =	sadd.s32 s15, s12  }
0x11: {  	s12 =	sadd.s32 s15, s20;
	s13 =	sadd.s32 s14, s13;
	s14 =	sadd.s32 s14, s19  }
0x12: {  	s20 =	simm.s32 $0x2;
	s13 =	sshrl.u32 s13, $0x3;
	s19 =	sshrl.u32 s14, $0x3  }
0x13: {  	s14 =	sadd.s32 s15, s17;
	s17 =	sadd.s32 $0x2000, s18;
	s18 =	sadd.s32 $0xBE00, s18  }
0x14: {  	s13 =	sadd.s32 s15, s13;
	s15 =	sadd.s32 s15, s19;
	s19 =	simm.s32 $0x28A0  }
.LBB2_1:
0x15: {  	[tilespmem:s19], [sflag:$0x2] =	stream.linear.gather [hbm4b:s2+s4], $0x4000, $0x38;
	[tilespmem:$0x1A8A0] =	vst v63  }
0x16: {  	_ =	swait.ge [sflag:s20], $0x4000  }
0x17: {  	[sflag:s20] =	ssyncset.done $0x0  }
0x18: {  	[sflag:s20] =	ssyncadd.s32 $0xFFFFC000  }
0x19: {  	[spmem:s6] =	stream.linear.scatter [tilespmem:s19], [sflag:$0x2], $0x4000, $0x38;
	[tilespmem:$0x1A8A0] =	vst v63  }
0x1a: {  	_ =	swait.ge [sflag:s20], $0x4000  }
0x1b: {  	[sflag:s20] =	ssyncset.done $0x0  }
0x1c: {  	[sflag:s20] =	ssyncadd.s32 $0xFFFFC000  }
0x1d: {  	[spmem:s7] =	stream.linear.scatter [tilespmem:s19], [sflag:$0x2], $0x4000, $0x38;
	[tilespmem:$0x1A8A0] =	vst v63  }
0x1e: {  	_ =	swait.ge [sflag:s20], $0x4000  }
0x1f: {  	[sflag:s20] =	ssyncset.done $0x0  }
0x20: {  	[sflag:s20] =	ssyncadd.s32 $0xFFFFC000  }
0x21: {  	[spmem:s8] =	stream.linear.scatter [tilespmem:s19], [sflag:$0x2], $0x4000, $0x38;
	[tilespmem:$0x1A8A0] =	vst v63  }
0x22: {  	_ =	swait.ge [sflag:s20], $0x4000  }
0x23: {  	[sflag:s20] =	ssyncset.done $0x0  }
0x24: {  	[sflag:s20] =	ssyncadd.s32 $0xFFFFC000  }
0x25: {  	[spmem:s9] =	stream.linear.scatter [tilespmem:s19], [sflag:$0x2], $0x4000, $0x38;
	[tilespmem:$0x1A8A0] =	vst v63  }
0x26: {  	_ =	swait.ge [sflag:s20], $0x4000  }
0x27: {  	[sflag:s20] =	ssyncset.done $0x0  }
0x28: {  	[sflag:s20] =	ssyncadd.s32 $0xFFFFC000  }
0x29: {  	[spmem:s10] =	stream.linear.scatter [tilespmem:s19], [sflag:$0x2], $0x4000, $0x38;
	[tilespmem:$0x1A8A0] =	vst v63  }
0x2a: {  	_ =	swait.ge [sflag:s20], $0x4000  }
0x2b: {  	[sflag:s20] =	ssyncset.done $0x0  }
0x2c: {  	[sflag:s20] =	ssyncadd.s32 $0xFFFFC000  }
0x2d: {  	s25 =	sadd.s32 $0x0, s18;
	[bflag:$0x0] =	sbarrier.arrive $0xFFFF  }
0x2e: {  	[tilespmem:s4], [sflag:$0x2] =	stream.linear.gather [hbm4b:s25+s4], $0x50, $0x38;
	[tilespmem:$0x1A8A0] =	vst v63  }
0x2f: {  	_ =	swait.ge [sflag:s20], $0x50  }
0x30: {  	[sflag:s20] =	ssyncset.done $0x0  }
0x31: {  	s31 =	sadd.s32 $0x0, s17;
	[sflag:s20] =	ssyncadd.s32 $0xFFFFFFB0  }
0x32: {  	[tilespmem:s21], [sflag:$0x2] =	stream.linear.gather [hbm4b:s31+s4], $0x50, $0x38;
	[tilespmem:$0x1A8A0] =	vst v63  }
0x33: {  	_ =	swait.ge [sflag:s20], $0x50  }
0x34: {  	[sflag:s20] =	ssyncset.done $0x0  }
0x35: {  	[sflag:s20] =	ssyncadd.s32 $0xFFFFFFB0  }
0x36: {  	[tilespmem:s22], [sflag:$0x1] =	stream.indirect.gather [hbm4b:s5+s21], $0x80, s4, s21, $0xb8;
	[tilespmem:$0x1A8A0] =	vst v63  }
0x37: {  	_ =	swait.ge [sflag:s23], $0x2800  }
0x38: {  	[sflag:s23] =	ssyncset.done $0x0  }
0x39: {  	[sflag:s23] =	ssyncadd.s32 $0xFFFFD800  }
0x3a: {  	[spmem:s3] =	stream.indirect.scatter.add.f32 [tilespmem:s22], [sflag:$0x2], $0x80, s21, s21, $0xb8;
	[tilespmem:$0x1A8A0] =	vst v63  }
0x3b: {  	_ =	swait.ge [sflag:s20], $0x2800  }
0x3c: {  	s26 =	simm.s32 $0x14;
	s25 =	simm.s32 $0xA;
	[sflag:s20] =	ssyncset.done $0x0  }
.LBB2_2:
0x3d: {  	s28 =	sadd.s32 s25, s18  }
0x3e: {  	[sflag:s20] =	ssyncadd.s32 $0xFFFFD800;
	s29 =	smov.u32 s26;
	s30 =	sadd.s32 $0xA, s26  }
0x3f: {  	[tilespmem:s4], [sflag:$0x2] =	stream.linear.gather [hbm4b:s28+s4], $0x50, $0x38;
	[tilespmem:$0x1A8A0] =	vst v63  }
0x40: {  	p0 =	sne.s32 s26, $0x4D8;
	_ =	swait.ge [sflag:s20], $0x50  }
0x41: {  	[sflag:s20] =	ssyncset.done $0x0  }
0x42: {  	s26 =	sadd.s32 s25, s17;
	s25 =	smov.u32 s29;
	[sflag:s20] =	ssyncadd.s32 $0xFFFFFFB0  }
0x43: {  	[tilespmem:s21], [sflag:$0x2] =	stream.linear.gather [hbm4b:s26+s4], $0x50, $0x38;
	[tilespmem:$0x1A8A0] =	vst v63  }
0x44: {  	_ =	swait.ge [sflag:s20], $0x50  }
0x45: {  	[sflag:s20] =	ssyncset.done $0x0  }
0x46: {  	[sflag:s20] =	ssyncadd.s32 $0xFFFFFFB0  }
0x47: {  	[tilespmem:s22], [sflag:$0x1] =	stream.indirect.gather [hbm4b:s5+s21], $0x80, s4, s21, $0xb8;
	[tilespmem:$0x1A8A0] =	vst v63  }
0x48: {  	_ =	swait.ge [sflag:s23], $0x2800  }
.Ltmp0:
0x49: {  	[sflag:s23] =	ssyncset.done $0x0;
	(pc) =	sbr.rel @p0 .LBB2_2-.Ltmp0, $4  }
0x4a: {  	[sflag:s23] =	ssyncadd.s32 $0xFFFFD800  }
0x4b: {  	[spmem:s3] =	stream.indirect.scatter.add.f32 [tilespmem:s22], [sflag:$0x2], $0x80, s21, s21, $0xb8;
	[tilespmem:$0x1A8A0] =	vst v63  }
0x4c: {  	_ =	swait.ge [sflag:s20], $0x2800  }
0x4d: {  	s26 =	smov.u32 s30;
	[sflag:s20] =	ssyncset.done $0x0  }
0x4e: {  	s26 =	sadd.s32 s25, s18;
	[sflag:s20] =	ssyncadd.s32 $0xFFFFD800  }
0x4f: {  	[tilespmem:s4], [sflag:$0x2] =	stream.linear.gather [hbm4b:s26+s4], $0x50, $0x38;
	[tilespmem:$0x1A8A0] =	vst v63  }
0x50: {  	_ =	swait.ge [sflag:s20], $0x50  }
0x51: {  	[sflag:s20] =	ssyncset.done $0x0  }
0x52: {  	s31 =	sadd.s32 s25, s17;
	[sflag:s20] =	ssyncadd.s32 $0xFFFFFFB0  }
0x53: {  	[tilespmem:s21], [sflag:$0x2] =	stream.linear.gather [hbm4b:s31+s4], $0x50, $0x38;
	[tilespmem:$0x1A8A0] =	vst v63  }
0x54: {  	_ =	swait.ge [sflag:s20], $0x50  }
0x55: {  	[sflag:s20] =	ssyncset.done $0x0  }
0x56: {  	[sflag:s20] =	ssyncadd.s32 $0xFFFFFFB0  }
0x57: {  	[tilespmem:s22], [sflag:$0x1] =	stream.indirect.gather [hbm4b:s5+s21], $0x80, s4, s21, $0xb8;
	[tilespmem:$0x1A8A0] =	vst v63  }
0x58: {  	_ =	swait.ge [sflag:s23], $0x2800  }
0x59: {  	[sflag:s23] =	ssyncset.done $0x0  }
0x5a: {  	[sflag:s23] =	ssyncadd.s32 $0xFFFFD800  }
0x5b: {  	[spmem:s3] =	stream.indirect.scatter.add.f32 [tilespmem:s22], [sflag:$0x2], $0x80, s21, s21, $0xb8;
	[tilespmem:$0x1A8A0] =	vst v63  }
0x5c: {  	_ =	swait.ge [sflag:s20], $0x2800  }
0x5d: {  	[sflag:s20] =	ssyncset.done $0x0  }
0x5e: {  	[sflag:s20] =	ssyncadd.s32 $0xFFFFD800  }
0x5f: {  	[bflag:$0x0] =	sbarrier.arrive $0xFFFF  }
0x60: {  	[tilespmem:s19], [sflag:$0x2] =	stream.linear.gather [spmem:s6], $0x4000, $0x38;
	[tilespmem:$0x1A8A0] =	vst v63  }
0x61: {  	_ =	swait.ge [sflag:s20], $0x4000  }
0x62: {  	[sflag:s20] =	ssyncset.done $0x0  }
0x63: {  	[sflag:s20] =	ssyncadd.s32 $0xFFFFC000  }
0x64: {  	[hbm4b:s11+s4] =	stream.linear.scatter [tilespmem:s19], [sflag:$0x2], $0x4000, $0x38;
	[tilespmem:$0x1A8A0] =	vst v63  }
0x65: {  	_ =	swait.ge [sflag:s20], $0x4000  }
0x66: {  	[sflag:s20] =	ssyncset.done $0x0  }
0x67: {  	[sflag:s20] =	ssyncadd.s32 $0xFFFFC000  }
0x68: {  	[tilespmem:s19], [sflag:$0x2] =	stream.linear.gather [spmem:s7], $0x4000, $0x38;
	[tilespmem:$0x1A8A0] =	vst v63  }
0x69: {  	_ =	swait.ge [sflag:s20], $0x4000  }
0x6a: {  	[sflag:s20] =	ssyncset.done $0x0  }
0x6b: {  	[sflag:s20] =	ssyncadd.s32 $0xFFFFC000  }
0x6c: {  	[hbm4b:s12+s4] =	stream.linear.scatter [tilespmem:s19], [sflag:$0x2], $0x4000, $0x38;
	[tilespmem:$0x1A8A0] =	vst v63  }
0x6d: {  	_ =	swait.ge [sflag:s20], $0x4000  }
0x6e: {  	[sflag:s20] =	ssyncset.done $0x0  }
0x6f: {  	[sflag:s20] =	ssyncadd.s32 $0xFFFFC000  }
0x70: {  	[tilespmem:s19], [sflag:$0x2] =	stream.linear.gather [spmem:s8], $0x4000, $0x38;
	[tilespmem:$0x1A8A0] =	vst v63  }
0x71: {  	_ =	swait.ge [sflag:s20], $0x4000  }
0x72: {  	[sflag:s20] =	ssyncset.done $0x0  }
0x73: {  	[sflag:s20] =	ssyncadd.s32 $0xFFFFC000  }
0x74: {  	[hbm4b:s13+s4] =	stream.linear.scatter [tilespmem:s19], [sflag:$0x2], $0x4000, $0x38;
	[tilespmem:$0x1A8A0] =	vst v63  }
0x75: {  	_ =	swait.ge [sflag:s20], $0x4000  }
0x76: {  	[sflag:s20] =	ssyncset.done $0x0  }
0x77: {  	[sflag:s20] =	ssyncadd.s32 $0xFFFFC000  }
0x78: {  	[tilespmem:s19], [sflag:$0x2] =	stream.linear.gather [spmem:s9], $0x4000, $0x38;
	[tilespmem:$0x1A8A0] =	vst v63  }
0x79: {  	_ =	swait.ge [sflag:s20], $0x4000  }
0x7a: {  	[sflag:s20] =	ssyncset.done $0x0  }
0x7b: {  	[sflag:s20] =	ssyncadd.s32 $0xFFFFC000  }
0x7c: {  	[hbm4b:s14+s4] =	stream.linear.scatter [tilespmem:s19], [sflag:$0x2], $0x4000, $0x38;
	[tilespmem:$0x1A8A0] =	vst v63  }
0x7d: {  	_ =	swait.ge [sflag:s20], $0x4000  }
0x7e: {  	[sflag:s20] =	ssyncset.done $0x0  }
0x7f: {  	[sflag:s20] =	ssyncadd.s32 $0xFFFFC000  }
0x80: {  	[tilespmem:s19], [sflag:$0x2] =	stream.linear.gather [spmem:s10], $0x4000, $0x38;
	[tilespmem:$0x1A8A0] =	vst v63  }
0x81: {  	s24 =	sadd.s32 $0x1, s24;
	_ =	swait.ge [sflag:s20], $0x4000  }
0x82: {  	p0 =	sne.s32 s24, s16;
	[sflag:s20] =	ssyncset.done $0x0  }
.Ltmp1:
0x83: {  	[sflag:s20] =	ssyncadd.s32 $0xFFFFC000;
	(pc) =	sbr.rel @p0 .LBB2_1-.Ltmp1, $4  }
0x84: {  	[hbm4b:s15+s4] =	stream.linear.scatter [tilespmem:s19], [sflag:$0x2], $0x4000, $0x38;
	[tilespmem:$0x1A8A0] =	vst v63  }
0x85: {  	_ =	swait.ge [sflag:s20], $0x4000  }
0x86: {  	[sflag:s20] =	ssyncset.done $0x0  }
0x87: {  	[sflag:s20] =	ssyncadd.s32 $0xFFFFC000  }
0x88: {  	_ =	sfence.sel $0x180000  }
0x89: {  	[bflag:$0x0] =	sbarrier.arrive $0xFFFF  }
0x8a: {  	p0 =	sne.s32 s1, $0x0;
	_ =	strace $0x9000004A  }
0x8b: {  	s0 =	sadd.s32 @!p0 $0x100000, s0;
	[bflag:$0x2] =	sbarrier.arrive $0xFFFF  }
0x8c: {  	[sflag:s0] =	ssyncadd.tile.s32 @!p0 $0x1;
	_ =	shalt  }
.Lfunc_end2:
_tile_overlayer_lowered:
.L_overlay_start_2:
0x8d: {  	(tag) =	ssettag $0x2  }
0x8e: {  	s0 =	rddreg [dreg:$0x0];
	s2 =	stileid.u32  }
0x8f: {  	s1 =	rddreg [dreg:$0x1];
	p0 =	sne.s32 s2, $0x0  }
0x90: {  	s3 =	rddreg [dreg:$0x2];
	[bflag:$0x3] =	sbarrier.arrive $0xFFFF;
	s2 =	simm.s32 @!p0 $0x1C02  }
0x91: {  	[timem:s3], [sflag:s2] =	dma.local @!p0 [hbm:s0], s1  }
0x92: {  	s0 =	simm.s32 @!p0 $0x2  }
0x93: {  	_ =	swait.ge @!p0 [sflag:s0], s1  }
0x94: {  	s1 =	ssub.s32 @!p0 $0x0, s1;
	[sflag:s0] =	ssyncset.done @!p0 $0x0  }
0x95: {  	[sflag:s0] =	ssyncadd.s32 @!p0 s1  }
0x96: {  	[bflag:$0x3] =	sbarrier.arrive $0xFFFF  }
0x97: {  	_ =	shalt  }

// kernel: kernel.14.cloned.1.call-start
scs
__scs_entry_jumppad:
0x0: {  	(pc) =	sbr.rel $0x88, $3  }
0x1: {  	(tag) =	ssettag $0x0;
	lr =	simm.s32 $0x1  }
0x2: {  	[smem:$0x3F9B] =	sst lr;
	_ =	strace $0xD0000000  }
0x3: {  	_ = 	snop  }
0x4: {  	_ = 	snop  }
0x5: {  	_ = 	snop  }
0x6: {  	_ = 	snop  }
0x7: {  	_ = 	snop  }
__scs_overlays_trampoline_lowered:
0x8: {  	[smem:$0x3FAA] =	sst s0  }
0x9: {  	[smem:$0x3FAB] =	sst s1  }
0xa: {  	[smem:$0x3FAC] =	sst s2  }
0xb: {  	[smem:$0x3FAD] =	sst s3  }
0xc: {  	[smem:$0x3FAE] =	sst s4  }
0xd: {  	[smem:$0x3FAF] =	sst s5  }
0xe: {  	[smem:$0x3FB0] =	sst s6  }
0xf: {  	[smem:$0x3FB1] =	sst s7  }
0x10: {  	[smem:$0x3FB2] =	sst s8  }
0x11: {  	[smem:$0x3FB3] =	sst s9;
	s0 =	simm.s32 @!p0 $0x0  }
0x12: {  	s1 =	sld [smem:$0x3F99];
	s0 =	simm.s32 @p0 $0x1  }
0x13: {  	[smem:$0x3FB4] =	sst s0;
	s0 =	simm.s32 @!p1 $0x0  }
0x14: {  	s2 =	sld [smem:$0x3F98];
	s0 =	simm.s32 @p1 $0x1  }
0x15: {  	[smem:$0x3FB5] =	sst s0;
	s0 =	simm.s32 @!p2 $0x0  }
0x16: {  	s3 =	sld [smem:$0x3FDB];
	s0 =	simm.s32 @p2 $0x1  }
0x17: {  	s4 =	simm.s32 $0x1BF5;
	[smem:$0x3FB7] =	sst s0  }
0x18: {  	s0 =	sld [smem:$0x3F9A];
	_ =	swait.ge [sflag:s4], $0x0  }
0x19: {  	s7 =	sld [smem:$0x3F9B]  }
0x1a: {  	s8 =	sadd.s32 $0xFFFFE003, lr  }
0x1b: {  	s9 =	sadd.s32 $0xFFFFFEF7, lr;
	s5 =	simm.s32 $0xFFFFFFFF;
	p2 =	slt.u32 s8, $0xFFFFF086  }
0x1c: {  	p1 =	slt.u32 s9, $0xF7A;
	s5 =	simm.s32 @!p2 $0x0  }
0x1d: {  	s5 =	simm.s32 @p1 $0x1;
	p0 =	seq.s32 s7, s2  }
0x1e: {  	s7 =	smul.u32 @!p0 $0xF7A, s2;
	p2 =	seq.s32 @!p0 s5, $0x0  }
0x1f: {  	s9 =	smul.u32 $0xF7A, s1;
	s8 =	simm.s32 @!p0 $0x1BF5;
	p2 =	por !p2, p0  }
0x20: {  	[sflag:s8] =	ssyncset.s32 @!p0 $0xFFFFF086;
	s6 =	sadd.s32 @!p0 s3, s7;
	s7 =	simm.s32 @!p0 $0x108  }
0x21: {  	s3 =	sadd.s32 s3, s9;
	s6 =	sadd.s32 @!p0 $0x88, s6;
	s7 =	simm.s32 @p2 $0x1082  }
0x22: {  	[simem:s7], [sflag:s8] =	dma.local @!p0 [hbm:s6], $0xF7A  }
0x23: {  	s9 =	sor.u32 $0xD0000000, s2;
	s6 =	simm.s32 $0x108;
	_ =	swait.ge @!p0 [sflag:s8], $0x0  }
0x24: {  	s3 =	sadd.s32 $0x88, s3;
	s6 =	simm.s32 @!p1 $0x1082;
	[sflag:s4] =	ssyncset.s32 $0xFFFFF086  }
0x25: {  	[simem:s6], [sflag:s4] =	dma.local [hbm:s3], $0xF7A  }
0x26: {  	[smem:$0x3F9B] =	sst s1;
	(tag) =	ssettag s2;
	_ =	strace s9  }
0x27: {  	s1 =	sld [smem:$0x3FAB]  }
0x28: {  	s2 =	sld [smem:$0x3FAC]  }
0x29: {  	s4 =	sld [smem:$0x3FAE]  }
0x2a: {  	p0 =	seq.s32 s5, $0x0;
	s5 =	sld [smem:$0x3FAF]  }
0x2b: {  	s6 =	sld [smem:$0x3FB0]  }
0x2c: {  	s7 =	sld [smem:$0x3FB1]  }
0x2d: {  	s3 =	simm.s32 $0x108;
	s8 =	sld [smem:$0x3FB2]  }
0x2e: {  	s3 =	simm.s32 @!p0 $0x1082;
	s9 =	sld [smem:$0x3FB3]  }
0x2f: {  	lr =	sadd.s32 s0, s3;
	s0 =	sld [smem:$0x3FAA]  }
0x30: {  	s3 =	sld [smem:$0x3FAD]  }
0x31: {  	[smem:$0x3FB6] =	sst s10  }
0x32: {  	s10 =	sld [smem:$0x3FB4];
	_ =	sdelay $0x3  }
0x33: {  	p0 =	seq.s32 s10, $0x1;
	s10 =	sld [smem:$0x3FB6];
	_ =	sdelay $0x3  }
0x34: {  	[smem:$0x3FB6] =	sst s10  }
0x35: {  	s10 =	sld [smem:$0x3FB5];
	_ =	sdelay $0x3  }
0x36: {  	p1 =	seq.s32 s10, $0x1;
	s10 =	sld [smem:$0x3FB6];
	_ =	sdelay $0x3  }
0x37: {  	[smem:$0x3FB6] =	sst s10  }
0x38: {  	s10 =	sld [smem:$0x3FB7]  }
0x39: {  	_ = 	snop;
	(pc) =	sbr.ind lr, $3  }
0x3a: {  	_ = 	snop  }
0x3b: {  	_ = 	snop  }
0x3c: {  	p2 =	seq.s32 s10, $0x1;
	s10 =	sld [smem:$0x3FB6]  }
0x3d: {  	_ =	shalt  }
0x3e: {  	_ =	shalt  }
0x3f: {  	_ =	shalt  }
0x40: {  	_ =	shalt  }
0x41: {  	_ =	shalt  }
0x42: {  	_ =	shalt  }
0x43: {  	_ =	shalt  }
0x44: {  	_ =	shalt  }
0x45: {  	_ =	shalt  }
0x46: {  	_ =	shalt  }
0x47: {  	_ =	shalt  }
0x48: {  	_ =	shalt  }
0x49: {  	_ =	shalt  }
0x4a: {  	_ =	shalt  }
0x4b: {  	_ =	shalt  }
0x4c: {  	_ =	shalt  }
0x4d: {  	_ =	shalt  }
0x4e: {  	_ =	shalt  }
0x4f: {  	_ =	shalt  }
0x50: {  	_ =	shalt  }
0x51: {  	_ =	shalt  }
0x52: {  	_ =	shalt  }
0x53: {  	_ =	shalt  }
0x54: {  	_ =	shalt  }
0x55: {  	_ =	shalt  }
0x56: {  	_ =	shalt  }
0x57: {  	_ =	shalt  }
0x58: {  	_ =	shalt  }
0x59: {  	_ =	shalt  }
0x5a: {  	_ =	shalt  }
0x5b: {  	_ =	shalt  }
0x5c: {  	_ =	shalt  }
0x5d: {  	_ =	shalt  }
0x5e: {  	_ =	shalt  }
0x5f: {  	_ =	shalt  }
0x60: {  	_ =	shalt  }
0x61: {  	_ =	shalt  }
0x62: {  	_ =	shalt  }
0x63: {  	_ =	shalt  }
0x64: {  	_ =	shalt  }
0x65: {  	_ =	shalt  }
0x66: {  	_ =	shalt  }
0x67: {  	_ =	shalt  }
0x68: {  	_ =	shalt  }
0x69: {  	_ =	shalt  }
0x6a: {  	_ =	shalt  }
0x6b: {  	_ =	shalt  }
0x6c: {  	_ =	shalt  }
0x6d: {  	_ =	shalt  }
0x6e: {  	_ =	shalt  }
0x6f: {  	_ =	shalt  }
0x70: {  	_ =	shalt  }
0x71: {  	_ =	shalt  }
0x72: {  	_ =	shalt  }
0x73: {  	_ =	shalt  }
0x74: {  	_ =	shalt  }
0x75: {  	_ =	shalt  }
0x76: {  	_ =	shalt  }
0x77: {  	_ =	shalt  }
0x78: {  	_ =	shalt  }
0x79: {  	_ =	shalt  }
0x7a: {  	_ =	shalt  }
0x7b: {  	_ =	shalt  }
0x7c: {  	_ =	shalt  }
0x7d: {  	_ =	shalt  }
0x7e: {  	_ =	shalt  }
0x7f: {  	_ =	shalt  }
0x80: {  	_ =	shalt  }
0x81: {  	_ =	shalt  }
0x82: {  	_ =	shalt  }
0x83: {  	_ =	shalt  }
0x84: {  	_ =	shalt  }
0x85: {  	_ =	shalt  }
0x86: {  	_ =	shalt  }
0x87: {  	_ =	shalt  }
.Lfunc_end0:
.L_simem_size_0:
called_computation.2_lowered:
.L_overlay_start_0:
0x88: {  	s2 =	sld [smem:$0x3FD9]  }
0x89: {  	s3 =	sld [smem:$0x3FFE];
	_ =	sdelay $0x1  }
0x8a: {  	s1 =	srdreg.scid  }
0x8b: {  	s0 =	sand.u32 $0x1, s1  }
0x8c: {  	s17 =	sshll.u32 s0, $0xA;
	s2 =	sadd.s32 s3, s2  }
0x8d: {  	s2 =	sadd.s32 s2, s17  }
0x8e: {  	[smem:$0x3FC2] =	sst s2  }
0x8f: {  	_ = 	snop  }
0x90: {  	s2 =	sld [smem:$0x3FD0];
	(tm) =	ssettm $0x1  }
0x91: {  	s18 =	sld [smem:$0x3FFB];
	_ =	sdelay $0x3  }
0x92: {  	_ =	strace s18  }
0x93: {  	s3 =	sld [smem:$0x3FFC];
	_ =	sdelay $0x3  }
0x94: {  	_ =	strace s3  }
0x95: {  	s3 =	sld [smem:$0x3FFD];
	_ =	sdelay $0x3  }
0x96: {  	_ =	strace s3  }
0x97: {  	_ =	strace $0x8FFFFFFF  }
0x98: {  	s19 =	sld [smem:$0x3FDB];
	_ =	sdelay $0x1  }
0x99: {  	s4 =	simm.s32 $_scs_section_size  }
0x9a: {  	s5 =	simm.s32 $_size__tile_overlayer_lowered;
	s6 =	simm.s32 $_tile_overlayer_lowered  }
0x9b: {  	s22 =	simm.s32 $0x1BFF;
	s21 =	sshll.u32 s6, $0x1;
	s3 =	sadd.s32 s4, s19  }
0x9c: {  	s7 =	simm.s32 $0x0;
	s20 =	sshll.u32 s5, $0x1;
	s5 =	sadd.s32 s21, s3  }
0x9d: {  	[timem:s7], [sflag:s22] =	dma.local [hbm:s5], s20  }
0x9e: {  	_ =	swait.ge [sflag:s22], s20  }
0x9f: {  	s4 =	ssub.s32 $0x0, s20;
	[sflag:s22] =	ssyncset.done $0x0  }
0xa0: {  	[sflag:s22] =	ssyncadd.s32 s4;
	_ =	sdelay $0x1  }
0xa1: {  	s23 =	simm.s32 $0x1B8B  }
0xa2: {  	_ =	swait.ge [sflag:s23], $0x1  }
0xa3: {  	[sflag:s23] =	ssyncset.done $0x0  }
0xa4: {  	s25 =	simm.s32 $0x1B8E;
	s24 =	sld [smem:$0x3FFE];
	[sflag:s23] =	ssyncadd.s32 $0xFFFFFFFF  }
0xa5: {  	s26 =	simm.s32 $execute0_lowered;
	[smem:$0x3FD2] =	sst s25  }
0xa6: {  	s5 =	sshll.u32 s26, $0x1;
	_ =	strace $0x8000004C;
	[dreg:$0x1] =	wrdreg $0xFFFFFFFF  }
0xa7: {  	s28 =	simm.s32 $_size_execute0_lowered;
	s3 =	sadd.s32 s3, s5;
	[dreg:$0x0] =	wrdreg $0x0  }
0xa8: {  	s5 =	sshll.u32 s28, $0x1;
	[dreg:$0x2] =	wrdreg s3  }
0xa9: {  	[dreg:$0x3] =	wrdreg s5  }
0xaa: {  	[dreg:$0x4] =	wrdreg $0xC0  }
0xab: {  	_ =	task [dreg:s7], $0x5FFFF  }
0xac: {  	[dreg:$0x1] =	wrdreg $0xFFFFFFFF  }
0xad: {  	[dreg:$0x0] =	wrdreg $0x60  }
0xae: {  	[dreg:$0x2] =	wrdreg s2  }
0xaf: {  	[dreg:$0x3] =	wrdreg s24  }
0xb0: {  	[dreg:$0x4] =	wrdreg $0x34A00  }
0xb1: {  	[dreg:$0x5] =	wrdreg $0x9  }
0xb2: {  	_ =	task.clear_ibuf [dreg:s7], $0x6FFFF;
	_ =	strace $0x9000004C  }
0xb3: {  	s29 =	simm.s32 $0x9;
	_ =	strace $0x8000004E  }
0xb4: {  	_ =	swait.ge [sflag:s29], $0x1  }
0xb5: {  	[sflag:s29] =	ssyncadd.s32 $0xFFFFFFFF  }
0xb6: {  	_ =	strace $0x9000004E  }
0xb7: {  	_ =	sfence  }
0xb8: {  	s30 =	sld [smem:$0x0];
	_ =	sdelay $0x2  }
0xb9: {  	s31 =	sshll.u32 s1, $0xD;
	s1 =	sshrl.u32 s1, $0x2  }
0xba: {  	s3 =	sand.u32 $0x4000, s31;
	s1 =	sadd.s32 s1, s30  }
0xbb: {  	s0 =	sor.u32 s3, s0;
	s1 =	sshll.u32 s1, $0x11  }
0xbc: {  	s0 =	sor.u32 s1, s0  }
0xbd: {  	s0 =	sadd.s32 $0x8F2B, s0  }
0xbe: {  	[sflag:s0] =	ssyncadd.remote.s32 $0x1  }
0xbf: {  	_ =	sfence.sel $0xFFFF  }
0xc0: {  	[dreg:$0x0] =	wrdreg $0xFFFFFFFF;
	(pc) =	sbr.abs _section_cstart, $3  }
0xc1: {  	[dreg:$0x1] =	wrdreg $0xFFFFFFFF  }
0xc2: {  	_ =	task.clear_ibuf [dreg:s7], $0x2FFFF;
	_ =	strace $0x9FFFFFFF  }
0xc3: {  	(tm) =	ssettm $0x7FFFFFFF  }
tec
execute0_lowered:
.L_overlay_start_1:
0x0: {  	(tag) =	ssettag $0x1  }
0x1: {  	s0 =	rddreg [dreg:$0x0]  }
0x2: {  	s6 =	rddreg [dreg:$0x1]  }
0x3: {  	s1 =	srdreg.scid;
	s3 =	rddreg [dreg:$0x2]  }
0x4: {  	s2 =	stileid.u32;
	s4 =	simm.s32 $0x0;
	s21 =	simm.s32 $0x50  }
0x5: {  	s22 =	simm.s32 $0xA0;
	s23 =	simm.s32 $0x1;
	s24 =	simm.s32 $0x0  }
0x6: {  	s7 =	sand.u32 $0x1, s1;
	s1 =	rddreg [dreg:$0x3];
	s8 =	smul.u32 $0x2710, s2  }
0x7: {  	[smem:$0x7FF] =	sst s4;
	s10 =	smul.u32 $0xA000, s2;
	s15 =	sadd.s32 $0x16000, s6  }
0x8: {  	s5 =	smul.u32 $0x27100, s7;
	_ =	strace $0x8000004D;
	s31 =	ssub.s32 $0x2, s7  }
0x9: {  	s14 =	smul.u32 $0xA0000, s7;
	s9 =	sshrl.u32 s31, $0x1;
	s11 =	sadd.s32 $0x2000, s10  }
0xa: {  	s13 =	sadd.s32 $0x4000, s10;
	s17 =	sadd.s32 $0x6000, s10;
	s19 =	sadd.s32 $0x8000, s10  }
0xb: {  	s5 =	sadd.s32 s8, s5;
	s16 =	ssub.s32 s31, s9;
	s7 =	sadd.s32 s11, s3  }
0xc: {  	s8 =	sadd.s32 s13, s3;
	s9 =	sadd.s32 s17, s3;
	s12 =	sadd.s32 s10, s14  }
0xd: {  	s11 =	sadd.s32 s14, s11;
	s13 =	sadd.s32 s14, s13;
	s17 =	sadd.s32 s14, s17  }
0xe: {  	s14 =	sadd.s32 s14, s19;
	s5 =	sshrl.u32 s5, $0x3;
	s12 =	sshrl.u32 s12, $0x3  }
0xf: {  	s20 =	sshrl.u32 s11, $0x3;
	s13 =	sshrl.u32 s13, $0x3;
	s17 =	sshrl.u32 s17, $0x3  }
0x10: {  	s16 =	smax.u32 s16, $0x1;
	s18 =	sadd.s32 s5, s6;
	s5 =	sadd.s32 $0x15C00, s6  }
0x11: {  	s6 =	sadd.s32 s10, s3;
	s10 =	sadd.s32 s19, s3;
	s11 =	sadd.s32 s15, s12  }
0x12: {  	s12 =	sadd.s32 s15, s20;
	s19 =	sshrl.u32 s14, $0x3;
	s13 =	sadd.s32 s15, s13  }
0x13: {  	s14 =	sadd.s32 s15, s17;
	s20 =	simm.s32 $0x2;
	s15 =	sadd.s32 s15, s19  }
0x14: {  	s17 =	sadd.s32 $0x2000, s18;
	s18 =	sadd.s32 $0xBE00, s18;
	s19 =	simm.s32 $0x14A0  }
.LBB2_1:
0x15: {  	[tilespmem:s19], [sflag:$0x2] =	stream.linear.gather [hbm4b:s5+s4], $0x2000, $0x38;
	[tilespmem:$0xD4A0] =	vst v63  }
0x16: {  	_ =	swait.ge [sflag:s20], $0x2000  }
0x17: {  	[sflag:s20] =	ssyncset.done $0x0  }
0x18: {  	[sflag:s20] =	ssyncadd.s32 $0xFFFFE000  }
0x19: {  	[spmem:s6] =	stream.linear.scatter [tilespmem:s19], [sflag:$0x2], $0x2000, $0x38;
	[tilespmem:$0xD4A0] =	vst v63  }
0x1a: {  	_ =	swait.ge [sflag:s20], $0x2000  }
0x1b: {  	[sflag:s20] =	ssyncset.done $0x0  }
0x1c: {  	[sflag:s20] =	ssyncadd.s32 $0xFFFFE000  }
0x1d: {  	[spmem:s7] =	stream.linear.scatter [tilespmem:s19], [sflag:$0x2], $0x2000, $0x38;
	[tilespmem:$0xD4A0] =	vst v63  }
0x1e: {  	_ =	swait.ge [sflag:s20], $0x2000  }
0x1f: {  	[sflag:s20] =	ssyncset.done $0x0  }
0x20: {  	[sflag:s20] =	ssyncadd.s32 $0xFFFFE000  }
0x21: {  	[spmem:s8] =	stream.linear.scatter [tilespmem:s19], [sflag:$0x2], $0x2000, $0x38;
	[tilespmem:$0xD4A0] =	vst v63  }
0x22: {  	_ =	swait.ge [sflag:s20], $0x2000  }
0x23: {  	[sflag:s20] =	ssyncset.done $0x0  }
0x24: {  	[sflag:s20] =	ssyncadd.s32 $0xFFFFE000  }
0x25: {  	[spmem:s9] =	stream.linear.scatter [tilespmem:s19], [sflag:$0x2], $0x2000, $0x38;
	[tilespmem:$0xD4A0] =	vst v63  }
0x26: {  	_ =	swait.ge [sflag:s20], $0x2000  }
0x27: {  	[sflag:s20] =	ssyncset.done $0x0  }
0x28: {  	[sflag:s20] =	ssyncadd.s32 $0xFFFFE000  }
0x29: {  	[spmem:s10] =	stream.linear.scatter [tilespmem:s19], [sflag:$0x2], $0x2000, $0x38;
	[tilespmem:$0xD4A0] =	vst v63  }
0x2a: {  	_ =	swait.ge [sflag:s20], $0x2000  }
0x2b: {  	[sflag:s20] =	ssyncset.done $0x0  }
0x2c: {  	[sflag:s20] =	ssyncadd.s32 $0xFFFFE000  }
0x2d: {  	s25 =	sadd.s32 $0x0, s18;
	[bflag:$0x0] =	sbarrier.arrive $0xFFFF  }
0x2e: {  	[tilespmem:s4], [sflag:$0x2] =	stream.linear.gather [hbm4b:s25+s4], $0x50, $0x38;
	[tilespmem:$0xD4A0] =	vst v63  }
0x2f: {  	_ =	swait.ge [sflag:s20], $0x50  }
0x30: {  	[sflag:s20] =	ssyncset.done $0x0  }
0x31: {  	s31 =	sadd.s32 $0x0, s17;
	[sflag:s20] =	ssyncadd.s32 $0xFFFFFFB0  }
0x32: {  	[tilespmem:s21], [sflag:$0x2] =	stream.linear.gather [hbm4b:s31+s4], $0x50, $0x38;
	[tilespmem:$0xD4A0] =	vst v63  }
0x33: {  	_ =	swait.ge [sflag:s20], $0x50  }
0x34: {  	[sflag:s20] =	ssyncset.done $0x0  }
0x35: {  	[sflag:s20] =	ssyncadd.s32 $0xFFFFFFB0  }
0x36: {  	[tilespmem:s22], [sflag:$0x1] =	stream.indirect.gather [hbm4b:s0+s21], $0x40, s4, s21, $0xb8;
	[tilespmem:$0xD4A0] =	vst v63  }
0x37: {  	_ =	swait.ge [sflag:s23], $0x1400  }
0x38: {  	[sflag:s23] =	ssyncset.done $0x0  }
0x39: {  	[sflag:s23] =	ssyncadd.s32 $0xFFFFEC00  }
0x3a: {  	[spmem:s3] =	stream.indirect.scatter.add.f32 [tilespmem:s22], [sflag:$0x2], $0x40, s21, s21, $0xb8;
	[tilespmem:$0xD4A0] =	vst v63  }
0x3b: {  	_ =	swait.ge [sflag:s20], $0x1400  }
0x3c: {  	s26 =	simm.s32 $0x14;
	s25 =	simm.s32 $0xA;
	[sflag:s20] =	ssyncset.done $0x0  }
.LBB2_2:
0x3d: {  	s28 =	sadd.s32 s25, s18  }
0x3e: {  	[sflag:s20] =	ssyncadd.s32 $0xFFFFEC00;
	s29 =	smov.u32 s26;
	s30 =	sadd.s32 $0xA, s26  }
0x3f: {  	[tilespmem:s4], [sflag:$0x2] =	stream.linear.gather [hbm4b:s28+s4], $0x50, $0x38;
	[tilespmem:$0xD4A0] =	vst v63  }
0x40: {  	p0 =	sne.s32 s26, $0x4D8;
	_ =	swait.ge [sflag:s20], $0x50  }
0x41: {  	[sflag:s20] =	ssyncset.done $0x0  }
0x42: {  	s26 =	sadd.s32 s25, s17;
	s25 =	smov.u32 s29;
	[sflag:s20] =	ssyncadd.s32 $0xFFFFFFB0  }
0x43: {  	[tilespmem:s21], [sflag:$0x2] =	stream.linear.gather [hbm4b:s26+s4], $0x50, $0x38;
	[tilespmem:$0xD4A0] =	vst v63  }
0x44: {  	_ =	swait.ge [sflag:s20], $0x50  }
0x45: {  	[sflag:s20] =	ssyncset.done $0x0  }
0x46: {  	[sflag:s20] =	ssyncadd.s32 $0xFFFFFFB0  }
0x47: {  	[tilespmem:s22], [sflag:$0x1] =	stream.indirect.gather [hbm4b:s0+s21], $0x40, s4, s21, $0xb8;
	[tilespmem:$0xD4A0] =	vst v63  }
0x48: {  	_ =	swait.ge [sflag:s23], $0x1400  }
.Ltmp0:
0x49: {  	[sflag:s23] =	ssyncset.done $0x0;
	(pc) =	sbr.rel @p0 .LBB2_2-.Ltmp0, $4  }
0x4a: {  	[sflag:s23] =	ssyncadd.s32 $0xFFFFEC00  }
0x4b: {  	[spmem:s3] =	stream.indirect.scatter.add.f32 [tilespmem:s22], [sflag:$0x2], $0x40, s21, s21, $0xb8;
	[tilespmem:$0xD4A0] =	vst v63  }
0x4c: {  	_ =	swait.ge [sflag:s20], $0x1400  }
0x4d: {  	s26 =	smov.u32 s30;
	[sflag:s20] =	ssyncset.done $0x0  }
0x4e: {  	s26 =	sadd.s32 s25, s18;
	[sflag:s20] =	ssyncadd.s32 $0xFFFFEC00  }
0x4f: {  	[tilespmem:s4], [sflag:$0x2] =	stream.linear.gather [hbm4b:s26+s4], $0x50, $0x38;
	[tilespmem:$0xD4A0] =	vst v63  }
0x50: {  	_ =	swait.ge [sflag:s20], $0x50  }
0x51: {  	[sflag:s20] =	ssyncset.done $0x0  }
0x52: {  	s31 =	sadd.s32 s25, s17;
	[sflag:s20] =	ssyncadd.s32 $0xFFFFFFB0  }
0x53: {  	[tilespmem:s21], [sflag:$0x2] =	stream.linear.gather [hbm4b:s31+s4], $0x50, $0x38;
	[tilespmem:$0xD4A0] =	vst v63  }
0x54: {  	_ =	swait.ge [sflag:s20], $0x50  }
0x55: {  	[sflag:s20] =	ssyncset.done $0x0  }
0x56: {  	[sflag:s20] =	ssyncadd.s32 $0xFFFFFFB0  }
0x57: {  	[tilespmem:s22], [sflag:$0x1] =	stream.indirect.gather [hbm4b:s0+s21], $0x40, s4, s21, $0xb8;
	[tilespmem:$0xD4A0] =	vst v63  }
0x58: {  	_ =	swait.ge [sflag:s23], $0x1400  }
0x59: {  	[sflag:s23] =	ssyncset.done $0x0  }
0x5a: {  	[sflag:s23] =	ssyncadd.s32 $0xFFFFEC00  }
0x5b: {  	[spmem:s3] =	stream.indirect.scatter.add.f32 [tilespmem:s22], [sflag:$0x2], $0x40, s21, s21, $0xb8;
	[tilespmem:$0xD4A0] =	vst v63  }
0x5c: {  	_ =	swait.ge [sflag:s20], $0x1400  }
0x5d: {  	[sflag:s20] =	ssyncset.done $0x0  }
0x5e: {  	[sflag:s20] =	ssyncadd.s32 $0xFFFFEC00  }
0x5f: {  	[bflag:$0x0] =	sbarrier.arrive $0xFFFF  }
0x60: {  	[tilespmem:s19], [sflag:$0x2] =	stream.linear.gather [spmem:s6], $0x2000, $0x38;
	[tilespmem:$0xD4A0] =	vst v63  }
0x61: {  	_ =	swait.ge [sflag:s20], $0x2000  }
0x62: {  	[sflag:s20] =	ssyncset.done $0x0  }
0x63: {  	[sflag:s20] =	ssyncadd.s32 $0xFFFFE000  }
0x64: {  	[hbm4b:s11+s4] =	stream.linear.scatter [tilespmem:s19], [sflag:$0x2], $0x2000, $0x38;
	[tilespmem:$0xD4A0] =	vst v63  }
0x65: {  	_ =	swait.ge [sflag:s20], $0x2000  }
0x66: {  	[sflag:s20] =	ssyncset.done $0x0  }
0x67: {  	[sflag:s20] =	ssyncadd.s32 $0xFFFFE000  }
0x68: {  	[tilespmem:s19], [sflag:$0x2] =	stream.linear.gather [spmem:s7], $0x2000, $0x38;
	[tilespmem:$0xD4A0] =	vst v63  }
0x69: {  	_ =	swait.ge [sflag:s20], $0x2000  }
0x6a: {  	[sflag:s20] =	ssyncset.done $0x0  }
0x6b: {  	[sflag:s20] =	ssyncadd.s32 $0xFFFFE000  }
0x6c: {  	[hbm4b:s12+s4] =	stream.linear.scatter [tilespmem:s19], [sflag:$0x2], $0x2000, $0x38;
	[tilespmem:$0xD4A0] =	vst v63  }
0x6d: {  	_ =	swait.ge [sflag:s20], $0x2000  }
0x6e: {  	[sflag:s20] =	ssyncset.done $0x0  }
0x6f: {  	[sflag:s20] =	ssyncadd.s32 $0xFFFFE000  }
0x70: {  	[tilespmem:s19], [sflag:$0x2] =	stream.linear.gather [spmem:s8], $0x2000, $0x38;
	[tilespmem:$0xD4A0] =	vst v63  }
0x71: {  	_ =	swait.ge [sflag:s20], $0x2000  }
0x72: {  	[sflag:s20] =	ssyncset.done $0x0  }
0x73: {  	[sflag:s20] =	ssyncadd.s32 $0xFFFFE000  }
0x74: {  	[hbm4b:s13+s4] =	stream.linear.scatter [tilespmem:s19], [sflag:$0x2], $0x2000, $0x38;
	[tilespmem:$0xD4A0] =	vst v63  }
0x75: {  	_ =	swait.ge [sflag:s20], $0x2000  }
0x76: {  	[sflag:s20] =	ssyncset.done $0x0  }
0x77: {  	[sflag:s20] =	ssyncadd.s32 $0xFFFFE000  }
0x78: {  	[tilespmem:s19], [sflag:$0x2] =	stream.linear.gather [spmem:s9], $0x2000, $0x38;
	[tilespmem:$0xD4A0] =	vst v63  }
0x79: {  	_ =	swait.ge [sflag:s20], $0x2000  }
0x7a: {  	[sflag:s20] =	ssyncset.done $0x0  }
0x7b: {  	[sflag:s20] =	ssyncadd.s32 $0xFFFFE000  }
0x7c: {  	[hbm4b:s14+s4] =	stream.linear.scatter [tilespmem:s19], [sflag:$0x2], $0x2000, $0x38;
	[tilespmem:$0xD4A0] =	vst v63  }
0x7d: {  	_ =	swait.ge [sflag:s20], $0x2000  }
0x7e: {  	[sflag:s20] =	ssyncset.done $0x0  }
0x7f: {  	[sflag:s20] =	ssyncadd.s32 $0xFFFFE000  }
0x80: {  	[tilespmem:s19], [sflag:$0x2] =	stream.linear.gather [spmem:s10], $0x2000, $0x38;
	[tilespmem:$0xD4A0] =	vst v63  }
0x81: {  	s24 =	sadd.s32 $0x1, s24;
	_ =	swait.ge [sflag:s20], $0x2000  }
0x82: {  	p0 =	sne.s32 s24, s16;
	[sflag:s20] =	ssyncset.done $0x0  }
.Ltmp1:
0x83: {  	[sflag:s20] =	ssyncadd.s32 $0xFFFFE000;
	(pc) =	sbr.rel @p0 .LBB2_1-.Ltmp1, $4  }
0x84: {  	[hbm4b:s15+s4] =	stream.linear.scatter [tilespmem:s19], [sflag:$0x2], $0x2000, $0x38;
	[tilespmem:$0xD4A0] =	vst v63  }
0x85: {  	_ =	swait.ge [sflag:s20], $0x2000  }
0x86: {  	[sflag:s20] =	ssyncset.done $0x0  }
0x87: {  	[sflag:s20] =	ssyncadd.s32 $0xFFFFE000  }
0x88: {  	_ =	sfence.sel $0x180000  }
0x89: {  	[bflag:$0x0] =	sbarrier.arrive $0xFFFF  }
0x8a: {  	p0 =	sne.s32 s2, $0x0;
	_ =	strace $0x9000004D  }
0x8b: {  	s0 =	sadd.s32 @!p0 $0x100000, s1;
	[bflag:$0x2] =	sbarrier.arrive $0xFFFF  }
0x8c: {  	[sflag:s0] =	ssyncadd.tile.s32 @!p0 $0x1;
	_ =	shalt  }
.Lfunc_end2:
_tile_overlayer_lowered:
.L_overlay_start_2:
0x8d: {  	(tag) =	ssettag $0x2  }
0x8e: {  	s0 =	rddreg [dreg:$0x0];
	s2 =	stileid.u32  }
0x8f: {  	s1 =	rddreg [dreg:$0x1];
	p0 =	sne.s32 s2, $0x0  }
0x90: {  	s3 =	rddreg [dreg:$0x2];
	[bflag:$0x3] =	sbarrier.arrive $0xFFFF;
	s2 =	simm.s32 @!p0 $0x1C02  }
0x91: {  	[timem:s3], [sflag:s2] =	dma.local @!p0 [hbm:s0], s1  }
0x92: {  	s0 =	simm.s32 @!p0 $0x2  }
0x93: {  	_ =	swait.ge @!p0 [sflag:s0], s1  }
0x94: {  	s1 =	ssub.s32 @!p0 $0x0, s1;
	[sflag:s0] =	ssyncset.done @!p0 $0x0  }
0x95: {  	[sflag:s0] =	ssyncadd.s32 @!p0 s1  }
0x96: {  	[bflag:$0x3] =	sbarrier.arrive $0xFFFF  }
0x97: {  	_ =	shalt  }

// kernel: kernel.8.cloned.1.call-start
scs
__scs_entry_jumppad:
0x0: {  	(pc) =	sbr.rel $0x88, $3  }
0x1: {  	(tag) =	ssettag $0x0;
	lr =	simm.s32 $0x1  }
0x2: {  	[smem:$0x3F9B] =	sst lr;
	_ =	strace $0xD0000000  }
0x3: {  	_ = 	snop  }
0x4: {  	_ = 	snop  }
0x5: {  	_ = 	snop  }
0x6: {  	_ = 	snop  }
0x7: {  	_ = 	snop  }
__scs_overlays_trampoline_lowered:
0x8: {  	[smem:$0x3FAA] =	sst s0  }
0x9: {  	[smem:$0x3FAB] =	sst s1  }
0xa: {  	[smem:$0x3FAC] =	sst s2  }
0xb: {  	[smem:$0x3FAD] =	sst s3  }
0xc: {  	[smem:$0x3FAE] =	sst s4  }
0xd: {  	[smem:$0x3FAF] =	sst s5  }
0xe: {  	[smem:$0x3FB0] =	sst s6  }
0xf: {  	[smem:$0x3FB1] =	sst s7  }
0x10: {  	[smem:$0x3FB2] =	sst s8  }
0x11: {  	[smem:$0x3FB3] =	sst s9;
	s0 =	simm.s32 @!p0 $0x0  }
0x12: {  	s1 =	sld [smem:$0x3F99];
	s0 =	simm.s32 @p0 $0x1  }
0x13: {  	[smem:$0x3FB4] =	sst s0;
	s0 =	simm.s32 @!p1 $0x0  }
0x14: {  	s2 =	sld [smem:$0x3F98];
	s0 =	simm.s32 @p1 $0x1  }
0x15: {  	[smem:$0x3FB5] =	sst s0;
	s0 =	simm.s32 @!p2 $0x0  }
0x16: {  	s3 =	sld [smem:$0x3FDB];
	s0 =	simm.s32 @p2 $0x1  }
0x17: {  	s4 =	simm.s32 $0x1BF5;
	[smem:$0x3FB7] =	sst s0  }
0x18: {  	s0 =	sld [smem:$0x3F9A];
	_ =	swait.ge [sflag:s4], $0x0  }
0x19: {  	s7 =	sld [smem:$0x3F9B]  }
0x1a: {  	s8 =	sadd.s32 $0xFFFFE003, lr  }
0x1b: {  	s9 =	sadd.s32 $0xFFFFFEF7, lr;
	s5 =	simm.s32 $0xFFFFFFFF;
	p2 =	slt.u32 s8, $0xFFFFF086  }
0x1c: {  	p1 =	slt.u32 s9, $0xF7A;
	s5 =	simm.s32 @!p2 $0x0  }
0x1d: {  	s5 =	simm.s32 @p1 $0x1;
	p0 =	seq.s32 s7, s2  }
0x1e: {  	s7 =	smul.u32 @!p0 $0xF7A, s2;
	p2 =	seq.s32 @!p0 s5, $0x0  }
0x1f: {  	s9 =	smul.u32 $0xF7A, s1;
	s8 =	simm.s32 @!p0 $0x1BF5;
	p2 =	por !p2, p0  }
0x20: {  	[sflag:s8] =	ssyncset.s32 @!p0 $0xFFFFF086;
	s6 =	sadd.s32 @!p0 s3, s7;
	s7 =	simm.s32 @!p0 $0x108  }
0x21: {  	s3 =	sadd.s32 s3, s9;
	s6 =	sadd.s32 @!p0 $0x88, s6;
	s7 =	simm.s32 @p2 $0x1082  }
0x22: {  	[simem:s7], [sflag:s8] =	dma.local @!p0 [hbm:s6], $0xF7A  }
0x23: {  	s9 =	sor.u32 $0xD0000000, s2;
	s6 =	simm.s32 $0x108;
	_ =	swait.ge @!p0 [sflag:s8], $0x0  }
0x24: {  	s3 =	sadd.s32 $0x88, s3;
	s6 =	simm.s32 @!p1 $0x1082;
	[sflag:s4] =	ssyncset.s32 $0xFFFFF086  }
0x25: {  	[simem:s6], [sflag:s4] =	dma.local [hbm:s3], $0xF7A  }
0x26: {  	[smem:$0x3F9B] =	sst s1;
	(tag) =	ssettag s2;
	_ =	strace s9  }
0x27: {  	s1 =	sld [smem:$0x3FAB]  }
0x28: {  	s2 =	sld [smem:$0x3FAC]  }
0x29: {  	s4 =	sld [smem:$0x3FAE]  }
0x2a: {  	p0 =	seq.s32 s5, $0x0;
	s5 =	sld [smem:$0x3FAF]  }
0x2b: {  	s6 =	sld [smem:$0x3FB0]  }
0x2c: {  	s7 =	sld [smem:$0x3FB1]  }
0x2d: {  	s3 =	simm.s32 $0x108;
	s8 =	sld [smem:$0x3FB2]  }
0x2e: {  	s3 =	simm.s32 @!p0 $0x1082;
	s9 =	sld [smem:$0x3FB3]  }
0x2f: {  	lr =	sadd.s32 s0, s3;
	s0 =	sld [smem:$0x3FAA]  }
0x30: {  	s3 =	sld [smem:$0x3FAD]  }
0x31: {  	[smem:$0x3FB6] =	sst s10  }
0x32: {  	s10 =	sld [smem:$0x3FB4];
	_ =	sdelay $0x3  }
0x33: {  	p0 =	seq.s32 s10, $0x1;
	s10 =	sld [smem:$0x3FB6];
	_ =	sdelay $0x3  }
0x34: {  	[smem:$0x3FB6] =	sst s10  }
0x35: {  	s10 =	sld [smem:$0x3FB5];
	_ =	sdelay $0x3  }
0x36: {  	p1 =	seq.s32 s10, $0x1;
	s10 =	sld [smem:$0x3FB6];
	_ =	sdelay $0x3  }
0x37: {  	[smem:$0x3FB6] =	sst s10  }
0x38: {  	s10 =	sld [smem:$0x3FB7]  }
0x39: {  	_ = 	snop;
	(pc) =	sbr.ind lr, $3  }
0x3a: {  	_ = 	snop  }
0x3b: {  	_ = 	snop  }
0x3c: {  	p2 =	seq.s32 s10, $0x1;
	s10 =	sld [smem:$0x3FB6]  }
0x3d: {  	_ =	shalt  }
0x3e: {  	_ =	shalt  }
0x3f: {  	_ =	shalt  }
0x40: {  	_ =	shalt  }
0x41: {  	_ =	shalt  }
0x42: {  	_ =	shalt  }
0x43: {  	_ =	shalt  }
0x44: {  	_ =	shalt  }
0x45: {  	_ =	shalt  }
0x46: {  	_ =	shalt  }
0x47: {  	_ =	shalt  }
0x48: {  	_ =	shalt  }
0x49: {  	_ =	shalt  }
0x4a: {  	_ =	shalt  }
0x4b: {  	_ =	shalt  }
0x4c: {  	_ =	shalt  }
0x4d: {  	_ =	shalt  }
0x4e: {  	_ =	shalt  }
0x4f: {  	_ =	shalt  }
0x50: {  	_ =	shalt  }
0x51: {  	_ =	shalt  }
0x52: {  	_ =	shalt  }
0x53: {  	_ =	shalt  }
0x54: {  	_ =	shalt  }
0x55: {  	_ =	shalt  }
0x56: {  	_ =	shalt  }
0x57: {  	_ =	shalt  }
0x58: {  	_ =	shalt  }
0x59: {  	_ =	shalt  }
0x5a: {  	_ =	shalt  }
0x5b: {  	_ =	shalt  }
0x5c: {  	_ =	shalt  }
0x5d: {  	_ =	shalt  }
0x5e: {  	_ =	shalt  }
0x5f: {  	_ =	shalt  }
0x60: {  	_ =	shalt  }
0x61: {  	_ =	shalt  }
0x62: {  	_ =	shalt  }
0x63: {  	_ =	shalt  }
0x64: {  	_ =	shalt  }
0x65: {  	_ =	shalt  }
0x66: {  	_ =	shalt  }
0x67: {  	_ =	shalt  }
0x68: {  	_ =	shalt  }
0x69: {  	_ =	shalt  }
0x6a: {  	_ =	shalt  }
0x6b: {  	_ =	shalt  }
0x6c: {  	_ =	shalt  }
0x6d: {  	_ =	shalt  }
0x6e: {  	_ =	shalt  }
0x6f: {  	_ =	shalt  }
0x70: {  	_ =	shalt  }
0x71: {  	_ =	shalt  }
0x72: {  	_ =	shalt  }
0x73: {  	_ =	shalt  }
0x74: {  	_ =	shalt  }
0x75: {  	_ =	shalt  }
0x76: {  	_ =	shalt  }
0x77: {  	_ =	shalt  }
0x78: {  	_ =	shalt  }
0x79: {  	_ =	shalt  }
0x7a: {  	_ =	shalt  }
0x7b: {  	_ =	shalt  }
0x7c: {  	_ =	shalt  }
0x7d: {  	_ =	shalt  }
0x7e: {  	_ =	shalt  }
0x7f: {  	_ =	shalt  }
0x80: {  	_ =	shalt  }
0x81: {  	_ =	shalt  }
0x82: {  	_ =	shalt  }
0x83: {  	_ =	shalt  }
0x84: {  	_ =	shalt  }
0x85: {  	_ =	shalt  }
0x86: {  	_ =	shalt  }
0x87: {  	_ =	shalt  }
.Lfunc_end0:
.L_simem_size_0:
called_computation_lowered:
.L_overlay_start_0:
0x88: {  	s2 =	sld [smem:$0x3FD9]  }
0x89: {  	s3 =	sld [smem:$0x3FFE];
	_ =	sdelay $0x1  }
0x8a: {  	s1 =	srdreg.scid  }
0x8b: {  	s0 =	sand.u32 $0x1, s1  }
0x8c: {  	s17 =	sshll.u32 s0, $0xA;
	s2 =	sadd.s32 s3, s2  }
0x8d: {  	s2 =	sadd.s32 s2, s17  }
0x8e: {  	[smem:$0x3FC2] =	sst s2  }
0x8f: {  	_ = 	snop  }
0x90: {  	s2 =	sld [smem:$0x3FD0];
	(tm) =	ssettm $0x1  }
0x91: {  	s18 =	sld [smem:$0x3FFB];
	_ =	sdelay $0x3  }
0x92: {  	_ =	strace s18  }
0x93: {  	s3 =	sld [smem:$0x3FFC];
	_ =	sdelay $0x3  }
0x94: {  	_ =	strace s3  }
0x95: {  	s3 =	sld [smem:$0x3FFD];
	_ =	sdelay $0x3  }
0x96: {  	_ =	strace s3  }
0x97: {  	_ =	strace $0x8FFFFFFF  }
0x98: {  	s19 =	sld [smem:$0x3FDB];
	_ =	sdelay $0x1  }
0x99: {  	s4 =	simm.s32 $_scs_section_size  }
0x9a: {  	s5 =	simm.s32 $_size__tile_overlayer_lowered;
	s6 =	simm.s32 $_tile_overlayer_lowered  }
0x9b: {  	s22 =	simm.s32 $0x1BFF;
	s21 =	sshll.u32 s6, $0x1;
	s3 =	sadd.s32 s4, s19  }
0x9c: {  	s7 =	simm.s32 $0x0;
	s20 =	sshll.u32 s5, $0x1;
	s5 =	sadd.s32 s21, s3  }
0x9d: {  	[timem:s7], [sflag:s22] =	dma.local [hbm:s5], s20  }
0x9e: {  	_ =	swait.ge [sflag:s22], s20  }
0x9f: {  	s4 =	ssub.s32 $0x0, s20;
	[sflag:s22] =	ssyncset.done $0x0  }
0xa0: {  	[sflag:s22] =	ssyncadd.s32 s4;
	_ =	sdelay $0x1  }
0xa1: {  	s23 =	simm.s32 $0x1B8B  }
0xa2: {  	_ =	swait.ge [sflag:s23], $0x1  }
0xa3: {  	[sflag:s23] =	ssyncset.done $0x0  }
0xa4: {  	s25 =	simm.s32 $0x1B8E;
	s24 =	sld [smem:$0x3FFE];
	[sflag:s23] =	ssyncadd.s32 $0xFFFFFFFF  }
0xa5: {  	s26 =	simm.s32 $execute0_lowered;
	[smem:$0x3FD2] =	sst s25  }
0xa6: {  	s5 =	sshll.u32 s26, $0x1;
	_ =	strace $0x80000046;
	[dreg:$0x1] =	wrdreg $0xFFFFFFFF  }
0xa7: {  	s28 =	simm.s32 $_size_execute0_lowered;
	s3 =	sadd.s32 s3, s5;
	[dreg:$0x0] =	wrdreg $0x0  }
0xa8: {  	s5 =	sshll.u32 s28, $0x1;
	[dreg:$0x2] =	wrdreg s3  }
0xa9: {  	[dreg:$0x3] =	wrdreg s5  }
0xaa: {  	[dreg:$0x4] =	wrdreg $0xC0  }
0xab: {  	_ =	task [dreg:s7], $0x5FFFF  }
0xac: {  	[dreg:$0x1] =	wrdreg $0xFFFFFFFF  }
0xad: {  	[dreg:$0x0] =	wrdreg $0x60  }
0xae: {  	[dreg:$0x2] =	wrdreg s24  }
0xaf: {  	[dreg:$0x3] =	wrdreg s2  }
0xb0: {  	[dreg:$0x4] =	wrdreg $0xDA00  }
0xb1: {  	[dreg:$0x5] =	wrdreg $0x35A00  }
0xb2: {  	[dreg:$0x6] =	wrdreg $0x9  }
0xb3: {  	_ =	task.clear_ibuf [dreg:s7], $0x7FFFF;
	_ =	strace $0x90000046  }
0xb4: {  	s29 =	simm.s32 $0x9;
	_ =	strace $0x80000048  }
0xb5: {  	_ =	swait.ge [sflag:s29], $0x1  }
0xb6: {  	[sflag:s29] =	ssyncadd.s32 $0xFFFFFFFF  }
0xb7: {  	_ =	strace $0x90000048  }
0xb8: {  	_ =	sfence  }
0xb9: {  	s30 =	sld [smem:$0x0];
	_ =	sdelay $0x2  }
0xba: {  	s31 =	sshll.u32 s1, $0xD;
	s1 =	sshrl.u32 s1, $0x2  }
0xbb: {  	s3 =	sand.u32 $0x4000, s31;
	s1 =	sadd.s32 s1, s30  }
0xbc: {  	s0 =	sor.u32 s3, s0;
	s1 =	sshll.u32 s1, $0x11  }
0xbd: {  	s0 =	sor.u32 s1, s0  }
0xbe: {  	s0 =	sadd.s32 $0x8F2B, s0  }
0xbf: {  	[sflag:s0] =	ssyncadd.remote.s32 $0x1  }
0xc0: {  	_ =	sfence.sel $0xFFFF  }
0xc1: {  	[dreg:$0x0] =	wrdreg $0xFFFFFFFF;
	(pc) =	sbr.abs _section_cstart, $3  }
0xc2: {  	[dreg:$0x1] =	wrdreg $0xFFFFFFFF  }
0xc3: {  	_ =	task.clear_ibuf [dreg:s7], $0x2FFFF;
	_ =	strace $0x9FFFFFFF  }
0xc4: {  	(tm) =	ssettm $0x7FFFFFFF  }
0xc5: {  	_ =	shalt  }
tec
execute0_lowered:
.L_overlay_start_1:
0x0: {  	(tag) =	ssettag $0x1  }
0x1: {  	s0 =	rddreg [dreg:$0x0]  }
0x2: {  	s1 =	rddreg [dreg:$0x1];
	s3 =	srdreg.scid  }
0x3: {  	s2 =	rddreg [dreg:$0x2];
	s9 =	stileid.u32;
	s4 =	simm.s32 $0x0  }
0x4: {  	s5 =	sand.u32 $0x1, s3;
	s3 =	rddreg [dreg:$0x3];
	s7 =	smul.u32 $0x2710, s9  }
0x5: {  	s31 =	simm.s32 $0x5A0;
	[smem:$0x7FF] =	sst s4;
	s9 =	smul.u32 $0x2800, s9  }
0x6: {  	s18 =	sadd.s32 $0x15E00, s0;
	s8 =	sadd.s32 $0x15C00, s0;
	s6 =	smul.u32 $0x27100, s5  }
0x7: {  	_ =	strace $0x80000047;
	[dreg:$0x5] =	wrdreg s18;
	s19 =	ssub.s32 $0x2, s5  }
0x8: {  	[dreg:$0x6] =	wrdreg s8;
	s5 =	smul.u32 $0x28000, s5;
	s20 =	sshrl.u32 s19, $0x1  }
0x9: {  	s8 =	sadd.s32 s9, s3;
	s22 =	sadd.s32 $0x1000, s9;
	s24 =	sadd.s32 $0x1800, s9  }
0xa: {  	s6 =	sadd.s32 s7, s6;
	s10 =	ssub.s32 s19, s20;
	s7 =	sadd.s32 s9, s2  }
0xb: {  	s20 =	sadd.s32 $0x800, s9;
	s11 =	sadd.s32 s9, s5;
	s9 =	sadd.s32 $0x2000, s9  }
0xc: {  	s21 =	sadd.s32 s5, s22;
	s15 =	sadd.s32 s5, s24;
	s6 =	sshrl.u32 s6, $0x3  }
0xd: {  	s11 =	sshrl.u32 s11, $0x3;
	s12 =	sadd.s32 s5, s20;
	s14 =	sshrl.u32 s21, $0x3  }
0xe: {  	s16 =	sshrl.u32 s15, $0x3;
	s5 =	sadd.s32 s5, s9;
	s19 =	sadd.s32 s20, s2  }
0xf: {  	s20 =	sadd.s32 s20, s3;
	s21 =	sadd.s32 s22, s2;
	s22 =	sadd.s32 s22, s3  }
0x10: {  	s28 =	smax.u32 s10, $0x1;
	s6 =	sadd.s32 s6, s0;
	s0 =	sadd.s32 $0x16000, s0  }
0x11: {  	s13 =	sadd.s32 s1, s11;
	s12 =	sshrl.u32 s12, $0x3;
	s26 =	sadd.s32 s1, s14  }
0x12: {  	s15 =	sadd.s32 s1, s16;
	s5 =	sshrl.u32 s5, $0x3;
	[dreg:$0x7] =	wrdreg s13  }
0x13: {  	s11 =	sadd.s32 s0, s11;
	s23 =	sadd.s32 s1, s12;
	s25 =	sadd.s32 s0, s12  }
0x14: {  	[dreg:$0xb] =	wrdreg s26;
	s14 =	sadd.s32 s0, s14;
	s16 =	sadd.s32 s0, s16  }
0x15: {  	s17 =	sadd.s32 s1, s5;
	s18 =	sadd.s32 s0, s5;
	s26 =	sadd.s32 s9, s3  }
0x16: {  	s29 =	sadd.s32 $0x2000, s6;
	s30 =	sadd.s32 $0xBE00, s6;
	[dreg:$0x8] =	wrdreg s11  }
0x17: {  	s1 =	simm.s32 $0x1;
	s0 =	simm.s32 $0xA0;
	[dreg:$0x9] =	wrdreg s23  }
0x18: {  	s5 =	simm.s32 $0x50;
	s6 =	simm.s32 $0x0;
	[dreg:$0xa] =	wrdreg s25  }
0x19: {  	s23 =	sadd.s32 s24, s2;
	s24 =	sadd.s32 s24, s3;
	s25 =	sadd.s32 s9, s2  }
.LBB2_1:
0x1a: {  	s9 =	rddreg [dreg:$0x5]  }
0x1b: {  	[tilespmem:s31], [sflag:$0x1] =	stream.linear.gather [hbm4b:s9+s4], $0x800, $0x38;
	[tilespmem:$0x5DA0] =	vst v63  }
0x1c: {  	_ =	swait.ge [sflag:s1], $0x800  }
0x1d: {  	[sflag:s1] =	ssyncset.done $0x0  }
0x1e: {  	[sflag:s1] =	ssyncadd.s32 $0xFFFFF800  }
0x1f: {  	[spmem:s7] =	stream.linear.scatter [tilespmem:s31], [sflag:$0x1], $0x800, $0x38;
	[tilespmem:$0x5DA0] =	vst v63  }
0x20: {  	_ =	swait.ge [sflag:s1], $0x800  }
0x21: {  	[sflag:s1] =	ssyncset.done $0x0  }
0x22: {  	[sflag:s1] =	ssyncadd.s32 $0xFFFFF800  }
0x23: {  	[spmem:s8] =	stream.linear.scatter [tilespmem:s31], [sflag:$0x1], $0x800, $0x38;
	[tilespmem:$0x5DA0] =	vst v63  }
0x24: {  	_ =	swait.ge [sflag:s1], $0x800  }
0x25: {  	[sflag:s1] =	ssyncset.done $0x0  }
0x26: {  	[sflag:s1] =	ssyncadd.s32 $0xFFFFF800  }
0x27: {  	[spmem:s19] =	stream.linear.scatter [tilespmem:s31], [sflag:$0x1], $0x800, $0x38;
	[tilespmem:$0x5DA0] =	vst v63  }
0x28: {  	_ =	swait.ge [sflag:s1], $0x800  }
0x29: {  	[sflag:s1] =	ssyncset.done $0x0  }
0x2a: {  	[sflag:s1] =	ssyncadd.s32 $0xFFFFF800  }
0x2b: {  	[spmem:s20] =	stream.linear.scatter [tilespmem:s31], [sflag:$0x1], $0x800, $0x38;
	[tilespmem:$0x5DA0] =	vst v63  }
0x2c: {  	_ =	swait.ge [sflag:s1], $0x800  }
0x2d: {  	[sflag:s1] =	ssyncset.done $0x0  }
0x2e: {  	[sflag:s1] =	ssyncadd.s32 $0xFFFFF800  }
0x2f: {  	[spmem:s21] =	stream.linear.scatter [tilespmem:s31], [sflag:$0x1], $0x800, $0x38;
	[tilespmem:$0x5DA0] =	vst v63  }
0x30: {  	_ =	swait.ge [sflag:s1], $0x800  }
0x31: {  	[sflag:s1] =	ssyncset.done $0x0  }
0x32: {  	[sflag:s1] =	ssyncadd.s32 $0xFFFFF800  }
0x33: {  	[spmem:s22] =	stream.linear.scatter [tilespmem:s31], [sflag:$0x1], $0x800, $0x38;
	[tilespmem:$0x5DA0] =	vst v63  }
0x34: {  	_ =	swait.ge [sflag:s1], $0x800  }
0x35: {  	[sflag:s1] =	ssyncset.done $0x0  }
0x36: {  	[sflag:s1] =	ssyncadd.s32 $0xFFFFF800  }
0x37: {  	[spmem:s23] =	stream.linear.scatter [tilespmem:s31], [sflag:$0x1], $0x800, $0x38;
	[tilespmem:$0x5DA0] =	vst v63  }
0x38: {  	_ =	swait.ge [sflag:s1], $0x800  }
0x39: {  	[sflag:s1] =	ssyncset.done $0x0  }
0x3a: {  	[sflag:s1] =	ssyncadd.s32 $0xFFFFF800  }
0x3b: {  	[spmem:s24] =	stream.linear.scatter [tilespmem:s31], [sflag:$0x1], $0x800, $0x38;
	[tilespmem:$0x5DA0] =	vst v63  }
0x3c: {  	_ =	swait.ge [sflag:s1], $0x800  }
0x3d: {  	[sflag:s1] =	ssyncset.done $0x0  }
0x3e: {  	[sflag:s1] =	ssyncadd.s32 $0xFFFFF800  }
0x3f: {  	[spmem:s25] =	stream.linear.scatter [tilespmem:s31], [sflag:$0x1], $0x800, $0x38;
	[tilespmem:$0x5DA0] =	vst v63  }
0x40: {  	_ =	swait.ge [sflag:s1], $0x800  }
0x41: {  	[sflag:s1] =	ssyncset.done $0x0  }
0x42: {  	[sflag:s1] =	ssyncadd.s32 $0xFFFFF800  }
0x43: {  	[spmem:s26] =	stream.linear.scatter [tilespmem:s31], [sflag:$0x1], $0x800, $0x38;
	[tilespmem:$0x5DA0] =	vst v63  }
0x44: {  	_ =	swait.ge [sflag:s1], $0x800  }
0x45: {  	[sflag:s1] =	ssyncset.done $0x0  }
0x46: {  	s11 =	rddreg [dreg:$0x6];
	[sflag:s1] =	ssyncadd.s32 $0xFFFFF800  }
0x47: {  	[tilespmem:s0], [sflag:$0x1] =	stream.linear.gather [hbm4b:s11+s4], $0x500, $0x38;
	[tilespmem:$0x5DA0] =	vst v63  }
0x48: {  	_ =	swait.ge [sflag:s1], $0x500  }
0x49: {  	[sflag:s1] =	ssyncset.done $0x0  }
0x4a: {  	[sflag:s1] =	ssyncadd.s32 $0xFFFFFB00  }
0x4b: {  	s12 =	sadd.s32 $0x0, s30;
	[bflag:$0x0] =	sbarrier.arrive $0xFFFF  }
0x4c: {  	[tilespmem:s4], [sflag:$0x1] =	stream.linear.gather [hbm4b:s12+s4], $0x50, $0x38;
	[tilespmem:$0x5DA0] =	vst v63  }
0x4d: {  	_ =	swait.ge [sflag:s1], $0x50  }
0x4e: {  	[sflag:s1] =	ssyncset.done $0x0  }
0x4f: {  	s13 =	sadd.s32 $0x0, s29;
	[sflag:s1] =	ssyncadd.s32 $0xFFFFFFB0  }
0x50: {  	[tilespmem:s5], [sflag:$0x1] =	stream.linear.gather [hbm4b:s13+s4], $0x50, $0x38;
	[tilespmem:$0x5DA0] =	vst v63  }
0x51: {  	_ =	swait.ge [sflag:s1], $0x50  }
0x52: {  	[sflag:s1] =	ssyncset.done $0x0  }
0x53: {  	[sflag:s1] =	ssyncadd.s32 $0xFFFFFFB0  }
0x54: {  	[spmem:s2] =	stream.indirect.scatter.add.f32 [tilespmem:s0], [sflag:$0x1], $0x10, s4, s5, $0xb8;
	[tilespmem:$0x5DA0] =	vst v63  }
0x55: {  	_ =	swait.ge [sflag:s1], $0x500  }
0x56: {  	[sflag:s1] =	ssyncset.done $0x0  }
0x57: {  	[sflag:s1] =	ssyncadd.s32 $0xFFFFFB00  }
0x58: {  	[spmem:s3] =	stream.indirect.scatter.add.f32 [tilespmem:s0], [sflag:$0x1], $0x10, s5, s5, $0xb8;
	[tilespmem:$0x5DA0] =	vst v63  }
0x59: {  	_ =	swait.ge [sflag:s1], $0x500  }
0x5a: {  	s10 =	simm.s32 $0x14;
	s9 =	simm.s32 $0xA;
	[sflag:s1] =	ssyncset.done $0x0  }
.LBB2_2:
0x5b: {  	s11 =	sadd.s32 s9, s30  }
0x5c: {  	[sflag:s1] =	ssyncadd.s32 $0xFFFFFB00;
	s12 =	smov.u32 s10;
	s13 =	sadd.s32 $0xA, s10  }
0x5d: {  	[tilespmem:s4], [sflag:$0x1] =	stream.linear.gather [hbm4b:s11+s4], $0x50, $0x38;
	[tilespmem:$0x5DA0] =	vst v63  }
0x5e: {  	p0 =	sne.s32 s10, $0x4D8;
	_ =	swait.ge [sflag:s1], $0x50  }
0x5f: {  	[sflag:s1] =	ssyncset.done $0x0  }
0x60: {  	s10 =	sadd.s32 s9, s29;
	s9 =	smov.u32 s12;
	[sflag:s1] =	ssyncadd.s32 $0xFFFFFFB0  }
0x61: {  	[tilespmem:s5], [sflag:$0x1] =	stream.linear.gather [hbm4b:s10+s4], $0x50, $0x38;
	[tilespmem:$0x5DA0] =	vst v63  }
0x62: {  	_ =	swait.ge [sflag:s1], $0x50  }
0x63: {  	[sflag:s1] =	ssyncset.done $0x0  }
0x64: {  	[sflag:s1] =	ssyncadd.s32 $0xFFFFFFB0  }
0x65: {  	[spmem:s2] =	stream.indirect.scatter.add.f32 [tilespmem:s0], [sflag:$0x1], $0x10, s4, s5, $0xb8;
	[tilespmem:$0x5DA0] =	vst v63  }
0x66: {  	_ =	swait.ge [sflag:s1], $0x500  }
.Ltmp0:
0x67: {  	[sflag:s1] =	ssyncset.done $0x0;
	(pc) =	sbr.rel @p0 .LBB2_2-.Ltmp0, $4  }
0x68: {  	[sflag:s1] =	ssyncadd.s32 $0xFFFFFB00  }
0x69: {  	[spmem:s3] =	stream.indirect.scatter.add.f32 [tilespmem:s0], [sflag:$0x1], $0x10, s5, s5, $0xb8;
	[tilespmem:$0x5DA0] =	vst v63  }
0x6a: {  	_ =	swait.ge [sflag:s1], $0x500  }
0x6b: {  	s10 =	smov.u32 s13;
	[sflag:s1] =	ssyncset.done $0x0  }
0x6c: {  	s10 =	sadd.s32 s9, s30;
	[sflag:s1] =	ssyncadd.s32 $0xFFFFFB00  }
0x6d: {  	[tilespmem:s4], [sflag:$0x1] =	stream.linear.gather [hbm4b:s10+s4], $0x50, $0x38;
	[tilespmem:$0x5DA0] =	vst v63  }
0x6e: {  	_ =	swait.ge [sflag:s1], $0x50  }
0x6f: {  	[sflag:s1] =	ssyncset.done $0x0  }
0x70: {  	s12 =	sadd.s32 s9, s29;
	[sflag:s1] =	ssyncadd.s32 $0xFFFFFFB0  }
0x71: {  	[tilespmem:s5], [sflag:$0x1] =	stream.linear.gather [hbm4b:s12+s4], $0x50, $0x38;
	[tilespmem:$0x5DA0] =	vst v63  }
0x72: {  	_ =	swait.ge [sflag:s1], $0x50  }
0x73: {  	[sflag:s1] =	ssyncset.done $0x0  }
0x74: {  	[sflag:s1] =	ssyncadd.s32 $0xFFFFFFB0  }
0x75: {  	[spmem:s2] =	stream.indirect.scatter.add.f32 [tilespmem:s0], [sflag:$0x1], $0x10, s4, s5, $0xb8;
	[tilespmem:$0x5DA0] =	vst v63  }
0x76: {  	_ =	swait.ge [sflag:s1], $0x500  }
0x77: {  	[sflag:s1] =	ssyncset.done $0x0  }
0x78: {  	[sflag:s1] =	ssyncadd.s32 $0xFFFFFB00  }
0x79: {  	[spmem:s3] =	stream.indirect.scatter.add.f32 [tilespmem:s0], [sflag:$0x1], $0x10, s5, s5, $0xb8;
	[tilespmem:$0x5DA0] =	vst v63  }
0x7a: {  	_ =	swait.ge [sflag:s1], $0x500  }
0x7b: {  	[sflag:s1] =	ssyncset.done $0x0  }
0x7c: {  	[sflag:s1] =	ssyncadd.s32 $0xFFFFFB00  }
0x7d: {  	[bflag:$0x0] =	sbarrier.arrive $0xFFFF  }
0x7e: {  	[tilespmem:s31], [sflag:$0x1] =	stream.linear.gather [spmem:s7], $0x800, $0x38;
	[tilespmem:$0x5DA0] =	vst v63  }
0x7f: {  	_ =	swait.ge [sflag:s1], $0x800  }
0x80: {  	[sflag:s1] =	ssyncset.done $0x0  }
0x81: {  	s13 =	rddreg [dreg:$0x7];
	[sflag:s1] =	ssyncadd.s32 $0xFFFFF800  }
0x82: {  	[hbm4b:s13+s4] =	stream.linear.scatter [tilespmem:s31], [sflag:$0x1], $0x800, $0x38;
	[tilespmem:$0x5DA0] =	vst v63  }
0x83: {  	_ =	swait.ge [sflag:s1], $0x800  }
0x84: {  	[sflag:s1] =	ssyncset.done $0x0  }
0x85: {  	[sflag:s1] =	ssyncadd.s32 $0xFFFFF800  }
0x86: {  	[tilespmem:s31], [sflag:$0x1] =	stream.linear.gather [spmem:s8], $0x800, $0x38;
	[tilespmem:$0x5DA0] =	vst v63  }
0x87: {  	_ =	swait.ge [sflag:s1], $0x800  }
0x88: {  	[sflag:s1] =	ssyncset.done $0x0  }
0x89: {  	s10 =	rddreg [dreg:$0x8];
	[sflag:s1] =	ssyncadd.s32 $0xFFFFF800  }
0x8a: {  	[hbm4b:s10+s4] =	stream.linear.scatter [tilespmem:s31], [sflag:$0x1], $0x800, $0x38;
	[tilespmem:$0x5DA0] =	vst v63  }
0x8b: {  	_ =	swait.ge [sflag:s1], $0x800  }
0x8c: {  	[sflag:s1] =	ssyncset.done $0x0  }
0x8d: {  	[sflag:s1] =	ssyncadd.s32 $0xFFFFF800  }
0x8e: {  	[tilespmem:s31], [sflag:$0x1] =	stream.linear.gather [spmem:s19], $0x800, $0x38;
	[tilespmem:$0x5DA0] =	vst v63  }
0x8f: {  	_ =	swait.ge [sflag:s1], $0x800  }
0x90: {  	[sflag:s1] =	ssyncset.done $0x0  }
0x91: {  	s11 =	rddreg [dreg:$0x9];
	[sflag:s1] =	ssyncadd.s32 $0xFFFFF800  }
0x92: {  	[hbm4b:s11+s4] =	stream.linear.scatter [tilespmem:s31], [sflag:$0x1], $0x800, $0x38;
	[tilespmem:$0x5DA0] =	vst v63  }
0x93: {  	_ =	swait.ge [sflag:s1], $0x800  }
0x94: {  	[sflag:s1] =	ssyncset.done $0x0  }
0x95: {  	[sflag:s1] =	ssyncadd.s32 $0xFFFFF800  }
0x96: {  	[tilespmem:s31], [sflag:$0x1] =	stream.linear.gather [spmem:s20], $0x800, $0x38;
	[tilespmem:$0x5DA0] =	vst v63  }
0x97: {  	_ =	swait.ge [sflag:s1], $0x800  }
0x98: {  	[sflag:s1] =	ssyncset.done $0x0  }
0x99: {  	s12 =	rddreg [dreg:$0xa];
	[sflag:s1] =	ssyncadd.s32 $0xFFFFF800  }
0x9a: {  	[hbm4b:s12+s4] =	stream.linear.scatter [tilespmem:s31], [sflag:$0x1], $0x800, $0x38;
	[tilespmem:$0x5DA0] =	vst v63  }
0x9b: {  	_ =	swait.ge [sflag:s1], $0x800  }
0x9c: {  	[sflag:s1] =	ssyncset.done $0x0  }
0x9d: {  	[sflag:s1] =	ssyncadd.s32 $0xFFFFF800  }
0x9e: {  	[tilespmem:s31], [sflag:$0x1] =	stream.linear.gather [spmem:s21], $0x800, $0x38;
	[tilespmem:$0x5DA0] =	vst v63  }
0x9f: {  	_ =	swait.ge [sflag:s1], $0x800  }
0xa0: {  	[sflag:s1] =	ssyncset.done $0x0  }
0xa1: {  	s13 =	rddreg [dreg:$0xb];
	[sflag:s1] =	ssyncadd.s32 $0xFFFFF800  }
0xa2: {  	[hbm4b:s13+s4] =	stream.linear.scatter [tilespmem:s31], [sflag:$0x1], $0x800, $0x38;
	[tilespmem:$0x5DA0] =	vst v63  }
0xa3: {  	_ =	swait.ge [sflag:s1], $0x800  }
0xa4: {  	[sflag:s1] =	ssyncset.done $0x0  }
0xa5: {  	[sflag:s1] =	ssyncadd.s32 $0xFFFFF800  }
0xa6: {  	[tilespmem:s31], [sflag:$0x1] =	stream.linear.gather [spmem:s22], $0x800, $0x38;
	[tilespmem:$0x5DA0] =	vst v63  }
0xa7: {  	_ =	swait.ge [sflag:s1], $0x800  }
0xa8: {  	[sflag:s1] =	ssyncset.done $0x0  }
0xa9: {  	[sflag:s1] =	ssyncadd.s32 $0xFFFFF800  }
0xaa: {  	[hbm4b:s14+s4] =	stream.linear.scatter [tilespmem:s31], [sflag:$0x1], $0x800, $0x38;
	[tilespmem:$0x5DA0] =	vst v63  }
0xab: {  	_ =	swait.ge [sflag:s1], $0x800  }
0xac: {  	[sflag:s1] =	ssyncset.done $0x0  }
0xad: {  	[sflag:s1] =	ssyncadd.s32 $0xFFFFF800  }
0xae: {  	[tilespmem:s31], [sflag:$0x1] =	stream.linear.gather [spmem:s23], $0x800, $0x38;
	[tilespmem:$0x5DA0] =	vst v63  }
0xaf: {  	_ =	swait.ge [sflag:s1], $0x800  }
0xb0: {  	[sflag:s1] =	ssyncset.done $0x0  }
0xb1: {  	[sflag:s1] =	ssyncadd.s32 $0xFFFFF800  }
0xb2: {  	[hbm4b:s15+s4] =	stream.linear.scatter [tilespmem:s31], [sflag:$0x1], $0x800, $0x38;
	[tilespmem:$0x5DA0] =	vst v63  }
0xb3: {  	_ =	swait.ge [sflag:s1], $0x800  }
0xb4: {  	[sflag:s1] =	ssyncset.done $0x0  }
0xb5: {  	[sflag:s1] =	ssyncadd.s32 $0xFFFFF800  }
0xb6: {  	[tilespmem:s31], [sflag:$0x1] =	stream.linear.gather [spmem:s24], $0x800, $0x38;
	[tilespmem:$0x5DA0] =	vst v63  }
0xb7: {  	_ =	swait.ge [sflag:s1], $0x800  }
0xb8: {  	[sflag:s1] =	ssyncset.done $0x0  }
0xb9: {  	[sflag:s1] =	ssyncadd.s32 $0xFFFFF800  }
0xba: {  	[hbm4b:s16+s4] =	stream.linear.scatter [tilespmem:s31], [sflag:$0x1], $0x800, $0x38;
	[tilespmem:$0x5DA0] =	vst v63  }
0xbb: {  	_ =	swait.ge [sflag:s1], $0x800  }
0xbc: {  	[sflag:s1] =	ssyncset.done $0x0  }
0xbd: {  	[sflag:s1] =	ssyncadd.s32 $0xFFFFF800  }
0xbe: {  	[tilespmem:s31], [sflag:$0x1] =	stream.linear.gather [spmem:s25], $0x800, $0x38;
	[tilespmem:$0x5DA0] =	vst v63  }
0xbf: {  	_ =	swait.ge [sflag:s1], $0x800  }
0xc0: {  	[sflag:s1] =	ssyncset.done $0x0  }
0xc1: {  	[sflag:s1] =	ssyncadd.s32 $0xFFFFF800  }
0xc2: {  	[hbm4b:s17+s4] =	stream.linear.scatter [tilespmem:s31], [sflag:$0x1], $0x800, $0x38;
	[tilespmem:$0x5DA0] =	vst v63  }
0xc3: {  	_ =	swait.ge [sflag:s1], $0x800  }
0xc4: {  	[sflag:s1] =	ssyncset.done $0x0  }
0xc5: {  	[sflag:s1] =	ssyncadd.s32 $0xFFFFF800  }
0xc6: {  	[tilespmem:s31], [sflag:$0x1] =	stream.linear.gather [spmem:s26], $0x800, $0x38;
	[tilespmem:$0x5DA0] =	vst v63  }
0xc7: {  	s6 =	sadd.s32 $0x1, s6;
	_ =	swait.ge [sflag:s1], $0x800  }
0xc8: {  	p0 =	sne.s32 s6, s28;
	[sflag:s1] =	ssyncset.done $0x0  }
.Ltmp1:
0xc9: {  	[sflag:s1] =	ssyncadd.s32 $0xFFFFF800;
	(pc) =	sbr.rel @p0 .LBB2_1-.Ltmp1, $4  }
0xca: {  	[hbm4b:s18+s4] =	stream.linear.scatter [tilespmem:s31], [sflag:$0x1], $0x800, $0x38;
	[tilespmem:$0x5DA0] =	vst v63  }
0xcb: {  	_ =	swait.ge [sflag:s1], $0x800  }
0xcc: {  	[sflag:s1] =	ssyncset.done $0x0  }
0xcd: {  	[sflag:s1] =	ssyncadd.s32 $0xFFFFF800  }
0xce: {  	_ =	sfence.sel $0x180000  }
0xcf: {  	[bflag:$0x0] =	sbarrier.arrive $0xFFFF  }
0xd0: {  	_ =	strace $0x90000047  }
0xd1: {  	s0 =	stileid.u32;
	[bflag:$0x2] =	sbarrier.arrive $0xFFFF  }
0xd2: {  	p0 =	sne.s32 s0, $0x0;
	s0 =	rddreg [dreg:$0x4]  }
0xd3: {  	s0 =	sadd.s32 @!p0 $0x100000, s0  }
0xd4: {  	[sflag:s0] =	ssyncadd.tile.s32 @!p0 $0x1;
	_ =	shalt  }
.Lfunc_end2:
_tile_overlayer_lowered:
.L_overlay_start_2:
0xd5: {  	(tag) =	ssettag $0x2  }
0xd6: {  	s0 =	rddreg [dreg:$0x0];
	s2 =	stileid.u32  }
0xd7: {  	s1 =	rddreg [dreg:$0x1];
	p0 =	sne.s32 s2, $0x0  }
0xd8: {  	s3 =	rddreg [dreg:$0x2];
	[bflag:$0x3] =	sbarrier.arrive $0xFFFF;
	s2 =	simm.s32 @!p0 $0x1C01  }
0xd9: {  	[timem:s3], [sflag:s2] =	dma.local @!p0 [hbm:s0], s1  }
0xda: {  	s0 =	simm.s32 @!p0 $0x1  }
0xdb: {  	_ =	swait.ge @!p0 [sflag:s0], s1  }
0xdc: {  	s1 =	ssub.s32 @!p0 $0x0, s1;
	[sflag:s0] =	ssyncset.done @!p0 $0x0  }
0xdd: {  	[sflag:s0] =	ssyncadd.s32 @!p0 s1  }
0xde: {  	[bflag:$0x3] =	sbarrier.arrive $0xFFFF  }
0xdf: {  	_ =	shalt  }

</sc_bundles>
